<compile_context>
chip_gen: v7x
topology: tpu7x:2x2x1
jax: 0.10.2.dev20260603
libtpu: 0.0.44.dev20260713+nightly
codegen_flags: <defaults>
</compile_context>

<pallas_src>
import functools

import jax
import jax.numpy as jnp
from jax import lax
from jax.experimental import pallas as pl
from jax.experimental.pallas import tpu as pltpu
from jax.experimental.pallas import tpu_sc as plsc

NC = 2
NS = 16
CH = 80


def _sc_mesh():
  return plsc.VectorSubcoreMesh(
      core_axis_name="c", subcore_axis_name="s",
      num_cores=NC, num_subcores=NS)


def _make_sc_segment(E, N, H, with_gather):
  HH = H // NC
  rows_per_tile = E // NS
  nchunk = rows_per_tile // CH
  npad = ((N + 8 * NS - 1) // (8 * NS)) * (8 * NS)
  zrows = npad // NS

  out_shape = (E, H) if with_gather else (N, H)

  assert nchunk % 2 == 1

  scratch = [
      pltpu.VMEM((nchunk, CH), jnp.int32),
      pltpu.VMEM((CH, HH), jnp.float32),
      pltpu.VMEM((CH, HH), jnp.float32),
      pltpu.VMEM_SHARED((npad, HH), jnp.float32),
      pltpu.SemaphoreType.DMA,
      pltpu.SemaphoreType.DMA,
  ]

  @functools.partial(
      pl.kernel,
      out_type=jax.ShapeDtypeStruct(out_shape, jnp.float32),
      mesh=_sc_mesh(),
      scratch_types=scratch,
  )
  def body(msg_hbm, dst_hbm, src_hbm, zero_hbm, out_hbm,
           idx_v, buf0, buf1, acc, sem0, sem1):
    c = lax.axis_index("c")
    s = lax.axis_index("s")
    col0 = c * HH
    pltpu.sync_copy(zero_hbm, acc.at[pl.ds(s * zrows, zrows)])
    pltpu.sync_copy(dst_hbm.at[s], idx_v)
    plsc.subcore_barrier()

    row0 = s * rows_per_tile

    def in_slice(k):
      return msg_hbm.at[pl.ds(row0 + k * CH, CH), pl.ds(col0, HH)]

    def drain_in(buf, sem):
      pltpu.make_async_copy(in_slice(0), buf, sem).wait()

    pltpu.async_copy(in_slice(0), buf0, sem0)
    pltpu.async_copy(in_slice(1), buf1, sem1)

    def scatter_pair(p, carry):
      k0 = 2 * p

      def one(k, buf, sem):
        drain_in(buf, sem)
        pltpu.sync_copy(buf, acc.at[idx_v.at[k]], add=True)

        @pl.when(k + 2 < nchunk)
        def _():
          pltpu.async_copy(in_slice(k + 2), buf, sem)

      one(k0, buf0, sem0)
      one(k0 + 1, buf1, sem1)
      return carry

    lax.fori_loop(0, nchunk // 2, scatter_pair, 0)
    drain_in(buf0, sem0)
    pltpu.sync_copy(buf0, acc.at[idx_v.at[nchunk - 1]], add=True)
    plsc.subcore_barrier()

    if with_gather:
      pltpu.sync_copy(src_hbm.at[s], idx_v)
      def out_slice(k):
        return out_hbm.at[pl.ds(row0 + k * CH, CH), pl.ds(col0, HH)]

      def drain_out(buf, sem):
        pltpu.make_async_copy(buf, out_slice(0), sem).wait()

      def gather_pair(p, carry):
        k0 = 2 * p

        def one(k, buf, sem):
          @pl.when(k >= 2)
          def _():
            drain_out(buf, sem)

          pltpu.sync_copy(acc.at[idx_v.at[k]], buf)
          pltpu.async_copy(buf, out_slice(k), sem)

        one(k0, buf0, sem0)
        one(k0 + 1, buf1, sem1)
        return carry

      lax.fori_loop(0, nchunk // 2, gather_pair, 0)
      drain_out(buf0, sem0)
      pltpu.sync_copy(acc.at[idx_v.at[nchunk - 1]], buf0)
      pltpu.async_copy(buf0, out_slice(nchunk - 1), sem0)
      drain_out(buf0, sem0)
      drain_out(buf1, sem1)
    else:
      tail = N - (NS - 1) * zrows

      @pl.when(s < NS - 1)
      def _():
        pltpu.sync_copy(
            acc.at[pl.ds(s * zrows, zrows)],
            out_hbm.at[pl.ds(s * zrows, zrows), pl.ds(col0, HH)])

      @pl.when(s == NS - 1)
      def _():
        pltpu.sync_copy(
            acc.at[pl.ds((NS - 1) * zrows, tail)],
            out_hbm.at[pl.ds((NS - 1) * zrows, tail), pl.ds(col0, HH)])

  return body


def _tc_init(E, H, d_edge):
  RB = 2000
  grid = (E // RB,)

  def body(ea_ref, wiT_ref, li_ref, msg_ref):
    li = jnp.dot(ea_ref[...], wiT_ref[...],
                 preferred_element_type=jnp.float32)
    li_ref[...] = li.astype(jnp.bfloat16)
    msg_ref[...] = jnp.maximum(li, 0.0)

  return pl.pallas_call(
      body,
      grid=grid,
      in_specs=[
          pl.BlockSpec((RB, d_edge), lambda i: (i, 0)),
          pl.BlockSpec((d_edge, H), lambda i: (0, 0)),
      ],
      out_specs=[
          pl.BlockSpec((RB, H), lambda i: (i, 0)),
          pl.BlockSpec((RB, H), lambda i: (i, 0)),
      ],
      out_shape=[
          jax.ShapeDtypeStruct((E, H), jnp.bfloat16),
          jax.ShapeDtypeStruct((E, H), jnp.float32),
      ],
  )


def _tc_update(E, H):
  RB = 1600
  nb = E // RB
  shift = (E // 2) // RB

  def body(li_ref, g_ref, mrev_ref, whT_ref, out_ref):
    xv = g_ref[...] - mrev_ref[...]
    acc = jnp.dot(xv, whT_ref[...], preferred_element_type=jnp.float32)
    out_ref[...] = jnp.maximum(li_ref[...].astype(jnp.float32) + acc, 0.0)

  return pl.pallas_call(
      body,
      grid=(nb,),
      in_specs=[
          pl.BlockSpec((RB, H), lambda i: (i, 0)),
          pl.BlockSpec((RB, H), lambda i: (i, 0)),
          pl.BlockSpec((RB, H), lambda i: ((i + shift) % nb, 0)),
          pl.BlockSpec((H, H), lambda i: (0, 0)),
      ],
      out_specs=pl.BlockSpec((RB, H), lambda i: (i, 0)),
      out_shape=jax.ShapeDtypeStruct((E, H), jnp.float32),
  )


def _tc_final(N, H, d_node):
  RB = 1000
  nb = N // RB

  def body(x_ref, nn_ref, woxT_ref, wohT_ref, bo_ref, out_ref):
    i = pl.program_id(0)
    a = (jnp.dot(x_ref[...], woxT_ref[...],
                 preferred_element_type=jnp.float32)
         + jnp.dot(nn_ref[...], wohT_ref[...],
                   preferred_element_type=jnp.float32)
         + bo_ref[...])
    part = jnp.sum(jnp.maximum(a, 0.0), axis=0, keepdims=True)

    @pl.when(i == 0)
    def _():
      out_ref[...] = jnp.zeros_like(out_ref)

    out_ref[...] += part

    @pl.when(i == nb - 1)
    def _():
      out_ref[...] = out_ref[...] * (1.0 / N)

  return pl.pallas_call(
      body,
      grid=(nb,),
      in_specs=[
          pl.BlockSpec((RB, d_node), lambda i: (i, 0)),
          pl.BlockSpec((RB, H), lambda i: (i, 0)),
          pl.BlockSpec((d_node, H), lambda i: (0, 0)),
          pl.BlockSpec((H, H), lambda i: (0, 0)),
          pl.BlockSpec((1, H), lambda i: (0, 0)),
      ],
      out_specs=pl.BlockSpec((1, H), lambda i: (0, 0)),
      out_shape=jax.ShapeDtypeStruct((1, H), jnp.float32),
  )


def kernel(x, edge_index, edge_attr, W_i, W_h, W_o, b_o):
  N, d_node = x.shape
  E, d_edge = edge_attr.shape
  H = W_i.shape[0]
  depth = 4

  d_pad = 64
  edge_attr = jnp.pad(edge_attr, ((0, 0), (0, d_pad - d_edge)))
  W_i = jnp.pad(W_i, ((0, 0), (0, d_pad - d_edge)))
  d_edge = d_pad

  src = edge_index[0]
  dst = edge_index[1]
  nchunk = E // NS // CH
  dst3d = dst.reshape(NS, nchunk, CH)
  src3d = src.reshape(NS, nchunk, CH)
  npad = ((N + 8 * NS - 1) // (8 * NS)) * (8 * NS)
  zeros = jnp.zeros((npad // NS, H // NC), jnp.float32)

  wiT = W_i.T
  whT = W_h.T
  woxT = W_o[:, :d_node].T
  wohT = W_o[:, d_node:].T
  bo2d = b_o.reshape(1, H)

  sc_gather = _make_sc_segment(E, N, H, with_gather=True)
  sc_reduce = _make_sc_segment(E, N, H, with_gather=False)

  line_input, msg = _tc_init(E, H, d_edge)(edge_attr, wiT)
  update = _tc_update(E, H)
  for _ in range(depth - 1):
    gath = sc_gather(msg, dst3d, src3d, zeros)
    msg = update(line_input, gath, msg, whT)

  node_nei = sc_reduce(msg, dst3d, src3d, zeros)
  return _tc_final(N, H, d_node)(x, node_nei, woxT, wohT, bo2d)

# --- scband reference (transcript-rebuilt; emitter-appended) ---
"""Pipeline reference for scband-mpn-27934467293756 (READ-ONLY COPY).

The authoritative reference and input builder live on the scoring server;
editing this copy changes nothing except your own understanding.
"""

import jax, jax.numpy as jnp
import numpy as np

N = 10000
E_HALF = 80000
E = 160000
D_NODE = 39
D_EDGE = 50
H = 256
DEPTH = 4


def setup_inputs(seed: int = 0) -> dict:
    key = jax.random.key(seed)
    k1, k2, k3, k4, k5, k6, k7 = jax.random.split(key, 7)
    x = jax.random.normal(k1, (N, D_NODE), dtype=jnp.float32)
    # Directed molecular graph with explicit reverse edges: edge e and edge
    # (e + E//2) % E are reverses of each other. No self-loops.
    src = jax.random.randint(k2, (E_HALF,), 0, N)
    off = jax.random.randint(k3, (E_HALF,), 1, N)
    dst = (src + off) % N
    edge_index = jnp.stack([jnp.concatenate([src, dst]),
                            jnp.concatenate([dst, src])]).astype(jnp.int32)
    edge_attr = jax.random.normal(k4, (E, D_EDGE), dtype=jnp.float32)
    # Learned parameters (PyTorch nn.Linear convention: y = x @ W.T + b)
    W_i = (jax.random.normal(k5, (H, D_EDGE), dtype=jnp.float32)
           / np.sqrt(D_EDGE))
    W_h = (jax.random.normal(k6, (H, H), dtype=jnp.float32) / np.sqrt(H))
    W_o = (jax.random.normal(k7, (H, D_NODE + H), dtype=jnp.float32)
           / np.sqrt(D_NODE + H))
    b_o = jnp.zeros((H,), dtype=jnp.float32)
    return {"x": x, "edge_index": edge_index, "edge_attr": edge_attr,
            "W_i": W_i, "W_h": W_h, "W_o": W_o, "b_o": b_o}


def reference(x, edge_index, edge_attr, W_i, W_h, W_o, b_o):
    src = edge_index[0]
    dst = edge_index[1]
    n_nodes = x.shape[0]
    n_edges = edge_attr.shape[0]
    # Reverse-edge index: construction guarantees rev(e) = (e + E/2) % E,
    # which realizes dgl.line_graph(backtracking=False) semantics:
    # line-graph neighbors of directed edge e=(u,v) are all e'=(w,u) except
    # the backtracking edge e'=(v,u)=rev(e).
    rev = (jnp.arange(n_edges) + n_edges // 2) % n_edges
    # line_input = W_i(line_mol_graph.ndata['x'])  (edge feats become line-graph node feats)
    line_input = edge_attr @ W_i.T
    msg = jax.nn.relu(line_input)
    for _ in range(DEPTH - 1):
        # sum of msg over incoming edges at each node (scatter-add)
        node_agg = jax.ops.segment_sum(msg, dst, num_segments=n_nodes)
        # gather at src, subtract backtracking message
        nei_msg = node_agg[src] - msg[rev]
        msg = jax.nn.relu(line_input + nei_msg @ W_h.T)
    # mol_graph.update_all(copy_e('msg'), sum -> 'nei_msg')
    node_nei = jax.ops.segment_sum(msg, dst, num_segments=n_nodes)
    raw_input = jnp.concatenate([x, node_nei], axis=1)
    atom_hiddens = jax.nn.relu(raw_input @ W_o.T + b_o)
    # dgl.mean_nodes on a single graph -> [1, H]
    mol_vecs = jnp.mean(atom_hiddens, axis=0, keepdims=True)
    return mol_vecs

if __name__ == "__main__":
    import jax
    _d = setup_inputs()
    print(jax.jit(kernel)(*tuple(_d.values())))

</pallas_src>

<mosaic_0001>
#map = affine_map<(d0, d1) -> (0, 0)>
#map1 = affine_map<(d0, d1) -> (0, 0, 0)>
module attributes {stable_mosaic.version = 14 : i64} {
  func.func @body(%arg0: i32, %arg1: i32, %arg2: memref<160000x256xf32, #tpu.memory_space<hbm>>, %arg3: memref<16x125x80xi32, #tpu.memory_space<hbm>>, %arg4: memref<16x125x80xi32, #tpu.memory_space<hbm>>, %arg5: memref<632x128xf32, #tpu.memory_space<hbm>>, %arg6: memref<160000x256xf32, #tpu.memory_space<hbm>>, %arg7: memref<125x80xi32, #tpu.memory_space<vmem>>, %arg8: memref<80x128xf32, #tpu.memory_space<vmem>>, %arg9: memref<80x128xf32, #tpu.memory_space<vmem>>, %arg10: memref<10112x128xf32, #tpu.memory_space<vmem_shared>>, %arg11: memref<!tpu.dma_semaphore, #tpu.memory_space<semaphore_mem>>, %arg12: memref<!tpu.dma_semaphore, #tpu.memory_space<semaphore_mem>>) attributes {dimension_semantics = [#tpu.dimension_semantics<core_parallel>, #tpu.dimension_semantics<subcore_parallel>], iteration_bounds = array<i64: 2, 16>, scalar_prefetch = 0 : i64, scratch_operands = 6 : i64, tpu.core_type = #tpu.core_type<sc_vector_subcore>, window_params = [{transform_indices = #map}, {transform_indices = #map1}, {transform_indices = #map1}, {transform_indices = #map}, {transform_indices = #map}]} {
    %mul3A = arith.constant 128 : i32
    %mul3A_0 = arith.muli %arg0, %mul3A : i32
    %mul3A_1 = arith.constant 632 : i32
    %mul3A_2 = arith.muli %arg1, %mul3A_1 : i32
    "tpu.region"() ({
      %run_scoped3A_43 = tpu.sem_alloc : memref<!tpu.dma_semaphore, #tpu.memory_space<semaphore_mem>>
      %dma_start3A_44 = arith.constant 0 : i32
      %dma_start3A_45 = tpu.memref_slice %arg10[%mul3A_2, %dma_start3A_44] : memref<10112x128xf32, #tpu.memory_space<vmem_shared>> -> memref<632x128xf32, #tpu.memory_space<vmem_shared>>
      tpu.enqueue_dma source(%arg5 : memref<632x128xf32, #tpu.memory_space<hbm>>) target(%dma_start3A_45 : memref<632x128xf32, #tpu.memory_space<vmem_shared>>) target_semaphore(%run_scoped3A_43 : memref<!tpu.dma_semaphore, #tpu.memory_space<semaphore_mem>>)
      %dma_wait3A_46 = arith.constant 0 : i32
      %dma_wait3A_47 = tpu.memref_slice %arg10[%mul3A_2, %dma_wait3A_46] : memref<10112x128xf32, #tpu.memory_space<vmem_shared>> -> memref<632x128xf32, #tpu.memory_space<vmem_shared>>
      tpu.wait_dma2 semaphore(%run_scoped3A_43 : memref<!tpu.dma_semaphore, #tpu.memory_space<semaphore_mem>>) src(%arg5 : memref<632x128xf32, #tpu.memory_space<hbm>>) dst(%dma_wait3A_47 : memref<632x128xf32, #tpu.memory_space<vmem_shared>>)
      tpu.yield
    }) : () -> ()
    "tpu.region"() ({
      %run_scoped3A_43 = tpu.sem_alloc : memref<!tpu.dma_semaphore, #tpu.memory_space<semaphore_mem>>
      %dma_start3A_44 = arith.constant 0 : i32
      %dma_start3A_45 = arith.constant 0 : i32
      %dma_start3A_46 = tpu.memref_slice %arg3[%arg1, %dma_start3A_44, %dma_start3A_45] : memref<16x125x80xi32, #tpu.memory_space<hbm>> -> memref<1x125x80xi32, #tpu.memory_space<hbm>>
      %dma_start3A_47 = tpu.memref_squeeze %dma_start3A_46 : memref<1x125x80xi32, #tpu.memory_space<hbm>> -> memref<125x80xi32, #tpu.memory_space<hbm>>
      %dma_start3A_48 = arith.constant 0 : i32
      %dma_start3A_49 = arith.constant 0 : i32
      %dma_start3A_50 = tpu.memref_slice %arg3[%arg1, %dma_start3A_48, %dma_start3A_49] : memref<16x125x80xi32, #tpu.memory_space<hbm>> -> memref<1x125x80xi32, #tpu.memory_space<hbm>>
      %dma_start3A_51 = tpu.memref_squeeze %dma_start3A_50 : memref<1x125x80xi32, #tpu.memory_space<hbm>> -> memref<125x80xi32, #tpu.memory_space<hbm>>
      tpu.enqueue_dma source(%dma_start3A_51 : memref<125x80xi32, #tpu.memory_space<hbm>>) target(%arg7 : memref<125x80xi32, #tpu.memory_space<vmem>>) target_semaphore(%run_scoped3A_43 : memref<!tpu.dma_semaphore, #tpu.memory_space<semaphore_mem>>)
      %dma_wait3A_52 = arith.constant 0 : i32
      %dma_wait3A_53 = arith.constant 0 : i32
      %dma_wait3A_54 = tpu.memref_slice %arg3[%arg1, %dma_wait3A_52, %dma_wait3A_53] : memref<16x125x80xi32, #tpu.memory_space<hbm>> -> memref<1x125x80xi32, #tpu.memory_space<hbm>>
      %dma_wait3A_55 = tpu.memref_squeeze %dma_wait3A_54 : memref<1x125x80xi32, #tpu.memory_space<hbm>> -> memref<125x80xi32, #tpu.memory_space<hbm>>
      %dma_wait3A_56 = arith.constant 0 : i32
      %dma_wait3A_57 = arith.constant 0 : i32
      %dma_wait3A_58 = tpu.memref_slice %arg3[%arg1, %dma_wait3A_56, %dma_wait3A_57] : memref<16x125x80xi32, #tpu.memory_space<hbm>> -> memref<1x125x80xi32, #tpu.memory_space<hbm>>
      %dma_wait3A_59 = tpu.memref_squeeze %dma_wait3A_58 : memref<1x125x80xi32, #tpu.memory_space<hbm>> -> memref<125x80xi32, #tpu.memory_space<hbm>>
      tpu.wait_dma2 semaphore(%run_scoped3A_43 : memref<!tpu.dma_semaphore, #tpu.memory_space<semaphore_mem>>) src(%dma_wait3A_59 : memref<125x80xi32, #tpu.memory_space<hbm>>) dst(%arg7 : memref<125x80xi32, #tpu.memory_space<vmem>>)
      tpu.yield
    }) : () -> ()
    %barrier3A = arith.constant 0 : index
    tpu.barrier barrier_id(%barrier3A)
    %mul3A_3 = arith.constant 10000 : i32
    %mul3A_4 = arith.muli %arg1, %mul3A_3 : i32
    %add3A = arith.constant 0 : i32
    %add3A_5 = arith.addi %mul3A_4, %add3A : i32
    %dma_start3A = tpu.memref_slice %arg2[%add3A_5, %mul3A_0] : memref<160000x256xf32, #tpu.memory_space<hbm>> -> memref<80x128xf32, #tpu.memory_space<hbm>>
    %dma_start3A_6 = tpu.memref_slice %arg2[%add3A_5, %mul3A_0] : memref<160000x256xf32, #tpu.memory_space<hbm>> -> memref<80x128xf32, #tpu.memory_space<hbm>>
    tpu.enqueue_dma source(%dma_start3A_6 : memref<80x128xf32, #tpu.memory_space<hbm>>) target(%arg8 : memref<80x128xf32, #tpu.memory_space<vmem>>) target_semaphore(%arg11 : memref<!tpu.dma_semaphore, #tpu.memory_space<semaphore_mem>>)
    %add3A_7 = arith.constant 80 : i32
    %add3A_8 = arith.addi %mul3A_4, %add3A_7 : i32
    %dma_start3A_9 = tpu.memref_slice %arg2[%add3A_8, %mul3A_0] : memref<160000x256xf32, #tpu.memory_space<hbm>> -> memref<80x128xf32, #tpu.memory_space<hbm>>
    %dma_start3A_10 = tpu.memref_slice %arg2[%add3A_8, %mul3A_0] : memref<160000x256xf32, #tpu.memory_space<hbm>> -> memref<80x128xf32, #tpu.memory_space<hbm>>
    tpu.enqueue_dma source(%dma_start3A_10 : memref<80x128xf32, #tpu.memory_space<hbm>>) target(%arg9 : memref<80x128xf32, #tpu.memory_space<vmem>>) target_semaphore(%arg12 : memref<!tpu.dma_semaphore, #tpu.memory_space<semaphore_mem>>)
    %scan3A = arith.constant 0 : i32
    %scan3A_11 = arith.constant 0 : i32
    %scan3A_12 = arith.constant 62 : i32
    %scan3A_13 = arith.addi %scan3A_11, %scan3A_12 : i32
    %scan3A_14 = arith.constant 1 : i32
    scf.for %scan3A_43 = %scan3A_11 to %scan3A_13 step %scan3A_14  : i32 {
      %mul3A_44 = arith.constant 2 : i32
      %mul3A_45 = arith.muli %mul3A_44, %scan3A_43 : i32
      %add3A_46 = arith.constant 0 : i32
      %add3A_47 = arith.addi %mul3A_4, %add3A_46 : i32
      %dma_wait3A_48 = tpu.memref_slice %arg2[%add3A_47, %mul3A_0] : memref<160000x256xf32, #tpu.memory_space<hbm>> -> memref<80x128xf32, #tpu.memory_space<hbm>>
      %dma_wait3A_49 = tpu.memref_slice %arg2[%add3A_47, %mul3A_0] : memref<160000x256xf32, #tpu.memory_space<hbm>> -> memref<80x128xf32, #tpu.memory_space<hbm>>
      tpu.wait_dma2 semaphore(%arg11 : memref<!tpu.dma_semaphore, #tpu.memory_space<semaphore_mem>>) src(%dma_wait3A_49 : memref<80x128xf32, #tpu.memory_space<hbm>>) dst(%arg8 : memref<80x128xf32, #tpu.memory_space<vmem>>)
      "tpu.region"() ({
        %run_scoped3A_67 = tpu.sem_alloc : memref<!tpu.dma_semaphore, #tpu.memory_space<semaphore_mem>>
        %dma_start3A_68 = arith.constant 0 : i32
        %dma_start3A_69 = tpu.memref_slice %arg7[%mul3A_45, %dma_start3A_68] : memref<125x80xi32, #tpu.memory_space<vmem>> -> memref<1x80xi32, #tpu.memory_space<vmem>>
        %dma_start3A_70 = tpu.memref_squeeze %dma_start3A_69 : memref<1x80xi32, #tpu.memory_space<vmem>> -> memref<80xi32, #tpu.memory_space<vmem>>
        %dma_start3A_71 = arith.constant 0 : i32
        %dma_start3A_72 = arith.constant 0 : i32
        %dma_start3A_73 = tpu.memref_slice %arg10[%dma_start3A_71, %dma_start3A_72] : memref<10112x128xf32, #tpu.memory_space<vmem_shared>> -> memref<10112x128xf32, #tpu.memory_space<vmem_shared>>
        tpu.enqueue_indirect_dma source(%arg8 : memref<80x128xf32, #tpu.memory_space<vmem>>) target(%dma_start3A_73 : memref<10112x128xf32, #tpu.memory_space<vmem_shared>>) offsets(%dma_start3A_70 : memref<80xi32, #tpu.memory_space<vmem>>) semaphore(%run_scoped3A_67 : memref<!tpu.dma_semaphore, #tpu.memory_space<semaphore_mem>>) {add = true}
        %dma_wait3A_74 = arith.constant 0 : i32
        %dma_wait3A_75 = tpu.memref_slice %arg7[%mul3A_45, %dma_wait3A_74] : memref<125x80xi32, #tpu.memory_space<vmem>> -> memref<1x80xi32, #tpu.memory_space<vmem>>
        %dma_wait3A_76 = tpu.memref_squeeze %dma_wait3A_75 : memref<1x80xi32, #tpu.memory_space<vmem>> -> memref<80xi32, #tpu.memory_space<vmem>>
        %dma_wait3A_77 = arith.constant 0 : i32
        %dma_wait3A_78 = arith.constant 0 : i32
        %dma_wait3A_79 = tpu.memref_slice %arg10[%dma_wait3A_77, %dma_wait3A_78] : memref<10112x128xf32, #tpu.memory_space<vmem_shared>> -> memref<10112x128xf32, #tpu.memory_space<vmem_shared>>
        tpu.wait_indirect_dma semaphore(%run_scoped3A_67 : memref<!tpu.dma_semaphore, #tpu.memory_space<semaphore_mem>>) src(%arg8 : memref<80x128xf32, #tpu.memory_space<vmem>>) dst(%dma_wait3A_79 : memref<10112x128xf32, #tpu.memory_space<vmem_shared>>)
        tpu.yield
      }) : () -> ()
      %add3A_50 = arith.constant 2 : i32
      %add3A_51 = arith.addi %mul3A_45, %add3A_50 : i32
      %lt3A = arith.constant 125 : i32
      %lt3A_52 = arith.cmpi slt, %add3A_51, %lt3A : i32
      %convert_element_type3A = arith.extui %lt3A_52 : i1 to i32
      %cond3A = arith.constant 0 : i32
      %cond3A_53 = arith.cmpi ne, %convert_element_type3A, %cond3A : i32
      scf.if %cond3A_53 {
        %add3A_67 = arith.constant 2 : i32
        %add3A_68 = arith.addi %mul3A_45, %add3A_67 : i32
        %mul3A_69 = arith.constant 80 : i32
        %mul3A_70 = arith.muli %add3A_68, %mul3A_69 : i32
        %add3A_71 = arith.addi %mul3A_4, %mul3A_70 : i32
        %dma_start3A_72 = tpu.memref_slice %arg2[%add3A_71, %mul3A_0] : memref<160000x256xf32, #tpu.memory_space<hbm>> -> memref<80x128xf32, #tpu.memory_space<hbm>>
        %dma_start3A_73 = tpu.memref_slice %arg2[%add3A_71, %mul3A_0] : memref<160000x256xf32, #tpu.memory_space<hbm>> -> memref<80x128xf32, #tpu.memory_space<hbm>>
        tpu.enqueue_dma source(%dma_start3A_73 : memref<80x128xf32, #tpu.memory_space<hbm>>) target(%arg8 : memref<80x128xf32, #tpu.memory_space<vmem>>) target_semaphore(%arg11 : memref<!tpu.dma_semaphore, #tpu.memory_space<semaphore_mem>>)
      } else {
      }
      %add3A_54 = arith.constant 1 : i32
      %add3A_55 = arith.addi %mul3A_45, %add3A_54 : i32
      %add3A_56 = arith.constant 0 : i32
      %add3A_57 = arith.addi %mul3A_4, %add3A_56 : i32
      %dma_wait3A_58 = tpu.memref_slice %arg2[%add3A_57, %mul3A_0] : memref<160000x256xf32, #tpu.memory_space<hbm>> -> memref<80x128xf32, #tpu.memory_space<hbm>>
      %dma_wait3A_59 = tpu.memref_slice %arg2[%add3A_57, %mul3A_0] : memref<160000x256xf32, #tpu.memory_space<hbm>> -> memref<80x128xf32, #tpu.memory_space<hbm>>
      tpu.wait_dma2 semaphore(%arg12 : memref<!tpu.dma_semaphore, #tpu.memory_space<semaphore_mem>>) src(%dma_wait3A_59 : memref<80x128xf32, #tpu.memory_space<hbm>>) dst(%arg9 : memref<80x128xf32, #tpu.memory_space<vmem>>)
      "tpu.region"() ({
        %run_scoped3A_67 = tpu.sem_alloc : memref<!tpu.dma_semaphore, #tpu.memory_space<semaphore_mem>>
        %dma_start3A_68 = arith.constant 0 : i32
        %dma_start3A_69 = tpu.memref_slice %arg7[%add3A_55, %dma_start3A_68] : memref<125x80xi32, #tpu.memory_space<vmem>> -> memref<1x80xi32, #tpu.memory_space<vmem>>
        %dma_start3A_70 = tpu.memref_squeeze %dma_start3A_69 : memref<1x80xi32, #tpu.memory_space<vmem>> -> memref<80xi32, #tpu.memory_space<vmem>>
        %dma_start3A_71 = arith.constant 0 : i32
        %dma_start3A_72 = arith.constant 0 : i32
        %dma_start3A_73 = tpu.memref_slice %arg10[%dma_start3A_71, %dma_start3A_72] : memref<10112x128xf32, #tpu.memory_space<vmem_shared>> -> memref<10112x128xf32, #tpu.memory_space<vmem_shared>>
        tpu.enqueue_indirect_dma source(%arg9 : memref<80x128xf32, #tpu.memory_space<vmem>>) target(%dma_start3A_73 : memref<10112x128xf32, #tpu.memory_space<vmem_shared>>) offsets(%dma_start3A_70 : memref<80xi32, #tpu.memory_space<vmem>>) semaphore(%run_scoped3A_67 : memref<!tpu.dma_semaphore, #tpu.memory_space<semaphore_mem>>) {add = true}
        %dma_wait3A_74 = arith.constant 0 : i32
        %dma_wait3A_75 = tpu.memref_slice %arg7[%add3A_55, %dma_wait3A_74] : memref<125x80xi32, #tpu.memory_space<vmem>> -> memref<1x80xi32, #tpu.memory_space<vmem>>
        %dma_wait3A_76 = tpu.memref_squeeze %dma_wait3A_75 : memref<1x80xi32, #tpu.memory_space<vmem>> -> memref<80xi32, #tpu.memory_space<vmem>>
        %dma_wait3A_77 = arith.constant 0 : i32
        %dma_wait3A_78 = arith.constant 0 : i32
        %dma_wait3A_79 = tpu.memref_slice %arg10[%dma_wait3A_77, %dma_wait3A_78] : memref<10112x128xf32, #tpu.memory_space<vmem_shared>> -> memref<10112x128xf32, #tpu.memory_space<vmem_shared>>
        tpu.wait_indirect_dma semaphore(%run_scoped3A_67 : memref<!tpu.dma_semaphore, #tpu.memory_space<semaphore_mem>>) src(%arg9 : memref<80x128xf32, #tpu.memory_space<vmem>>) dst(%dma_wait3A_79 : memref<10112x128xf32, #tpu.memory_space<vmem_shared>>)
        tpu.yield
      }) : () -> ()
      %add3A_60 = arith.constant 2 : i32
      %add3A_61 = arith.addi %add3A_55, %add3A_60 : i32
      %lt3A_62 = arith.constant 125 : i32
      %lt3A_63 = arith.cmpi slt, %add3A_61, %lt3A_62 : i32
      %convert_element_type3A_64 = arith.extui %lt3A_63 : i1 to i32
      %cond3A_65 = arith.constant 0 : i32
      %cond3A_66 = arith.cmpi ne, %convert_element_type3A_64, %cond3A_65 : i32
      scf.if %cond3A_66 {
        %add3A_67 = arith.constant 2 : i32
        %add3A_68 = arith.addi %add3A_55, %add3A_67 : i32
        %mul3A_69 = arith.constant 80 : i32
        %mul3A_70 = arith.muli %add3A_68, %mul3A_69 : i32
        %add3A_71 = arith.addi %mul3A_4, %mul3A_70 : i32
        %dma_start3A_72 = tpu.memref_slice %arg2[%add3A_71, %mul3A_0] : memref<160000x256xf32, #tpu.memory_space<hbm>> -> memref<80x128xf32, #tpu.memory_space<hbm>>
        %dma_start3A_73 = tpu.memref_slice %arg2[%add3A_71, %mul3A_0] : memref<160000x256xf32, #tpu.memory_space<hbm>> -> memref<80x128xf32, #tpu.memory_space<hbm>>
        tpu.enqueue_dma source(%dma_start3A_73 : memref<80x128xf32, #tpu.memory_space<hbm>>) target(%arg9 : memref<80x128xf32, #tpu.memory_space<vmem>>) target_semaphore(%arg12 : memref<!tpu.dma_semaphore, #tpu.memory_space<semaphore_mem>>)
      } else {
      }
    }
    %scan3A_15 = arith.constant 62 : i32
    %add3A_16 = arith.constant 0 : i32
    %add3A_17 = arith.addi %mul3A_4, %add3A_16 : i32
    %dma_wait3A = tpu.memref_slice %arg2[%add3A_17, %mul3A_0] : memref<160000x256xf32, #tpu.memory_space<hbm>> -> memref<80x128xf32, #tpu.memory_space<hbm>>
    %dma_wait3A_18 = tpu.memref_slice %arg2[%add3A_17, %mul3A_0] : memref<160000x256xf32, #tpu.memory_space<hbm>> -> memref<80x128xf32, #tpu.memory_space<hbm>>
    tpu.wait_dma2 semaphore(%arg11 : memref<!tpu.dma_semaphore, #tpu.memory_space<semaphore_mem>>) src(%dma_wait3A_18 : memref<80x128xf32, #tpu.memory_space<hbm>>) dst(%arg8 : memref<80x128xf32, #tpu.memory_space<vmem>>)
    %run_scoped3A = arith.constant 124 : i32
    "tpu.region"() ({
      %run_scoped3A_43 = tpu.sem_alloc : memref<!tpu.dma_semaphore, #tpu.memory_space<semaphore_mem>>
      %dma_start3A_44 = arith.constant 0 : i32
      %dma_start3A_45 = tpu.memref_slice %arg7[%run_scoped3A, %dma_start3A_44] : memref<125x80xi32, #tpu.memory_space<vmem>> -> memref<1x80xi32, #tpu.memory_space<vmem>>
      %dma_start3A_46 = tpu.memref_squeeze %dma_start3A_45 : memref<1x80xi32, #tpu.memory_space<vmem>> -> memref<80xi32, #tpu.memory_space<vmem>>
      %dma_start3A_47 = arith.constant 0 : i32
      %dma_start3A_48 = arith.constant 0 : i32
      %dma_start3A_49 = tpu.memref_slice %arg10[%dma_start3A_47, %dma_start3A_48] : memref<10112x128xf32, #tpu.memory_space<vmem_shared>> -> memref<10112x128xf32, #tpu.memory_space<vmem_shared>>
      tpu.enqueue_indirect_dma source(%arg8 : memref<80x128xf32, #tpu.memory_space<vmem>>) target(%dma_start3A_49 : memref<10112x128xf32, #tpu.memory_space<vmem_shared>>) offsets(%dma_start3A_46 : memref<80xi32, #tpu.memory_space<vmem>>) semaphore(%run_scoped3A_43 : memref<!tpu.dma_semaphore, #tpu.memory_space<semaphore_mem>>) {add = true}
      %dma_wait3A_50 = arith.constant 0 : i32
      %dma_wait3A_51 = tpu.memref_slice %arg7[%run_scoped3A, %dma_wait3A_50] : memref<125x80xi32, #tpu.memory_space<vmem>> -> memref<1x80xi32, #tpu.memory_space<vmem>>
      %dma_wait3A_52 = tpu.memref_squeeze %dma_wait3A_51 : memref<1x80xi32, #tpu.memory_space<vmem>> -> memref<80xi32, #tpu.memory_space<vmem>>
      %dma_wait3A_53 = arith.constant 0 : i32
      %dma_wait3A_54 = arith.constant 0 : i32
      %dma_wait3A_55 = tpu.memref_slice %arg10[%dma_wait3A_53, %dma_wait3A_54] : memref<10112x128xf32, #tpu.memory_space<vmem_shared>> -> memref<10112x128xf32, #tpu.memory_space<vmem_shared>>
      tpu.wait_indirect_dma semaphore(%run_scoped3A_43 : memref<!tpu.dma_semaphore, #tpu.memory_space<semaphore_mem>>) src(%arg8 : memref<80x128xf32, #tpu.memory_space<vmem>>) dst(%dma_wait3A_55 : memref<10112x128xf32, #tpu.memory_space<vmem_shared>>)
      tpu.yield
    }) : () -> ()
    %barrier3A_19 = arith.constant 0 : index
    tpu.barrier barrier_id(%barrier3A_19)
    "tpu.region"() ({
      %run_scoped3A_43 = tpu.sem_alloc : memref<!tpu.dma_semaphore, #tpu.memory_space<semaphore_mem>>
      %dma_start3A_44 = arith.constant 0 : i32
      %dma_start3A_45 = arith.constant 0 : i32
      %dma_start3A_46 = tpu.memref_slice %arg4[%arg1, %dma_start3A_44, %dma_start3A_45] : memref<16x125x80xi32, #tpu.memory_space<hbm>> -> memref<1x125x80xi32, #tpu.memory_space<hbm>>
      %dma_start3A_47 = tpu.memref_squeeze %dma_start3A_46 : memref<1x125x80xi32, #tpu.memory_space<hbm>> -> memref<125x80xi32, #tpu.memory_space<hbm>>
      %dma_start3A_48 = arith.constant 0 : i32
      %dma_start3A_49 = arith.constant 0 : i32
      %dma_start3A_50 = tpu.memref_slice %arg4[%arg1, %dma_start3A_48, %dma_start3A_49] : memref<16x125x80xi32, #tpu.memory_space<hbm>> -> memref<1x125x80xi32, #tpu.memory_space<hbm>>
      %dma_start3A_51 = tpu.memref_squeeze %dma_start3A_50 : memref<1x125x80xi32, #tpu.memory_space<hbm>> -> memref<125x80xi32, #tpu.memory_space<hbm>>
      tpu.enqueue_dma source(%dma_start3A_51 : memref<125x80xi32, #tpu.memory_space<hbm>>) target(%arg7 : memref<125x80xi32, #tpu.memory_space<vmem>>) target_semaphore(%run_scoped3A_43 : memref<!tpu.dma_semaphore, #tpu.memory_space<semaphore_mem>>)
      %dma_wait3A_52 = arith.constant 0 : i32
      %dma_wait3A_53 = arith.constant 0 : i32
      %dma_wait3A_54 = tpu.memref_slice %arg4[%arg1, %dma_wait3A_52, %dma_wait3A_53] : memref<16x125x80xi32, #tpu.memory_space<hbm>> -> memref<1x125x80xi32, #tpu.memory_space<hbm>>
      %dma_wait3A_55 = tpu.memref_squeeze %dma_wait3A_54 : memref<1x125x80xi32, #tpu.memory_space<hbm>> -> memref<125x80xi32, #tpu.memory_space<hbm>>
      %dma_wait3A_56 = arith.constant 0 : i32
      %dma_wait3A_57 = arith.constant 0 : i32
      %dma_wait3A_58 = tpu.memref_slice %arg4[%arg1, %dma_wait3A_56, %dma_wait3A_57] : memref<16x125x80xi32, #tpu.memory_space<hbm>> -> memref<1x125x80xi32, #tpu.memory_space<hbm>>
      %dma_wait3A_59 = tpu.memref_squeeze %dma_wait3A_58 : memref<1x125x80xi32, #tpu.memory_space<hbm>> -> memref<125x80xi32, #tpu.memory_space<hbm>>
      tpu.wait_dma2 semaphore(%run_scoped3A_43 : memref<!tpu.dma_semaphore, #tpu.memory_space<semaphore_mem>>) src(%dma_wait3A_59 : memref<125x80xi32, #tpu.memory_space<hbm>>) dst(%arg7 : memref<125x80xi32, #tpu.memory_space<vmem>>)
      tpu.yield
    }) : () -> ()
    %scan3A_20 = arith.constant 0 : i32
    %scan3A_21 = arith.constant 0 : i32
    %scan3A_22 = arith.constant 62 : i32
    %scan3A_23 = arith.addi %scan3A_21, %scan3A_22 : i32
    %scan3A_24 = arith.constant 1 : i32
    scf.for %scan3A_43 = %scan3A_21 to %scan3A_23 step %scan3A_24  : i32 {
      %mul3A_44 = arith.constant 2 : i32
      %mul3A_45 = arith.muli %mul3A_44, %scan3A_43 : i32
      %ge3A = arith.constant 2 : i32
      %ge3A_46 = arith.cmpi sge, %mul3A_45, %ge3A : i32
      %convert_element_type3A = arith.extui %ge3A_46 : i1 to i32
      %cond3A = arith.constant 0 : i32
      %cond3A_47 = arith.cmpi ne, %convert_element_type3A, %cond3A : i32
      scf.if %cond3A_47 {
        %add3A_65 = arith.constant 0 : i32
        %add3A_66 = arith.addi %mul3A_4, %add3A_65 : i32
        %dma_wait3A_67 = tpu.memref_slice %arg6[%add3A_66, %mul3A_0] : memref<160000x256xf32, #tpu.memory_space<hbm>> -> memref<80x128xf32, #tpu.memory_space<hbm>>
        %dma_wait3A_68 = tpu.memref_slice %arg6[%add3A_66, %mul3A_0] : memref<160000x256xf32, #tpu.memory_space<hbm>> -> memref<80x128xf32, #tpu.memory_space<hbm>>
        tpu.wait_dma2 semaphore(%arg11 : memref<!tpu.dma_semaphore, #tpu.memory_space<semaphore_mem>>) src(%arg8 : memref<80x128xf32, #tpu.memory_space<vmem>>) dst(%dma_wait3A_68 : memref<80x128xf32, #tpu.memory_space<hbm>>)
      } else {
      }
      "tpu.region"() ({
        %run_scoped3A_65 = tpu.sem_alloc : memref<!tpu.dma_semaphore, #tpu.memory_space<semaphore_mem>>
        %dma_start3A_66 = arith.constant 0 : i32
        %dma_start3A_67 = tpu.memref_slice %arg7[%mul3A_45, %dma_start3A_66] : memref<125x80xi32, #tpu.memory_space<vmem>> -> memref<1x80xi32, #tpu.memory_space<vmem>>
        %dma_start3A_68 = tpu.memref_squeeze %dma_start3A_67 : memref<1x80xi32, #tpu.memory_space<vmem>> -> memref<80xi32, #tpu.memory_space<vmem>>
        %dma_start3A_69 = arith.constant 0 : i32
        %dma_start3A_70 = arith.constant 0 : i32
        %dma_start3A_71 = tpu.memref_slice %arg10[%dma_start3A_69, %dma_start3A_70] : memref<10112x128xf32, #tpu.memory_space<vmem_shared>> -> memref<10112x128xf32, #tpu.memory_space<vmem_shared>>
        tpu.enqueue_indirect_dma source(%dma_start3A_71 : memref<10112x128xf32, #tpu.memory_space<vmem_shared>>) target(%arg8 : memref<80x128xf32, #tpu.memory_space<vmem>>) offsets(%dma_start3A_68 : memref<80xi32, #tpu.memory_space<vmem>>) semaphore(%run_scoped3A_65 : memref<!tpu.dma_semaphore, #tpu.memory_space<semaphore_mem>>)
        %dma_wait3A_72 = arith.constant 0 : i32
        %dma_wait3A_73 = tpu.memref_slice %arg7[%mul3A_45, %dma_wait3A_72] : memref<125x80xi32, #tpu.memory_space<vmem>> -> memref<1x80xi32, #tpu.memory_space<vmem>>
        %dma_wait3A_74 = tpu.memref_squeeze %dma_wait3A_73 : memref<1x80xi32, #tpu.memory_space<vmem>> -> memref<80xi32, #tpu.memory_space<vmem>>
        %dma_wait3A_75 = arith.constant 0 : i32
        %dma_wait3A_76 = arith.constant 0 : i32
        %dma_wait3A_77 = tpu.memref_slice %arg10[%dma_wait3A_75, %dma_wait3A_76] : memref<10112x128xf32, #tpu.memory_space<vmem_shared>> -> memref<10112x128xf32, #tpu.memory_space<vmem_shared>>
        tpu.wait_indirect_dma semaphore(%run_scoped3A_65 : memref<!tpu.dma_semaphore, #tpu.memory_space<semaphore_mem>>) src(%dma_wait3A_77 : memref<10112x128xf32, #tpu.memory_space<vmem_shared>>) dst(%arg8 : memref<80x128xf32, #tpu.memory_space<vmem>>)
        tpu.yield
      }) : () -> ()
      %mul3A_48 = arith.constant 80 : i32
      %mul3A_49 = arith.muli %mul3A_45, %mul3A_48 : i32
      %add3A_50 = arith.addi %mul3A_4, %mul3A_49 : i32
      %dma_start3A_51 = tpu.memref_slice %arg6[%add3A_50, %mul3A_0] : memref<160000x256xf32, #tpu.memory_space<hbm>> -> memref<80x128xf32, #tpu.memory_space<hbm>>
      %dma_start3A_52 = tpu.memref_slice %arg6[%add3A_50, %mul3A_0] : memref<160000x256xf32, #tpu.memory_space<hbm>> -> memref<80x128xf32, #tpu.memory_space<hbm>>
      tpu.enqueue_dma source(%arg8 : memref<80x128xf32, #tpu.memory_space<vmem>>) target(%dma_start3A_52 : memref<80x128xf32, #tpu.memory_space<hbm>>) target_semaphore(%arg11 : memref<!tpu.dma_semaphore, #tpu.memory_space<semaphore_mem>>)
      %add3A_53 = arith.constant 1 : i32
      %add3A_54 = arith.addi %mul3A_45, %add3A_53 : i32
      %ge3A_55 = arith.constant 2 : i32
      %ge3A_56 = arith.cmpi sge, %add3A_54, %ge3A_55 : i32
      %convert_element_type3A_57 = arith.extui %ge3A_56 : i1 to i32
      %cond3A_58 = arith.constant 0 : i32
      %cond3A_59 = arith.cmpi ne, %convert_element_type3A_57, %cond3A_58 : i32
      scf.if %cond3A_59 {
        %add3A_65 = arith.constant 0 : i32
        %add3A_66 = arith.addi %mul3A_4, %add3A_65 : i32
        %dma_wait3A_67 = tpu.memref_slice %arg6[%add3A_66, %mul3A_0] : memref<160000x256xf32, #tpu.memory_space<hbm>> -> memref<80x128xf32, #tpu.memory_space<hbm>>
        %dma_wait3A_68 = tpu.memref_slice %arg6[%add3A_66, %mul3A_0] : memref<160000x256xf32, #tpu.memory_space<hbm>> -> memref<80x128xf32, #tpu.memory_space<hbm>>
        tpu.wait_dma2 semaphore(%arg12 : memref<!tpu.dma_semaphore, #tpu.memory_space<semaphore_mem>>) src(%arg9 : memref<80x128xf32, #tpu.memory_space<vmem>>) dst(%dma_wait3A_68 : memref<80x128xf32, #tpu.memory_space<hbm>>)
      } else {
      }
      "tpu.region"() ({
        %run_scoped3A_65 = tpu.sem_alloc : memref<!tpu.dma_semaphore, #tpu.memory_space<semaphore_mem>>
        %dma_start3A_66 = arith.constant 0 : i32
        %dma_start3A_67 = tpu.memref_slice %arg7[%add3A_54, %dma_start3A_66] : memref<125x80xi32, #tpu.memory_space<vmem>> -> memref<1x80xi32, #tpu.memory_space<vmem>>
        %dma_start3A_68 = tpu.memref_squeeze %dma_start3A_67 : memref<1x80xi32, #tpu.memory_space<vmem>> -> memref<80xi32, #tpu.memory_space<vmem>>
        %dma_start3A_69 = arith.constant 0 : i32
        %dma_start3A_70 = arith.constant 0 : i32
        %dma_start3A_71 = tpu.memref_slice %arg10[%dma_start3A_69, %dma_start3A_70] : memref<10112x128xf32, #tpu.memory_space<vmem_shared>> -> memref<10112x128xf32, #tpu.memory_space<vmem_shared>>
        tpu.enqueue_indirect_dma source(%dma_start3A_71 : memref<10112x128xf32, #tpu.memory_space<vmem_shared>>) target(%arg9 : memref<80x128xf32, #tpu.memory_space<vmem>>) offsets(%dma_start3A_68 : memref<80xi32, #tpu.memory_space<vmem>>) semaphore(%run_scoped3A_65 : memref<!tpu.dma_semaphore, #tpu.memory_space<semaphore_mem>>)
        %dma_wait3A_72 = arith.constant 0 : i32
        %dma_wait3A_73 = tpu.memref_slice %arg7[%add3A_54, %dma_wait3A_72] : memref<125x80xi32, #tpu.memory_space<vmem>> -> memref<1x80xi32, #tpu.memory_space<vmem>>
        %dma_wait3A_74 = tpu.memref_squeeze %dma_wait3A_73 : memref<1x80xi32, #tpu.memory_space<vmem>> -> memref<80xi32, #tpu.memory_space<vmem>>
        %dma_wait3A_75 = arith.constant 0 : i32
        %dma_wait3A_76 = arith.constant 0 : i32
        %dma_wait3A_77 = tpu.memref_slice %arg10[%dma_wait3A_75, %dma_wait3A_76] : memref<10112x128xf32, #tpu.memory_space<vmem_shared>> -> memref<10112x128xf32, #tpu.memory_space<vmem_shared>>
        tpu.wait_indirect_dma semaphore(%run_scoped3A_65 : memref<!tpu.dma_semaphore, #tpu.memory_space<semaphore_mem>>) src(%dma_wait3A_77 : memref<10112x128xf32, #tpu.memory_space<vmem_shared>>) dst(%arg9 : memref<80x128xf32, #tpu.memory_space<vmem>>)
        tpu.yield
      }) : () -> ()
      %mul3A_60 = arith.constant 80 : i32
      %mul3A_61 = arith.muli %add3A_54, %mul3A_60 : i32
      %add3A_62 = arith.addi %mul3A_4, %mul3A_61 : i32
      %dma_start3A_63 = tpu.memref_slice %arg6[%add3A_62, %mul3A_0] : memref<160000x256xf32, #tpu.memory_space<hbm>> -> memref<80x128xf32, #tpu.memory_space<hbm>>
      %dma_start3A_64 = tpu.memref_slice %arg6[%add3A_62, %mul3A_0] : memref<160000x256xf32, #tpu.memory_space<hbm>> -> memref<80x128xf32, #tpu.memory_space<hbm>>
      tpu.enqueue_dma source(%arg9 : memref<80x128xf32, #tpu.memory_space<vmem>>) target(%dma_start3A_64 : memref<80x128xf32, #tpu.memory_space<hbm>>) target_semaphore(%arg12 : memref<!tpu.dma_semaphore, #tpu.memory_space<semaphore_mem>>)
    }
    %scan3A_25 = arith.constant 62 : i32
    %add3A_26 = arith.constant 0 : i32
    %add3A_27 = arith.addi %mul3A_4, %add3A_26 : i32
    %dma_wait3A_28 = tpu.memref_slice %arg6[%add3A_27, %mul3A_0] : memref<160000x256xf32, #tpu.memory_space<hbm>> -> memref<80x128xf32, #tpu.memory_space<hbm>>
    %dma_wait3A_29 = tpu.memref_slice %arg6[%add3A_27, %mul3A_0] : memref<160000x256xf32, #tpu.memory_space<hbm>> -> memref<80x128xf32, #tpu.memory_space<hbm>>
    tpu.wait_dma2 semaphore(%arg11 : memref<!tpu.dma_semaphore, #tpu.memory_space<semaphore_mem>>) src(%arg8 : memref<80x128xf32, #tpu.memory_space<vmem>>) dst(%dma_wait3A_29 : memref<80x128xf32, #tpu.memory_space<hbm>>)
    %run_scoped3A_30 = arith.constant 124 : i32
    "tpu.region"() ({
      %run_scoped3A_43 = tpu.sem_alloc : memref<!tpu.dma_semaphore, #tpu.memory_space<semaphore_mem>>
      %dma_start3A_44 = arith.constant 0 : i32
      %dma_start3A_45 = tpu.memref_slice %arg7[%run_scoped3A_30, %dma_start3A_44] : memref<125x80xi32, #tpu.memory_space<vmem>> -> memref<1x80xi32, #tpu.memory_space<vmem>>
      %dma_start3A_46 = tpu.memref_squeeze %dma_start3A_45 : memref<1x80xi32, #tpu.memory_space<vmem>> -> memref<80xi32, #tpu.memory_space<vmem>>
      %dma_start3A_47 = arith.constant 0 : i32
      %dma_start3A_48 = arith.constant 0 : i32
      %dma_start3A_49 = tpu.memref_slice %arg10[%dma_start3A_47, %dma_start3A_48] : memref<10112x128xf32, #tpu.memory_space<vmem_shared>> -> memref<10112x128xf32, #tpu.memory_space<vmem_shared>>
      tpu.enqueue_indirect_dma source(%dma_start3A_49 : memref<10112x128xf32, #tpu.memory_space<vmem_shared>>) target(%arg8 : memref<80x128xf32, #tpu.memory_space<vmem>>) offsets(%dma_start3A_46 : memref<80xi32, #tpu.memory_space<vmem>>) semaphore(%run_scoped3A_43 : memref<!tpu.dma_semaphore, #tpu.memory_space<semaphore_mem>>)
      %dma_wait3A_50 = arith.constant 0 : i32
      %dma_wait3A_51 = tpu.memref_slice %arg7[%run_scoped3A_30, %dma_wait3A_50] : memref<125x80xi32, #tpu.memory_space<vmem>> -> memref<1x80xi32, #tpu.memory_space<vmem>>
      %dma_wait3A_52 = tpu.memref_squeeze %dma_wait3A_51 : memref<1x80xi32, #tpu.memory_space<vmem>> -> memref<80xi32, #tpu.memory_space<vmem>>
      %dma_wait3A_53 = arith.constant 0 : i32
      %dma_wait3A_54 = arith.constant 0 : i32
      %dma_wait3A_55 = tpu.memref_slice %arg10[%dma_wait3A_53, %dma_wait3A_54] : memref<10112x128xf32, #tpu.memory_space<vmem_shared>> -> memref<10112x128xf32, #tpu.memory_space<vmem_shared>>
      tpu.wait_indirect_dma semaphore(%run_scoped3A_43 : memref<!tpu.dma_semaphore, #tpu.memory_space<semaphore_mem>>) src(%dma_wait3A_55 : memref<10112x128xf32, #tpu.memory_space<vmem_shared>>) dst(%arg8 : memref<80x128xf32, #tpu.memory_space<vmem>>)
      tpu.yield
    }) : () -> ()
    %add3A_31 = arith.constant 9920 : i32
    %add3A_32 = arith.addi %mul3A_4, %add3A_31 : i32
    %dma_start3A_33 = tpu.memref_slice %arg6[%add3A_32, %mul3A_0] : memref<160000x256xf32, #tpu.memory_space<hbm>> -> memref<80x128xf32, #tpu.memory_space<hbm>>
    %dma_start3A_34 = tpu.memref_slice %arg6[%add3A_32, %mul3A_0] : memref<160000x256xf32, #tpu.memory_space<hbm>> -> memref<80x128xf32, #tpu.memory_space<hbm>>
    tpu.enqueue_dma source(%arg8 : memref<80x128xf32, #tpu.memory_space<vmem>>) target(%dma_start3A_34 : memref<80x128xf32, #tpu.memory_space<hbm>>) target_semaphore(%arg11 : memref<!tpu.dma_semaphore, #tpu.memory_space<semaphore_mem>>)
    %add3A_35 = arith.constant 0 : i32
    %add3A_36 = arith.addi %mul3A_4, %add3A_35 : i32
    %dma_wait3A_37 = tpu.memref_slice %arg6[%add3A_36, %mul3A_0] : memref<160000x256xf32, #tpu.memory_space<hbm>> -> memref<80x128xf32, #tpu.memory_space<hbm>>
    %dma_wait3A_38 = tpu.memref_slice %arg6[%add3A_36, %mul3A_0] : memref<160000x256xf32, #tpu.memory_space<hbm>> -> memref<80x128xf32, #tpu.memory_space<hbm>>
    tpu.wait_dma2 semaphore(%arg11 : memref<!tpu.dma_semaphore, #tpu.memory_space<semaphore_mem>>) src(%arg8 : memref<80x128xf32, #tpu.memory_space<vmem>>) dst(%dma_wait3A_38 : memref<80x128xf32, #tpu.memory_space<hbm>>)
    %add3A_39 = arith.constant 0 : i32
    %add3A_40 = arith.addi %mul3A_4, %add3A_39 : i32
    %dma_wait3A_41 = tpu.memref_slice %arg6[%add3A_40, %mul3A_0] : memref<160000x256xf32, #tpu.memory_space<hbm>> -> memref<80x128xf32, #tpu.memory_space<hbm>>
    %dma_wait3A_42 = tpu.memref_slice %arg6[%add3A_40, %mul3A_0] : memref<160000x256xf32, #tpu.memory_space<hbm>> -> memref<80x128xf32, #tpu.memory_space<hbm>>
    tpu.wait_dma2 semaphore(%arg12 : memref<!tpu.dma_semaphore, #tpu.memory_space<semaphore_mem>>) src(%arg9 : memref<80x128xf32, #tpu.memory_space<vmem>>) dst(%dma_wait3A_42 : memref<80x128xf32, #tpu.memory_space<hbm>>)
    return
  }
}

#map = affine_map<(d0, d1) -> (0, 0)>
#map1 = affine_map<(d0, d1) -> (0, 0, 0)>
module attributes {stable_mosaic.version = 14 : i64} {
  func.func @body(%arg0: i32, %arg1: i32, %arg2: memref<160000x256xf32, #tpu.memory_space<hbm>>, %arg3: memref<16x125x80xi32, #tpu.memory_space<hbm>>, %arg4: memref<16x125x80xi32, #tpu.memory_space<hbm>>, %arg5: memref<632x128xf32, #tpu.memory_space<hbm>>, %arg6: memref<10000x256xf32, #tpu.memory_space<hbm>>, %arg7: memref<125x80xi32, #tpu.memory_space<vmem>>, %arg8: memref<80x128xf32, #tpu.memory_space<vmem>>, %arg9: memref<80x128xf32, #tpu.memory_space<vmem>>, %arg10: memref<10112x128xf32, #tpu.memory_space<vmem_shared>>, %arg11: memref<!tpu.dma_semaphore, #tpu.memory_space<semaphore_mem>>, %arg12: memref<!tpu.dma_semaphore, #tpu.memory_space<semaphore_mem>>) attributes {dimension_semantics = [#tpu.dimension_semantics<core_parallel>, #tpu.dimension_semantics<subcore_parallel>], iteration_bounds = array<i64: 2, 16>, scalar_prefetch = 0 : i64, scratch_operands = 6 : i64, tpu.core_type = #tpu.core_type<sc_vector_subcore>, window_params = [{transform_indices = #map}, {transform_indices = #map1}, {transform_indices = #map1}, {transform_indices = #map}, {transform_indices = #map}]} {
    %mul3A = arith.constant 128 : i32
    %mul3A_0 = arith.muli %arg0, %mul3A : i32
    %mul3A_1 = arith.constant 632 : i32
    %mul3A_2 = arith.muli %arg1, %mul3A_1 : i32
    "tpu.region"() ({
      %run_scoped3A_26 = tpu.sem_alloc : memref<!tpu.dma_semaphore, #tpu.memory_space<semaphore_mem>>
      %dma_start3A_27 = arith.constant 0 : i32
      %dma_start3A_28 = tpu.memref_slice %arg10[%mul3A_2, %dma_start3A_27] : memref<10112x128xf32, #tpu.memory_space<vmem_shared>> -> memref<632x128xf32, #tpu.memory_space<vmem_shared>>
      tpu.enqueue_dma source(%arg5 : memref<632x128xf32, #tpu.memory_space<hbm>>) target(%dma_start3A_28 : memref<632x128xf32, #tpu.memory_space<vmem_shared>>) target_semaphore(%run_scoped3A_26 : memref<!tpu.dma_semaphore, #tpu.memory_space<semaphore_mem>>)
      %dma_wait3A_29 = arith.constant 0 : i32
      %dma_wait3A_30 = tpu.memref_slice %arg10[%mul3A_2, %dma_wait3A_29] : memref<10112x128xf32, #tpu.memory_space<vmem_shared>> -> memref<632x128xf32, #tpu.memory_space<vmem_shared>>
      tpu.wait_dma2 semaphore(%run_scoped3A_26 : memref<!tpu.dma_semaphore, #tpu.memory_space<semaphore_mem>>) src(%arg5 : memref<632x128xf32, #tpu.memory_space<hbm>>) dst(%dma_wait3A_30 : memref<632x128xf32, #tpu.memory_space<vmem_shared>>)
      tpu.yield
    }) : () -> ()
    "tpu.region"() ({
      %run_scoped3A_26 = tpu.sem_alloc : memref<!tpu.dma_semaphore, #tpu.memory_space<semaphore_mem>>
      %dma_start3A_27 = arith.constant 0 : i32
      %dma_start3A_28 = arith.constant 0 : i32
      %dma_start3A_29 = tpu.memref_slice %arg3[%arg1, %dma_start3A_27, %dma_start3A_28] : memref<16x125x80xi32, #tpu.memory_space<hbm>> -> memref<1x125x80xi32, #tpu.memory_space<hbm>>
      %dma_start3A_30 = tpu.memref_squeeze %dma_start3A_29 : memref<1x125x80xi32, #tpu.memory_space<hbm>> -> memref<125x80xi32, #tpu.memory_space<hbm>>
      %dma_start3A_31 = arith.constant 0 : i32
      %dma_start3A_32 = arith.constant 0 : i32
      %dma_start3A_33 = tpu.memref_slice %arg3[%arg1, %dma_start3A_31, %dma_start3A_32] : memref<16x125x80xi32, #tpu.memory_space<hbm>> -> memref<1x125x80xi32, #tpu.memory_space<hbm>>
      %dma_start3A_34 = tpu.memref_squeeze %dma_start3A_33 : memref<1x125x80xi32, #tpu.memory_space<hbm>> -> memref<125x80xi32, #tpu.memory_space<hbm>>
      tpu.enqueue_dma source(%dma_start3A_34 : memref<125x80xi32, #tpu.memory_space<hbm>>) target(%arg7 : memref<125x80xi32, #tpu.memory_space<vmem>>) target_semaphore(%run_scoped3A_26 : memref<!tpu.dma_semaphore, #tpu.memory_space<semaphore_mem>>)
      %dma_wait3A_35 = arith.constant 0 : i32
      %dma_wait3A_36 = arith.constant 0 : i32
      %dma_wait3A_37 = tpu.memref_slice %arg3[%arg1, %dma_wait3A_35, %dma_wait3A_36] : memref<16x125x80xi32, #tpu.memory_space<hbm>> -> memref<1x125x80xi32, #tpu.memory_space<hbm>>
      %dma_wait3A_38 = tpu.memref_squeeze %dma_wait3A_37 : memref<1x125x80xi32, #tpu.memory_space<hbm>> -> memref<125x80xi32, #tpu.memory_space<hbm>>
      %dma_wait3A_39 = arith.constant 0 : i32
      %dma_wait3A_40 = arith.constant 0 : i32
      %dma_wait3A_41 = tpu.memref_slice %arg3[%arg1, %dma_wait3A_39, %dma_wait3A_40] : memref<16x125x80xi32, #tpu.memory_space<hbm>> -> memref<1x125x80xi32, #tpu.memory_space<hbm>>
      %dma_wait3A_42 = tpu.memref_squeeze %dma_wait3A_41 : memref<1x125x80xi32, #tpu.memory_space<hbm>> -> memref<125x80xi32, #tpu.memory_space<hbm>>
      tpu.wait_dma2 semaphore(%run_scoped3A_26 : memref<!tpu.dma_semaphore, #tpu.memory_space<semaphore_mem>>) src(%dma_wait3A_42 : memref<125x80xi32, #tpu.memory_space<hbm>>) dst(%arg7 : memref<125x80xi32, #tpu.memory_space<vmem>>)
      tpu.yield
    }) : () -> ()
    %barrier3A = arith.constant 0 : index
    tpu.barrier barrier_id(%barrier3A)
    %mul3A_3 = arith.constant 10000 : i32
    %mul3A_4 = arith.muli %arg1, %mul3A_3 : i32
    %add3A = arith.constant 0 : i32
    %add3A_5 = arith.addi %mul3A_4, %add3A : i32
    %dma_start3A = tpu.memref_slice %arg2[%add3A_5, %mul3A_0] : memref<160000x256xf32, #tpu.memory_space<hbm>> -> memref<80x128xf32, #tpu.memory_space<hbm>>
    %dma_start3A_6 = tpu.memref_slice %arg2[%add3A_5, %mul3A_0] : memref<160000x256xf32, #tpu.memory_space<hbm>> -> memref<80x128xf32, #tpu.memory_space<hbm>>
    tpu.enqueue_dma source(%dma_start3A_6 : memref<80x128xf32, #tpu.memory_space<hbm>>) target(%arg8 : memref<80x128xf32, #tpu.memory_space<vmem>>) target_semaphore(%arg11 : memref<!tpu.dma_semaphore, #tpu.memory_space<semaphore_mem>>)
    %add3A_7 = arith.constant 80 : i32
    %add3A_8 = arith.addi %mul3A_4, %add3A_7 : i32
    %dma_start3A_9 = tpu.memref_slice %arg2[%add3A_8, %mul3A_0] : memref<160000x256xf32, #tpu.memory_space<hbm>> -> memref<80x128xf32, #tpu.memory_space<hbm>>
    %dma_start3A_10 = tpu.memref_slice %arg2[%add3A_8, %mul3A_0] : memref<160000x256xf32, #tpu.memory_space<hbm>> -> memref<80x128xf32, #tpu.memory_space<hbm>>
    tpu.enqueue_dma source(%dma_start3A_10 : memref<80x128xf32, #tpu.memory_space<hbm>>) target(%arg9 : memref<80x128xf32, #tpu.memory_space<vmem>>) target_semaphore(%arg12 : memref<!tpu.dma_semaphore, #tpu.memory_space<semaphore_mem>>)
    %scan3A = arith.constant 0 : i32
    %scan3A_11 = arith.constant 0 : i32
    %scan3A_12 = arith.constant 62 : i32
    %scan3A_13 = arith.addi %scan3A_11, %scan3A_12 : i32
    %scan3A_14 = arith.constant 1 : i32
    scf.for %scan3A_26 = %scan3A_11 to %scan3A_13 step %scan3A_14  : i32 {
      %mul3A_27 = arith.constant 2 : i32
      %mul3A_28 = arith.muli %mul3A_27, %scan3A_26 : i32
      %add3A_29 = arith.constant 0 : i32
      %add3A_30 = arith.addi %mul3A_4, %add3A_29 : i32
      %dma_wait3A_31 = tpu.memref_slice %arg2[%add3A_30, %mul3A_0] : memref<160000x256xf32, #tpu.memory_space<hbm>> -> memref<80x128xf32, #tpu.memory_space<hbm>>
      %dma_wait3A_32 = tpu.memref_slice %arg2[%add3A_30, %mul3A_0] : memref<160000x256xf32, #tpu.memory_space<hbm>> -> memref<80x128xf32, #tpu.memory_space<hbm>>
      tpu.wait_dma2 semaphore(%arg11 : memref<!tpu.dma_semaphore, #tpu.memory_space<semaphore_mem>>) src(%dma_wait3A_32 : memref<80x128xf32, #tpu.memory_space<hbm>>) dst(%arg8 : memref<80x128xf32, #tpu.memory_space<vmem>>)
      "tpu.region"() ({
        %run_scoped3A_53 = tpu.sem_alloc : memref<!tpu.dma_semaphore, #tpu.memory_space<semaphore_mem>>
        %dma_start3A_54 = arith.constant 0 : i32
        %dma_start3A_55 = tpu.memref_slice %arg7[%mul3A_28, %dma_start3A_54] : memref<125x80xi32, #tpu.memory_space<vmem>> -> memref<1x80xi32, #tpu.memory_space<vmem>>
        %dma_start3A_56 = tpu.memref_squeeze %dma_start3A_55 : memref<1x80xi32, #tpu.memory_space<vmem>> -> memref<80xi32, #tpu.memory_space<vmem>>
        %dma_start3A_57 = arith.constant 0 : i32
        %dma_start3A_58 = arith.constant 0 : i32
        %dma_start3A_59 = tpu.memref_slice %arg10[%dma_start3A_57, %dma_start3A_58] : memref<10112x128xf32, #tpu.memory_space<vmem_shared>> -> memref<10112x128xf32, #tpu.memory_space<vmem_shared>>
        tpu.enqueue_indirect_dma source(%arg8 : memref<80x128xf32, #tpu.memory_space<vmem>>) target(%dma_start3A_59 : memref<10112x128xf32, #tpu.memory_space<vmem_shared>>) offsets(%dma_start3A_56 : memref<80xi32, #tpu.memory_space<vmem>>) semaphore(%run_scoped3A_53 : memref<!tpu.dma_semaphore, #tpu.memory_space<semaphore_mem>>) {add = true}
        %dma_wait3A_60 = arith.constant 0 : i32
        %dma_wait3A_61 = tpu.memref_slice %arg7[%mul3A_28, %dma_wait3A_60] : memref<125x80xi32, #tpu.memory_space<vmem>> -> memref<1x80xi32, #tpu.memory_space<vmem>>
        %dma_wait3A_62 = tpu.memref_squeeze %dma_wait3A_61 : memref<1x80xi32, #tpu.memory_space<vmem>> -> memref<80xi32, #tpu.memory_space<vmem>>
        %dma_wait3A_63 = arith.constant 0 : i32
        %dma_wait3A_64 = arith.constant 0 : i32
        %dma_wait3A_65 = tpu.memref_slice %arg10[%dma_wait3A_63, %dma_wait3A_64] : memref<10112x128xf32, #tpu.memory_space<vmem_shared>> -> memref<10112x128xf32, #tpu.memory_space<vmem_shared>>
        tpu.wait_indirect_dma semaphore(%run_scoped3A_53 : memref<!tpu.dma_semaphore, #tpu.memory_space<semaphore_mem>>) src(%arg8 : memref<80x128xf32, #tpu.memory_space<vmem>>) dst(%dma_wait3A_65 : memref<10112x128xf32, #tpu.memory_space<vmem_shared>>)
        tpu.yield
      }) : () -> ()
      %add3A_33 = arith.constant 2 : i32
      %add3A_34 = arith.addi %mul3A_28, %add3A_33 : i32
      %lt3A_35 = arith.constant 125 : i32
      %lt3A_36 = arith.cmpi slt, %add3A_34, %lt3A_35 : i32
      %convert_element_type3A_37 = arith.extui %lt3A_36 : i1 to i32
      %cond3A_38 = arith.constant 0 : i32
      %cond3A_39 = arith.cmpi ne, %convert_element_type3A_37, %cond3A_38 : i32
      scf.if %cond3A_39 {
        %add3A_53 = arith.constant 2 : i32
        %add3A_54 = arith.addi %mul3A_28, %add3A_53 : i32
        %mul3A_55 = arith.constant 80 : i32
        %mul3A_56 = arith.muli %add3A_54, %mul3A_55 : i32
        %add3A_57 = arith.addi %mul3A_4, %mul3A_56 : i32
        %dma_start3A_58 = tpu.memref_slice %arg2[%add3A_57, %mul3A_0] : memref<160000x256xf32, #tpu.memory_space<hbm>> -> memref<80x128xf32, #tpu.memory_space<hbm>>
        %dma_start3A_59 = tpu.memref_slice %arg2[%add3A_57, %mul3A_0] : memref<160000x256xf32, #tpu.memory_space<hbm>> -> memref<80x128xf32, #tpu.memory_space<hbm>>
        tpu.enqueue_dma source(%dma_start3A_59 : memref<80x128xf32, #tpu.memory_space<hbm>>) target(%arg8 : memref<80x128xf32, #tpu.memory_space<vmem>>) target_semaphore(%arg11 : memref<!tpu.dma_semaphore, #tpu.memory_space<semaphore_mem>>)
      } else {
      }
      %add3A_40 = arith.constant 1 : i32
      %add3A_41 = arith.addi %mul3A_28, %add3A_40 : i32
      %add3A_42 = arith.constant 0 : i32
      %add3A_43 = arith.addi %mul3A_4, %add3A_42 : i32
      %dma_wait3A_44 = tpu.memref_slice %arg2[%add3A_43, %mul3A_0] : memref<160000x256xf32, #tpu.memory_space<hbm>> -> memref<80x128xf32, #tpu.memory_space<hbm>>
      %dma_wait3A_45 = tpu.memref_slice %arg2[%add3A_43, %mul3A_0] : memref<160000x256xf32, #tpu.memory_space<hbm>> -> memref<80x128xf32, #tpu.memory_space<hbm>>
      tpu.wait_dma2 semaphore(%arg12 : memref<!tpu.dma_semaphore, #tpu.memory_space<semaphore_mem>>) src(%dma_wait3A_45 : memref<80x128xf32, #tpu.memory_space<hbm>>) dst(%arg9 : memref<80x128xf32, #tpu.memory_space<vmem>>)
      "tpu.region"() ({
        %run_scoped3A_53 = tpu.sem_alloc : memref<!tpu.dma_semaphore, #tpu.memory_space<semaphore_mem>>
        %dma_start3A_54 = arith.constant 0 : i32
        %dma_start3A_55 = tpu.memref_slice %arg7[%add3A_41, %dma_start3A_54] : memref<125x80xi32, #tpu.memory_space<vmem>> -> memref<1x80xi32, #tpu.memory_space<vmem>>
        %dma_start3A_56 = tpu.memref_squeeze %dma_start3A_55 : memref<1x80xi32, #tpu.memory_space<vmem>> -> memref<80xi32, #tpu.memory_space<vmem>>
        %dma_start3A_57 = arith.constant 0 : i32
        %dma_start3A_58 = arith.constant 0 : i32
        %dma_start3A_59 = tpu.memref_slice %arg10[%dma_start3A_57, %dma_start3A_58] : memref<10112x128xf32, #tpu.memory_space<vmem_shared>> -> memref<10112x128xf32, #tpu.memory_space<vmem_shared>>
        tpu.enqueue_indirect_dma source(%arg9 : memref<80x128xf32, #tpu.memory_space<vmem>>) target(%dma_start3A_59 : memref<10112x128xf32, #tpu.memory_space<vmem_shared>>) offsets(%dma_start3A_56 : memref<80xi32, #tpu.memory_space<vmem>>) semaphore(%run_scoped3A_53 : memref<!tpu.dma_semaphore, #tpu.memory_space<semaphore_mem>>) {add = true}
        %dma_wait3A_60 = arith.constant 0 : i32
        %dma_wait3A_61 = tpu.memref_slice %arg7[%add3A_41, %dma_wait3A_60] : memref<125x80xi32, #tpu.memory_space<vmem>> -> memref<1x80xi32, #tpu.memory_space<vmem>>
        %dma_wait3A_62 = tpu.memref_squeeze %dma_wait3A_61 : memref<1x80xi32, #tpu.memory_space<vmem>> -> memref<80xi32, #tpu.memory_space<vmem>>
        %dma_wait3A_63 = arith.constant 0 : i32
        %dma_wait3A_64 = arith.constant 0 : i32
        %dma_wait3A_65 = tpu.memref_slice %arg10[%dma_wait3A_63, %dma_wait3A_64] : memref<10112x128xf32, #tpu.memory_space<vmem_shared>> -> memref<10112x128xf32, #tpu.memory_space<vmem_shared>>
        tpu.wait_indirect_dma semaphore(%run_scoped3A_53 : memref<!tpu.dma_semaphore, #tpu.memory_space<semaphore_mem>>) src(%arg9 : memref<80x128xf32, #tpu.memory_space<vmem>>) dst(%dma_wait3A_65 : memref<10112x128xf32, #tpu.memory_space<vmem_shared>>)
        tpu.yield
      }) : () -> ()
      %add3A_46 = arith.constant 2 : i32
      %add3A_47 = arith.addi %add3A_41, %add3A_46 : i32
      %lt3A_48 = arith.constant 125 : i32
      %lt3A_49 = arith.cmpi slt, %add3A_47, %lt3A_48 : i32
      %convert_element_type3A_50 = arith.extui %lt3A_49 : i1 to i32
      %cond3A_51 = arith.constant 0 : i32
      %cond3A_52 = arith.cmpi ne, %convert_element_type3A_50, %cond3A_51 : i32
      scf.if %cond3A_52 {
        %add3A_53 = arith.constant 2 : i32
        %add3A_54 = arith.addi %add3A_41, %add3A_53 : i32
        %mul3A_55 = arith.constant 80 : i32
        %mul3A_56 = arith.muli %add3A_54, %mul3A_55 : i32
        %add3A_57 = arith.addi %mul3A_4, %mul3A_56 : i32
        %dma_start3A_58 = tpu.memref_slice %arg2[%add3A_57, %mul3A_0] : memref<160000x256xf32, #tpu.memory_space<hbm>> -> memref<80x128xf32, #tpu.memory_space<hbm>>
        %dma_start3A_59 = tpu.memref_slice %arg2[%add3A_57, %mul3A_0] : memref<160000x256xf32, #tpu.memory_space<hbm>> -> memref<80x128xf32, #tpu.memory_space<hbm>>
        tpu.enqueue_dma source(%dma_start3A_59 : memref<80x128xf32, #tpu.memory_space<hbm>>) target(%arg9 : memref<80x128xf32, #tpu.memory_space<vmem>>) target_semaphore(%arg12 : memref<!tpu.dma_semaphore, #tpu.memory_space<semaphore_mem>>)
      } else {
      }
    }
    %scan3A_15 = arith.constant 62 : i32
    %add3A_16 = arith.constant 0 : i32
    %add3A_17 = arith.addi %mul3A_4, %add3A_16 : i32
    %dma_wait3A = tpu.memref_slice %arg2[%add3A_17, %mul3A_0] : memref<160000x256xf32, #tpu.memory_space<hbm>> -> memref<80x128xf32, #tpu.memory_space<hbm>>
    %dma_wait3A_18 = tpu.memref_slice %arg2[%add3A_17, %mul3A_0] : memref<160000x256xf32, #tpu.memory_space<hbm>> -> memref<80x128xf32, #tpu.memory_space<hbm>>
    tpu.wait_dma2 semaphore(%arg11 : memref<!tpu.dma_semaphore, #tpu.memory_space<semaphore_mem>>) src(%dma_wait3A_18 : memref<80x128xf32, #tpu.memory_space<hbm>>) dst(%arg8 : memref<80x128xf32, #tpu.memory_space<vmem>>)
    %run_scoped3A = arith.constant 124 : i32
    "tpu.region"() ({
      %run_scoped3A_26 = tpu.sem_alloc : memref<!tpu.dma_semaphore, #tpu.memory_space<semaphore_mem>>
      %dma_start3A_27 = arith.constant 0 : i32
      %dma_start3A_28 = tpu.memref_slice %arg7[%run_scoped3A, %dma_start3A_27] : memref<125x80xi32, #tpu.memory_space<vmem>> -> memref<1x80xi32, #tpu.memory_space<vmem>>
      %dma_start3A_29 = tpu.memref_squeeze %dma_start3A_28 : memref<1x80xi32, #tpu.memory_space<vmem>> -> memref<80xi32, #tpu.memory_space<vmem>>
      %dma_start3A_30 = arith.constant 0 : i32
      %dma_start3A_31 = arith.constant 0 : i32
      %dma_start3A_32 = tpu.memref_slice %arg10[%dma_start3A_30, %dma_start3A_31] : memref<10112x128xf32, #tpu.memory_space<vmem_shared>> -> memref<10112x128xf32, #tpu.memory_space<vmem_shared>>
      tpu.enqueue_indirect_dma source(%arg8 : memref<80x128xf32, #tpu.memory_space<vmem>>) target(%dma_start3A_32 : memref<10112x128xf32, #tpu.memory_space<vmem_shared>>) offsets(%dma_start3A_29 : memref<80xi32, #tpu.memory_space<vmem>>) semaphore(%run_scoped3A_26 : memref<!tpu.dma_semaphore, #tpu.memory_space<semaphore_mem>>) {add = true}
      %dma_wait3A_33 = arith.constant 0 : i32
      %dma_wait3A_34 = tpu.memref_slice %arg7[%run_scoped3A, %dma_wait3A_33] : memref<125x80xi32, #tpu.memory_space<vmem>> -> memref<1x80xi32, #tpu.memory_space<vmem>>
      %dma_wait3A_35 = tpu.memref_squeeze %dma_wait3A_34 : memref<1x80xi32, #tpu.memory_space<vmem>> -> memref<80xi32, #tpu.memory_space<vmem>>
      %dma_wait3A_36 = arith.constant 0 : i32
      %dma_wait3A_37 = arith.constant 0 : i32
      %dma_wait3A_38 = tpu.memref_slice %arg10[%dma_wait3A_36, %dma_wait3A_37] : memref<10112x128xf32, #tpu.memory_space<vmem_shared>> -> memref<10112x128xf32, #tpu.memory_space<vmem_shared>>
      tpu.wait_indirect_dma semaphore(%run_scoped3A_26 : memref<!tpu.dma_semaphore, #tpu.memory_space<semaphore_mem>>) src(%arg8 : memref<80x128xf32, #tpu.memory_space<vmem>>) dst(%dma_wait3A_38 : memref<10112x128xf32, #tpu.memory_space<vmem_shared>>)
      tpu.yield
    }) : () -> ()
    %barrier3A_19 = arith.constant 0 : index
    tpu.barrier barrier_id(%barrier3A_19)
    %lt3A = arith.constant 15 : i32
    %lt3A_20 = arith.cmpi slt, %arg1, %lt3A : i32
    %convert_element_type3A = arith.extui %lt3A_20 : i1 to i32
    %cond3A = arith.constant 0 : i32
    %cond3A_21 = arith.cmpi ne, %convert_element_type3A, %cond3A : i32
    scf.if %cond3A_21 {
      %mul3A_26 = arith.constant 632 : i32
      %mul3A_27 = arith.muli %arg1, %mul3A_26 : i32
      %mul3A_28 = arith.constant 632 : i32
      %mul3A_29 = arith.muli %arg1, %mul3A_28 : i32
      "tpu.region"() ({
        %run_scoped3A_30 = tpu.sem_alloc : memref<!tpu.dma_semaphore, #tpu.memory_space<semaphore_mem>>
        %dma_start3A_31 = tpu.memref_slice %arg6[%mul3A_29, %mul3A_0] : memref<10000x256xf32, #tpu.memory_space<hbm>> -> memref<632x128xf32, #tpu.memory_space<hbm>>
        %dma_start3A_32 = arith.constant 0 : i32
        %dma_start3A_33 = tpu.memref_slice %arg10[%mul3A_27, %dma_start3A_32] : memref<10112x128xf32, #tpu.memory_space<vmem_shared>> -> memref<632x128xf32, #tpu.memory_space<vmem_shared>>
        tpu.enqueue_dma source(%dma_start3A_33 : memref<632x128xf32, #tpu.memory_space<vmem_shared>>) target(%dma_start3A_31 : memref<632x128xf32, #tpu.memory_space<hbm>>) target_semaphore(%run_scoped3A_30 : memref<!tpu.dma_semaphore, #tpu.memory_space<semaphore_mem>>)
        %dma_wait3A_34 = tpu.memref_slice %arg6[%mul3A_29, %mul3A_0] : memref<10000x256xf32, #tpu.memory_space<hbm>> -> memref<632x128xf32, #tpu.memory_space<hbm>>
        %dma_wait3A_35 = arith.constant 0 : i32
        %dma_wait3A_36 = tpu.memref_slice %arg10[%mul3A_27, %dma_wait3A_35] : memref<10112x128xf32, #tpu.memory_space<vmem_shared>> -> memref<632x128xf32, #tpu.memory_space<vmem_shared>>
        tpu.wait_dma2 semaphore(%run_scoped3A_30 : memref<!tpu.dma_semaphore, #tpu.memory_space<semaphore_mem>>) src(%dma_wait3A_36 : memref<632x128xf32, #tpu.memory_space<vmem_shared>>) dst(%dma_wait3A_34 : memref<632x128xf32, #tpu.memory_space<hbm>>)
        tpu.yield
      }) : () -> ()
    } else {
    }
    %eq3A = arith.constant 15 : i32
    %eq3A_22 = arith.cmpi eq, %arg1, %eq3A : i32
    %convert_element_type3A_23 = arith.extui %eq3A_22 : i1 to i32
    %cond3A_24 = arith.constant 0 : i32
    %cond3A_25 = arith.cmpi ne, %convert_element_type3A_23, %cond3A_24 : i32
    scf.if %cond3A_25 {
      "tpu.region"() ({
        %run_scoped3A_26 = tpu.sem_alloc : memref<!tpu.dma_semaphore, #tpu.memory_space<semaphore_mem>>
        %dma_start3A_27 = arith.constant 9480 : i32
        %dma_start3A_28 = tpu.memref_slice %arg6[%dma_start3A_27, %mul3A_0] : memref<10000x256xf32, #tpu.memory_space<hbm>> -> memref<520x128xf32, #tpu.memory_space<hbm>>
        %dma_start3A_29 = arith.constant 9480 : i32
        %dma_start3A_30 = arith.constant 0 : i32
        %dma_start3A_31 = tpu.memref_slice %arg10[%dma_start3A_29, %dma_start3A_30] : memref<10112x128xf32, #tpu.memory_space<vmem_shared>> -> memref<520x128xf32, #tpu.memory_space<vmem_shared>>
        tpu.enqueue_dma source(%dma_start3A_31 : memref<520x128xf32, #tpu.memory_space<vmem_shared>>) target(%dma_start3A_28 : memref<520x128xf32, #tpu.memory_space<hbm>>) target_semaphore(%run_scoped3A_26 : memref<!tpu.dma_semaphore, #tpu.memory_space<semaphore_mem>>)
        %dma_wait3A_32 = arith.constant 9480 : i32
        %dma_wait3A_33 = tpu.memref_slice %arg6[%dma_wait3A_32, %mul3A_0] : memref<10000x256xf32, #tpu.memory_space<hbm>> -> memref<520x128xf32, #tpu.memory_space<hbm>>
        %dma_wait3A_34 = arith.constant 9480 : i32
        %dma_wait3A_35 = arith.constant 0 : i32
        %dma_wait3A_36 = tpu.memref_slice %arg10[%dma_wait3A_34, %dma_wait3A_35] : memref<10112x128xf32, #tpu.memory_space<vmem_shared>> -> memref<520x128xf32, #tpu.memory_space<vmem_shared>>
        tpu.wait_dma2 semaphore(%run_scoped3A_26 : memref<!tpu.dma_semaphore, #tpu.memory_space<semaphore_mem>>) src(%dma_wait3A_36 : memref<520x128xf32, #tpu.memory_space<vmem_shared>>) dst(%dma_wait3A_33 : memref<520x128xf32, #tpu.memory_space<hbm>>)
        tpu.yield
      }) : () -> ()
    } else {
    }
    return
  }
}

#map = affine_map<(d0, d1) -> (0, 0)>
#map1 = affine_map<(d0, d1) -> (0, 0, 0)>
module attributes {stable_mosaic.version = 14 : i64} {
  func.func @body(%arg0: i32, %arg1: i32, %arg2: memref<160000x256xf32, #tpu.memory_space<hbm>>, %arg3: memref<16x125x80xi32, #tpu.memory_space<hbm>>, %arg4: memref<16x125x80xi32, #tpu.memory_space<hbm>>, %arg5: memref<632x128xf32, #tpu.memory_space<hbm>>, %arg6: memref<160000x256xf32, #tpu.memory_space<hbm>>, %arg7: memref<125x80xi32, #tpu.memory_space<vmem>>, %arg8: memref<80x128xf32, #tpu.memory_space<vmem>>, %arg9: memref<80x128xf32, #tpu.memory_space<vmem>>, %arg10: memref<10112x128xf32, #tpu.memory_space<vmem_shared>>, %arg11: memref<!tpu.dma_semaphore, #tpu.memory_space<semaphore_mem>>, %arg12: memref<!tpu.dma_semaphore, #tpu.memory_space<semaphore_mem>>) attributes {dimension_semantics = [#tpu.dimension_semantics<core_parallel>, #tpu.dimension_semantics<subcore_parallel>], iteration_bounds = array<i64: 2, 16>, scalar_prefetch = 0 : i64, scratch_operands = 6 : i64, tpu.core_type = #tpu.core_type<sc_vector_subcore>, window_params = [{transform_indices = #map}, {transform_indices = #map1}, {transform_indices = #map1}, {transform_indices = #map}, {transform_indices = #map}]} {
    %mul3A = arith.constant 128 : i32
    %mul3A_0 = arith.muli %arg0, %mul3A : i32
    %mul3A_1 = arith.constant 632 : i32
    %mul3A_2 = arith.muli %arg1, %mul3A_1 : i32
    "tpu.region"() ({
      %run_scoped3A_43 = tpu.sem_alloc : memref<!tpu.dma_semaphore, #tpu.memory_space<semaphore_mem>>
      %dma_start3A_44 = arith.constant 0 : i32
      %dma_start3A_45 = tpu.memref_slice %arg10[%mul3A_2, %dma_start3A_44] : memref<10112x128xf32, #tpu.memory_space<vmem_shared>> -> memref<632x128xf32, #tpu.memory_space<vmem_shared>>
      tpu.enqueue_dma source(%arg5 : memref<632x128xf32, #tpu.memory_space<hbm>>) target(%dma_start3A_45 : memref<632x128xf32, #tpu.memory_space<vmem_shared>>) target_semaphore(%run_scoped3A_43 : memref<!tpu.dma_semaphore, #tpu.memory_space<semaphore_mem>>)
      %dma_wait3A_46 = arith.constant 0 : i32
      %dma_wait3A_47 = tpu.memref_slice %arg10[%mul3A_2, %dma_wait3A_46] : memref<10112x128xf32, #tpu.memory_space<vmem_shared>> -> memref<632x128xf32, #tpu.memory_space<vmem_shared>>
      tpu.wait_dma2 semaphore(%run_scoped3A_43 : memref<!tpu.dma_semaphore, #tpu.memory_space<semaphore_mem>>) src(%arg5 : memref<632x128xf32, #tpu.memory_space<hbm>>) dst(%dma_wait3A_47 : memref<632x128xf32, #tpu.memory_space<vmem_shared>>)
      tpu.yield
    }) : () -> ()
    "tpu.region"() ({
      %run_scoped3A_43 = tpu.sem_alloc : memref<!tpu.dma_semaphore, #tpu.memory_space<semaphore_mem>>
      %dma_start3A_44 = arith.constant 0 : i32
      %dma_start3A_45 = arith.constant 0 : i32
      %dma_start3A_46 = tpu.memref_slice %arg3[%arg1, %dma_start3A_44, %dma_start3A_45] : memref<16x125x80xi32, #tpu.memory_space<hbm>> -> memref<1x125x80xi32, #tpu.memory_space<hbm>>
      %dma_start3A_47 = tpu.memref_squeeze %dma_start3A_46 : memref<1x125x80xi32, #tpu.memory_space<hbm>> -> memref<125x80xi32, #tpu.memory_space<hbm>>
      %dma_start3A_48 = arith.constant 0 : i32
      %dma_start3A_49 = arith.constant 0 : i32
      %dma_start3A_50 = tpu.memref_slice %arg3[%arg1, %dma_start3A_48, %dma_start3A_49] : memref<16x125x80xi32, #tpu.memory_space<hbm>> -> memref<1x125x80xi32, #tpu.memory_space<hbm>>
      %dma_start3A_51 = tpu.memref_squeeze %dma_start3A_50 : memref<1x125x80xi32, #tpu.memory_space<hbm>> -> memref<125x80xi32, #tpu.memory_space<hbm>>
      tpu.enqueue_dma source(%dma_start3A_51 : memref<125x80xi32, #tpu.memory_space<hbm>>) target(%arg7 : memref<125x80xi32, #tpu.memory_space<vmem>>) target_semaphore(%run_scoped3A_43 : memref<!tpu.dma_semaphore, #tpu.memory_space<semaphore_mem>>)
      %dma_wait3A_52 = arith.constant 0 : i32
      %dma_wait3A_53 = arith.constant 0 : i32
      %dma_wait3A_54 = tpu.memref_slice %arg3[%arg1, %dma_wait3A_52, %dma_wait3A_53] : memref<16x125x80xi32, #tpu.memory_space<hbm>> -> memref<1x125x80xi32, #tpu.memory_space<hbm>>
      %dma_wait3A_55 = tpu.memref_squeeze %dma_wait3A_54 : memref<1x125x80xi32, #tpu.memory_space<hbm>> -> memref<125x80xi32, #tpu.memory_space<hbm>>
      %dma_wait3A_56 = arith.constant 0 : i32
      %dma_wait3A_57 = arith.constant 0 : i32
      %dma_wait3A_58 = tpu.memref_slice %arg3[%arg1, %dma_wait3A_56, %dma_wait3A_57] : memref<16x125x80xi32, #tpu.memory_space<hbm>> -> memref<1x125x80xi32, #tpu.memory_space<hbm>>
      %dma_wait3A_59 = tpu.memref_squeeze %dma_wait3A_58 : memref<1x125x80xi32, #tpu.memory_space<hbm>> -> memref<125x80xi32, #tpu.memory_space<hbm>>
      tpu.wait_dma2 semaphore(%run_scoped3A_43 : memref<!tpu.dma_semaphore, #tpu.memory_space<semaphore_mem>>) src(%dma_wait3A_59 : memref<125x80xi32, #tpu.memory_space<hbm>>) dst(%arg7 : memref<125x80xi32, #tpu.memory_space<vmem>>)
      tpu.yield
    }) : () -> ()
    %barrier3A = arith.constant 0 : index
    tpu.barrier barrier_id(%barrier3A)
    %mul3A_3 = arith.constant 10000 : i32
    %mul3A_4 = arith.muli %arg1, %mul3A_3 : i32
    %add3A = arith.constant 0 : i32
    %add3A_5 = arith.addi %mul3A_4, %add3A : i32
    %dma_start3A = tpu.memref_slice %arg2[%add3A_5, %mul3A_0] : memref<160000x256xf32, #tpu.memory_space<hbm>> -> memref<80x128xf32, #tpu.memory_space<hbm>>
    %dma_start3A_6 = tpu.memref_slice %arg2[%add3A_5, %mul3A_0] : memref<160000x256xf32, #tpu.memory_space<hbm>> -> memref<80x128xf32, #tpu.memory_space<hbm>>
    tpu.enqueue_dma source(%dma_start3A_6 : memref<80x128xf32, #tpu.memory_space<hbm>>) target(%arg8 : memref<80x128xf32, #tpu.memory_space<vmem>>) target_semaphore(%arg11 : memref<!tpu.dma_semaphore, #tpu.memory_space<semaphore_mem>>)
    %add3A_7 = arith.constant 80 : i32
    %add3A_8 = arith.addi %mul3A_4, %add3A_7 : i32
    %dma_start3A_9 = tpu.memref_slice %arg2[%add3A_8, %mul3A_0] : memref<160000x256xf32, #tpu.memory_space<hbm>> -> memref<80x128xf32, #tpu.memory_space<hbm>>
    %dma_start3A_10 = tpu.memref_slice %arg2[%add3A_8, %mul3A_0] : memref<160000x256xf32, #tpu.memory_space<hbm>> -> memref<80x128xf32, #tpu.memory_space<hbm>>
    tpu.enqueue_dma source(%dma_start3A_10 : memref<80x128xf32, #tpu.memory_space<hbm>>) target(%arg9 : memref<80x128xf32, #tpu.memory_space<vmem>>) target_semaphore(%arg12 : memref<!tpu.dma_semaphore, #tpu.memory_space<semaphore_mem>>)
    %scan3A = arith.constant 0 : i32
    %scan3A_11 = arith.constant 0 : i32
    %scan3A_12 = arith.constant 62 : i32
    %scan3A_13 = arith.addi %scan3A_11, %scan3A_12 : i32
    %scan3A_14 = arith.constant 1 : i32
    scf.for %scan3A_43 = %scan3A_11 to %scan3A_13 step %scan3A_14  : i32 {
      %mul3A_44 = arith.constant 2 : i32
      %mul3A_45 = arith.muli %mul3A_44, %scan3A_43 : i32
      %add3A_46 = arith.constant 0 : i32
      %add3A_47 = arith.addi %mul3A_4, %add3A_46 : i32
      %dma_wait3A_48 = tpu.memref_slice %arg2[%add3A_47, %mul3A_0] : memref<160000x256xf32, #tpu.memory_space<hbm>> -> memref<80x128xf32, #tpu.memory_space<hbm>>
      %dma_wait3A_49 = tpu.memref_slice %arg2[%add3A_47, %mul3A_0] : memref<160000x256xf32, #tpu.memory_space<hbm>> -> memref<80x128xf32, #tpu.memory_space<hbm>>
      tpu.wait_dma2 semaphore(%arg11 : memref<!tpu.dma_semaphore, #tpu.memory_space<semaphore_mem>>) src(%dma_wait3A_49 : memref<80x128xf32, #tpu.memory_space<hbm>>) dst(%arg8 : memref<80x128xf32, #tpu.memory_space<vmem>>)
      "tpu.region"() ({
        %run_scoped3A_67 = tpu.sem_alloc : memref<!tpu.dma_semaphore, #tpu.memory_space<semaphore_mem>>
        %dma_start3A_68 = arith.constant 0 : i32
        %dma_start3A_69 = tpu.memref_slice %arg7[%mul3A_45, %dma_start3A_68] : memref<125x80xi32, #tpu.memory_space<vmem>> -> memref<1x80xi32, #tpu.memory_space<vmem>>
        %dma_start3A_70 = tpu.memref_squeeze %dma_start3A_69 : memref<1x80xi32, #tpu.memory_space<vmem>> -> memref<80xi32, #tpu.memory_space<vmem>>
        %dma_start3A_71 = arith.constant 0 : i32
        %dma_start3A_72 = arith.constant 0 : i32
        %dma_start3A_73 = tpu.memref_slice %arg10[%dma_start3A_71, %dma_start3A_72] : memref<10112x128xf32, #tpu.memory_space<vmem_shared>> -> memref<10112x128xf32, #tpu.memory_space<vmem_shared>>
        tpu.enqueue_indirect_dma source(%arg8 : memref<80x128xf32, #tpu.memory_space<vmem>>) target(%dma_start3A_73 : memref<10112x128xf32, #tpu.memory_space<vmem_shared>>) offsets(%dma_start3A_70 : memref<80xi32, #tpu.memory_space<vmem>>) semaphore(%run_scoped3A_67 : memref<!tpu.dma_semaphore, #tpu.memory_space<semaphore_mem>>) {add = true}
        %dma_wait3A_74 = arith.constant 0 : i32
        %dma_wait3A_75 = tpu.memref_slice %arg7[%mul3A_45, %dma_wait3A_74] : memref<125x80xi32, #tpu.memory_space<vmem>> -> memref<1x80xi32, #tpu.memory_space<vmem>>
        %dma_wait3A_76 = tpu.memref_squeeze %dma_wait3A_75 : memref<1x80xi32, #tpu.memory_space<vmem>> -> memref<80xi32, #tpu.memory_space<vmem>>
        %dma_wait3A_77 = arith.constant 0 : i32
        %dma_wait3A_78 = arith.constant 0 : i32
        %dma_wait3A_79 = tpu.memref_slice %arg10[%dma_wait3A_77, %dma_wait3A_78] : memref<10112x128xf32, #tpu.memory_space<vmem_shared>> -> memref<10112x128xf32, #tpu.memory_space<vmem_shared>>
        tpu.wait_indirect_dma semaphore(%run_scoped3A_67 : memref<!tpu.dma_semaphore, #tpu.memory_space<semaphore_mem>>) src(%arg8 : memref<80x128xf32, #tpu.memory_space<vmem>>) dst(%dma_wait3A_79 : memref<10112x128xf32, #tpu.memory_space<vmem_shared>>)
        tpu.yield
      }) : () -> ()
      %add3A_50 = arith.constant 2 : i32
      %add3A_51 = arith.addi %mul3A_45, %add3A_50 : i32
      %lt3A = arith.constant 125 : i32
      %lt3A_52 = arith.cmpi slt, %add3A_51, %lt3A : i32
      %convert_element_type3A = arith.extui %lt3A_52 : i1 to i32
      %cond3A = arith.constant 0 : i32
      %cond3A_53 = arith.cmpi ne, %convert_element_type3A, %cond3A : i32
      scf.if %cond3A_53 {
        %add3A_67 = arith.constant 2 : i32
        %add3A_68 = arith.addi %mul3A_45, %add3A_67 : i32
        %mul3A_69 = arith.constant 80 : i32
        %mul3A_70 = arith.muli %add3A_68, %mul3A_69 : i32
        %add3A_71 = arith.addi %mul3A_4, %mul3A_70 : i32
        %dma_start3A_72 = tpu.memref_slice %arg2[%add3A_71, %mul3A_0] : memref<160000x256xf32, #tpu.memory_space<hbm>> -> memref<80x128xf32, #tpu.memory_space<hbm>>
        %dma_start3A_73 = tpu.memref_slice %arg2[%add3A_71, %mul3A_0] : memref<160000x256xf32, #tpu.memory_space<hbm>> -> memref<80x128xf32, #tpu.memory_space<hbm>>
        tpu.enqueue_dma source(%dma_start3A_73 : memref<80x128xf32, #tpu.memory_space<hbm>>) target(%arg8 : memref<80x128xf32, #tpu.memory_space<vmem>>) target_semaphore(%arg11 : memref<!tpu.dma_semaphore, #tpu.memory_space<semaphore_mem>>)
      } else {
      }
      %add3A_54 = arith.constant 1 : i32
      %add3A_55 = arith.addi %mul3A_45, %add3A_54 : i32
      %add3A_56 = arith.constant 0 : i32
      %add3A_57 = arith.addi %mul3A_4, %add3A_56 : i32
      %dma_wait3A_58 = tpu.memref_slice %arg2[%add3A_57, %mul3A_0] : memref<160000x256xf32, #tpu.memory_space<hbm>> -> memref<80x128xf32, #tpu.memory_space<hbm>>
      %dma_wait3A_59 = tpu.memref_slice %arg2[%add3A_57, %mul3A_0] : memref<160000x256xf32, #tpu.memory_space<hbm>> -> memref<80x128xf32, #tpu.memory_space<hbm>>
      tpu.wait_dma2 semaphore(%arg12 : memref<!tpu.dma_semaphore, #tpu.memory_space<semaphore_mem>>) src(%dma_wait3A_59 : memref<80x128xf32, #tpu.memory_space<hbm>>) dst(%arg9 : memref<80x128xf32, #tpu.memory_space<vmem>>)
      "tpu.region"() ({
        %run_scoped3A_67 = tpu.sem_alloc : memref<!tpu.dma_semaphore, #tpu.memory_space<semaphore_mem>>
        %dma_start3A_68 = arith.constant 0 : i32
        %dma_start3A_69 = tpu.memref_slice %arg7[%add3A_55, %dma_start3A_68] : memref<125x80xi32, #tpu.memory_space<vmem>> -> memref<1x80xi32, #tpu.memory_space<vmem>>
        %dma_start3A_70 = tpu.memref_squeeze %dma_start3A_69 : memref<1x80xi32, #tpu.memory_space<vmem>> -> memref<80xi32, #tpu.memory_space<vmem>>
        %dma_start3A_71 = arith.constant 0 : i32
        %dma_start3A_72 = arith.constant 0 : i32
        %dma_start3A_73 = tpu.memref_slice %arg10[%dma_start3A_71, %dma_start3A_72] : memref<10112x128xf32, #tpu.memory_space<vmem_shared>> -> memref<10112x128xf32, #tpu.memory_space<vmem_shared>>
        tpu.enqueue_indirect_dma source(%arg9 : memref<80x128xf32, #tpu.memory_space<vmem>>) target(%dma_start3A_73 : memref<10112x128xf32, #tpu.memory_space<vmem_shared>>) offsets(%dma_start3A_70 : memref<80xi32, #tpu.memory_space<vmem>>) semaphore(%run_scoped3A_67 : memref<!tpu.dma_semaphore, #tpu.memory_space<semaphore_mem>>) {add = true}
        %dma_wait3A_74 = arith.constant 0 : i32
        %dma_wait3A_75 = tpu.memref_slice %arg7[%add3A_55, %dma_wait3A_74] : memref<125x80xi32, #tpu.memory_space<vmem>> -> memref<1x80xi32, #tpu.memory_space<vmem>>
        %dma_wait3A_76 = tpu.memref_squeeze %dma_wait3A_75 : memref<1x80xi32, #tpu.memory_space<vmem>> -> memref<80xi32, #tpu.memory_space<vmem>>
        %dma_wait3A_77 = arith.constant 0 : i32
        %dma_wait3A_78 = arith.constant 0 : i32
        %dma_wait3A_79 = tpu.memref_slice %arg10[%dma_wait3A_77, %dma_wait3A_78] : memref<10112x128xf32, #tpu.memory_space<vmem_shared>> -> memref<10112x128xf32, #tpu.memory_space<vmem_shared>>
        tpu.wait_indirect_dma semaphore(%run_scoped3A_67 : memref<!tpu.dma_semaphore, #tpu.memory_space<semaphore_mem>>) src(%arg9 : memref<80x128xf32, #tpu.memory_space<vmem>>) dst(%dma_wait3A_79 : memref<10112x128xf32, #tpu.memory_space<vmem_shared>>)
        tpu.yield
      }) : () -> ()
      %add3A_60 = arith.constant 2 : i32
      %add3A_61 = arith.addi %add3A_55, %add3A_60 : i32
      %lt3A_62 = arith.constant 125 : i32
      %lt3A_63 = arith.cmpi slt, %add3A_61, %lt3A_62 : i32
      %convert_element_type3A_64 = arith.extui %lt3A_63 : i1 to i32
      %cond3A_65 = arith.constant 0 : i32
      %cond3A_66 = arith.cmpi ne, %convert_element_type3A_64, %cond3A_65 : i32
      scf.if %cond3A_66 {
        %add3A_67 = arith.constant 2 : i32
        %add3A_68 = arith.addi %add3A_55, %add3A_67 : i32
        %mul3A_69 = arith.constant 80 : i32
        %mul3A_70 = arith.muli %add3A_68, %mul3A_69 : i32
        %add3A_71 = arith.addi %mul3A_4, %mul3A_70 : i32
        %dma_start3A_72 = tpu.memref_slice %arg2[%add3A_71, %mul3A_0] : memref<160000x256xf32, #tpu.memory_space<hbm>> -> memref<80x128xf32, #tpu.memory_space<hbm>>
        %dma_start3A_73 = tpu.memref_slice %arg2[%add3A_71, %mul3A_0] : memref<160000x256xf32, #tpu.memory_space<hbm>> -> memref<80x128xf32, #tpu.memory_space<hbm>>
        tpu.enqueue_dma source(%dma_start3A_73 : memref<80x128xf32, #tpu.memory_space<hbm>>) target(%arg9 : memref<80x128xf32, #tpu.memory_space<vmem>>) target_semaphore(%arg12 : memref<!tpu.dma_semaphore, #tpu.memory_space<semaphore_mem>>)
      } else {
      }
    }
    %scan3A_15 = arith.constant 62 : i32
    %add3A_16 = arith.constant 0 : i32
    %add3A_17 = arith.addi %mul3A_4, %add3A_16 : i32
    %dma_wait3A = tpu.memref_slice %arg2[%add3A_17, %mul3A_0] : memref<160000x256xf32, #tpu.memory_space<hbm>> -> memref<80x128xf32, #tpu.memory_space<hbm>>
    %dma_wait3A_18 = tpu.memref_slice %arg2[%add3A_17, %mul3A_0] : memref<160000x256xf32, #tpu.memory_space<hbm>> -> memref<80x128xf32, #tpu.memory_space<hbm>>
    tpu.wait_dma2 semaphore(%arg11 : memref<!tpu.dma_semaphore, #tpu.memory_space<semaphore_mem>>) src(%dma_wait3A_18 : memref<80x128xf32, #tpu.memory_space<hbm>>) dst(%arg8 : memref<80x128xf32, #tpu.memory_space<vmem>>)
    %run_scoped3A = arith.constant 124 : i32
    "tpu.region"() ({
      %run_scoped3A_43 = tpu.sem_alloc : memref<!tpu.dma_semaphore, #tpu.memory_space<semaphore_mem>>
      %dma_start3A_44 = arith.constant 0 : i32
      %dma_start3A_45 = tpu.memref_slice %arg7[%run_scoped3A, %dma_start3A_44] : memref<125x80xi32, #tpu.memory_space<vmem>> -> memref<1x80xi32, #tpu.memory_space<vmem>>
      %dma_start3A_46 = tpu.memref_squeeze %dma_start3A_45 : memref<1x80xi32, #tpu.memory_space<vmem>> -> memref<80xi32, #tpu.memory_space<vmem>>
      %dma_start3A_47 = arith.constant 0 : i32
      %dma_start3A_48 = arith.constant 0 : i32
      %dma_start3A_49 = tpu.memref_slice %arg10[%dma_start3A_47, %dma_start3A_48] : memref<10112x128xf32, #tpu.memory_space<vmem_shared>> -> memref<10112x128xf32, #tpu.memory_space<vmem_shared>>
      tpu.enqueue_indirect_dma source(%arg8 : memref<80x128xf32, #tpu.memory_space<vmem>>) target(%dma_start3A_49 : memref<10112x128xf32, #tpu.memory_space<vmem_shared>>) offsets(%dma_start3A_46 : memref<80xi32, #tpu.memory_space<vmem>>) semaphore(%run_scoped3A_43 : memref<!tpu.dma_semaphore, #tpu.memory_space<semaphore_mem>>) {add = true}
      %dma_wait3A_50 = arith.constant 0 : i32
      %dma_wait3A_51 = tpu.memref_slice %arg7[%run_scoped3A, %dma_wait3A_50] : memref<125x80xi32, #tpu.memory_space<vmem>> -> memref<1x80xi32, #tpu.memory_space<vmem>>
      %dma_wait3A_52 = tpu.memref_squeeze %dma_wait3A_51 : memref<1x80xi32, #tpu.memory_space<vmem>> -> memref<80xi32, #tpu.memory_space<vmem>>
      %dma_wait3A_53 = arith.constant 0 : i32
      %dma_wait3A_54 = arith.constant 0 : i32
      %dma_wait3A_55 = tpu.memref_slice %arg10[%dma_wait3A_53, %dma_wait3A_54] : memref<10112x128xf32, #tpu.memory_space<vmem_shared>> -> memref<10112x128xf32, #tpu.memory_space<vmem_shared>>
      tpu.wait_indirect_dma semaphore(%run_scoped3A_43 : memref<!tpu.dma_semaphore, #tpu.memory_space<semaphore_mem>>) src(%arg8 : memref<80x128xf32, #tpu.memory_space<vmem>>) dst(%dma_wait3A_55 : memref<10112x128xf32, #tpu.memory_space<vmem_shared>>)
      tpu.yield
    }) : () -> ()
    %barrier3A_19 = arith.constant 0 : index
    tpu.barrier barrier_id(%barrier3A_19)
    "tpu.region"() ({
      %run_scoped3A_43 = tpu.sem_alloc : memref<!tpu.dma_semaphore, #tpu.memory_space<semaphore_mem>>
      %dma_start3A_44 = arith.constant 0 : i32
      %dma_start3A_45 = arith.constant 0 : i32
      %dma_start3A_46 = tpu.memref_slice %arg4[%arg1, %dma_start3A_44, %dma_start3A_45] : memref<16x125x80xi32, #tpu.memory_space<hbm>> -> memref<1x125x80xi32, #tpu.memory_space<hbm>>
      %dma_start3A_47 = tpu.memref_squeeze %dma_start3A_46 : memref<1x125x80xi32, #tpu.memory_space<hbm>> -> memref<125x80xi32, #tpu.memory_space<hbm>>
      %dma_start3A_48 = arith.constant 0 : i32
      %dma_start3A_49 = arith.constant 0 : i32
      %dma_start3A_50 = tpu.memref_slice %arg4[%arg1, %dma_start3A_48, %dma_start3A_49] : memref<16x125x80xi32, #tpu.memory_space<hbm>> -> memref<1x125x80xi32, #tpu.memory_space<hbm>>
      %dma_start3A_51 = tpu.memref_squeeze %dma_start3A_50 : memref<1x125x80xi32, #tpu.memory_space<hbm>> -> memref<125x80xi32, #tpu.memory_space<hbm>>
      tpu.enqueue_dma source(%dma_start3A_51 : memref<125x80xi32, #tpu.memory_space<hbm>>) target(%arg7 : memref<125x80xi32, #tpu.memory_space<vmem>>) target_semaphore(%run_scoped3A_43 : memref<!tpu.dma_semaphore, #tpu.memory_space<semaphore_mem>>)
      %dma_wait3A_52 = arith.constant 0 : i32
      %dma_wait3A_53 = arith.constant 0 : i32
      %dma_wait3A_54 = tpu.memref_slice %arg4[%arg1, %dma_wait3A_52, %dma_wait3A_53] : memref<16x125x80xi32, #tpu.memory_space<hbm>> -> memref<1x125x80xi32, #tpu.memory_space<hbm>>
      %dma_wait3A_55 = tpu.memref_squeeze %dma_wait3A_54 : memref<1x125x80xi32, #tpu.memory_space<hbm>> -> memref<125x80xi32, #tpu.memory_space<hbm>>
      %dma_wait3A_56 = arith.constant 0 : i32
      %dma_wait3A_57 = arith.constant 0 : i32
      %dma_wait3A_58 = tpu.memref_slice %arg4[%arg1, %dma_wait3A_56, %dma_wait3A_57] : memref<16x125x80xi32, #tpu.memory_space<hbm>> -> memref<1x125x80xi32, #tpu.memory_space<hbm>>
      %dma_wait3A_59 = tpu.memref_squeeze %dma_wait3A_58 : memref<1x125x80xi32, #tpu.memory_space<hbm>> -> memref<125x80xi32, #tpu.memory_space<hbm>>
      tpu.wait_dma2 semaphore(%run_scoped3A_43 : memref<!tpu.dma_semaphore, #tpu.memory_space<semaphore_mem>>) src(%dma_wait3A_59 : memref<125x80xi32, #tpu.memory_space<hbm>>) dst(%arg7 : memref<125x80xi32, #tpu.memory_space<vmem>>)
      tpu.yield
    }) : () -> ()
    %scan3A_20 = arith.constant 0 : i32
    %scan3A_21 = arith.constant 0 : i32
    %scan3A_22 = arith.constant 62 : i32
    %scan3A_23 = arith.addi %scan3A_21, %scan3A_22 : i32
    %scan3A_24 = arith.constant 1 : i32
    scf.for %scan3A_43 = %scan3A_21 to %scan3A_23 step %scan3A_24  : i32 {
      %mul3A_44 = arith.constant 2 : i32
      %mul3A_45 = arith.muli %mul3A_44, %scan3A_43 : i32
      %ge3A = arith.constant 2 : i32
      %ge3A_46 = arith.cmpi sge, %mul3A_45, %ge3A : i32
      %convert_element_type3A = arith.extui %ge3A_46 : i1 to i32
      %cond3A = arith.constant 0 : i32
      %cond3A_47 = arith.cmpi ne, %convert_element_type3A, %cond3A : i32
      scf.if %cond3A_47 {
        %add3A_65 = arith.constant 0 : i32
        %add3A_66 = arith.addi %mul3A_4, %add3A_65 : i32
        %dma_wait3A_67 = tpu.memref_slice %arg6[%add3A_66, %mul3A_0] : memref<160000x256xf32, #tpu.memory_space<hbm>> -> memref<80x128xf32, #tpu.memory_space<hbm>>
        %dma_wait3A_68 = tpu.memref_slice %arg6[%add3A_66, %mul3A_0] : memref<160000x256xf32, #tpu.memory_space<hbm>> -> memref<80x128xf32, #tpu.memory_space<hbm>>
        tpu.wait_dma2 semaphore(%arg11 : memref<!tpu.dma_semaphore, #tpu.memory_space<semaphore_mem>>) src(%arg8 : memref<80x128xf32, #tpu.memory_space<vmem>>) dst(%dma_wait3A_68 : memref<80x128xf32, #tpu.memory_space<hbm>>)
      } else {
      }
      "tpu.region"() ({
        %run_scoped3A_65 = tpu.sem_alloc : memref<!tpu.dma_semaphore, #tpu.memory_space<semaphore_mem>>
        %dma_start3A_66 = arith.constant 0 : i32
        %dma_start3A_67 = tpu.memref_slice %arg7[%mul3A_45, %dma_start3A_66] : memref<125x80xi32, #tpu.memory_space<vmem>> -> memref<1x80xi32, #tpu.memory_space<vmem>>
        %dma_start3A_68 = tpu.memref_squeeze %dma_start3A_67 : memref<1x80xi32, #tpu.memory_space<vmem>> -> memref<80xi32, #tpu.memory_space<vmem>>
        %dma_start3A_69 = arith.constant 0 : i32
        %dma_start3A_70 = arith.constant 0 : i32
        %dma_start3A_71 = tpu.memref_slice %arg10[%dma_start3A_69, %dma_start3A_70] : memref<10112x128xf32, #tpu.memory_space<vmem_shared>> -> memref<10112x128xf32, #tpu.memory_space<vmem_shared>>
        tpu.enqueue_indirect_dma source(%dma_start3A_71 : memref<10112x128xf32, #tpu.memory_space<vmem_shared>>) target(%arg8 : memref<80x128xf32, #tpu.memory_space<vmem>>) offsets(%dma_start3A_68 : memref<80xi32, #tpu.memory_space<vmem>>) semaphore(%run_scoped3A_65 : memref<!tpu.dma_semaphore, #tpu.memory_space<semaphore_mem>>)
        %dma_wait3A_72 = arith.constant 0 : i32
        %dma_wait3A_73 = tpu.memref_slice %arg7[%mul3A_45, %dma_wait3A_72] : memref<125x80xi32, #tpu.memory_space<vmem>> -> memref<1x80xi32, #tpu.memory_space<vmem>>
        %dma_wait3A_74 = tpu.memref_squeeze %dma_wait3A_73 : memref<1x80xi32, #tpu.memory_space<vmem>> -> memref<80xi32, #tpu.memory_space<vmem>>
        %dma_wait3A_75 = arith.constant 0 : i32
        %dma_wait3A_76 = arith.constant 0 : i32
        %dma_wait3A_77 = tpu.memref_slice %arg10[%dma_wait3A_75, %dma_wait3A_76] : memref<10112x128xf32, #tpu.memory_space<vmem_shared>> -> memref<10112x128xf32, #tpu.memory_space<vmem_shared>>
        tpu.wait_indirect_dma semaphore(%run_scoped3A_65 : memref<!tpu.dma_semaphore, #tpu.memory_space<semaphore_mem>>) src(%dma_wait3A_77 : memref<10112x128xf32, #tpu.memory_space<vmem_shared>>) dst(%arg8 : memref<80x128xf32, #tpu.memory_space<vmem>>)
        tpu.yield
      }) : () -> ()
      %mul3A_48 = arith.constant 80 : i32
      %mul3A_49 = arith.muli %mul3A_45, %mul3A_48 : i32
      %add3A_50 = arith.addi %mul3A_4, %mul3A_49 : i32
      %dma_start3A_51 = tpu.memref_slice %arg6[%add3A_50, %mul3A_0] : memref<160000x256xf32, #tpu.memory_space<hbm>> -> memref<80x128xf32, #tpu.memory_space<hbm>>
      %dma_start3A_52 = tpu.memref_slice %arg6[%add3A_50, %mul3A_0] : memref<160000x256xf32, #tpu.memory_space<hbm>> -> memref<80x128xf32, #tpu.memory_space<hbm>>
      tpu.enqueue_dma source(%arg8 : memref<80x128xf32, #tpu.memory_space<vmem>>) target(%dma_start3A_52 : memref<80x128xf32, #tpu.memory_space<hbm>>) target_semaphore(%arg11 : memref<!tpu.dma_semaphore, #tpu.memory_space<semaphore_mem>>)
      %add3A_53 = arith.constant 1 : i32
      %add3A_54 = arith.addi %mul3A_45, %add3A_53 : i32
      %ge3A_55 = arith.constant 2 : i32
      %ge3A_56 = arith.cmpi sge, %add3A_54, %ge3A_55 : i32
      %convert_element_type3A_57 = arith.extui %ge3A_56 : i1 to i32
      %cond3A_58 = arith.constant 0 : i32
      %cond3A_59 = arith.cmpi ne, %convert_element_type3A_57, %cond3A_58 : i32
      scf.if %cond3A_59 {
        %add3A_65 = arith.constant 0 : i32
        %add3A_66 = arith.addi %mul3A_4, %add3A_65 : i32
        %dma_wait3A_67 = tpu.memref_slice %arg6[%add3A_66, %mul3A_0] : memref<160000x256xf32, #tpu.memory_space<hbm>> -> memref<80x128xf32, #tpu.memory_space<hbm>>
        %dma_wait3A_68 = tpu.memref_slice %arg6[%add3A_66, %mul3A_0] : memref<160000x256xf32, #tpu.memory_space<hbm>> -> memref<80x128xf32, #tpu.memory_space<hbm>>
        tpu.wait_dma2 semaphore(%arg12 : memref<!tpu.dma_semaphore, #tpu.memory_space<semaphore_mem>>) src(%arg9 : memref<80x128xf32, #tpu.memory_space<vmem>>) dst(%dma_wait3A_68 : memref<80x128xf32, #tpu.memory_space<hbm>>)
      } else {
      }
      "tpu.region"() ({
        %run_scoped3A_65 = tpu.sem_alloc : memref<!tpu.dma_semaphore, #tpu.memory_space<semaphore_mem>>
        %dma_start3A_66 = arith.constant 0 : i32
        %dma_start3A_67 = tpu.memref_slice %arg7[%add3A_54, %dma_start3A_66] : memref<125x80xi32, #tpu.memory_space<vmem>> -> memref<1x80xi32, #tpu.memory_space<vmem>>
        %dma_start3A_68 = tpu.memref_squeeze %dma_start3A_67 : memref<1x80xi32, #tpu.memory_space<vmem>> -> memref<80xi32, #tpu.memory_space<vmem>>
        %dma_start3A_69 = arith.constant 0 : i32
        %dma_start3A_70 = arith.constant 0 : i32
        %dma_start3A_71 = tpu.memref_slice %arg10[%dma_start3A_69, %dma_start3A_70] : memref<10112x128xf32, #tpu.memory_space<vmem_shared>> -> memref<10112x128xf32, #tpu.memory_space<vmem_shared>>
        tpu.enqueue_indirect_dma source(%dma_start3A_71 : memref<10112x128xf32, #tpu.memory_space<vmem_shared>>) target(%arg9 : memref<80x128xf32, #tpu.memory_space<vmem>>) offsets(%dma_start3A_68 : memref<80xi32, #tpu.memory_space<vmem>>) semaphore(%run_scoped3A_65 : memref<!tpu.dma_semaphore, #tpu.memory_space<semaphore_mem>>)
        %dma_wait3A_72 = arith.constant 0 : i32
        %dma_wait3A_73 = tpu.memref_slice %arg7[%add3A_54, %dma_wait3A_72] : memref<125x80xi32, #tpu.memory_space<vmem>> -> memref<1x80xi32, #tpu.memory_space<vmem>>
        %dma_wait3A_74 = tpu.memref_squeeze %dma_wait3A_73 : memref<1x80xi32, #tpu.memory_space<vmem>> -> memref<80xi32, #tpu.memory_space<vmem>>
        %dma_wait3A_75 = arith.constant 0 : i32
        %dma_wait3A_76 = arith.constant 0 : i32
        %dma_wait3A_77 = tpu.memref_slice %arg10[%dma_wait3A_75, %dma_wait3A_76] : memref<10112x128xf32, #tpu.memory_space<vmem_shared>> -> memref<10112x128xf32, #tpu.memory_space<vmem_shared>>
        tpu.wait_indirect_dma semaphore(%run_scoped3A_65 : memref<!tpu.dma_semaphore, #tpu.memory_space<semaphore_mem>>) src(%dma_wait3A_77 : memref<10112x128xf32, #tpu.memory_space<vmem_shared>>) dst(%arg9 : memref<80x128xf32, #tpu.memory_space<vmem>>)
        tpu.yield
      }) : () -> ()
      %mul3A_60 = arith.constant 80 : i32
      %mul3A_61 = arith.muli %add3A_54, %mul3A_60 : i32
      %add3A_62 = arith.addi %mul3A_4, %mul3A_61 : i32
      %dma_start3A_63 = tpu.memref_slice %arg6[%add3A_62, %mul3A_0] : memref<160000x256xf32, #tpu.memory_space<hbm>> -> memref<80x128xf32, #tpu.memory_space<hbm>>
      %dma_start3A_64 = tpu.memref_slice %arg6[%add3A_62, %mul3A_0] : memref<160000x256xf32, #tpu.memory_space<hbm>> -> memref<80x128xf32, #tpu.memory_space<hbm>>
      tpu.enqueue_dma source(%arg9 : memref<80x128xf32, #tpu.memory_space<vmem>>) target(%dma_start3A_64 : memref<80x128xf32, #tpu.memory_space<hbm>>) target_semaphore(%arg12 : memref<!tpu.dma_semaphore, #tpu.memory_space<semaphore_mem>>)
    }
    %scan3A_25 = arith.constant 62 : i32
    %add3A_26 = arith.constant 0 : i32
    %add3A_27 = arith.addi %mul3A_4, %add3A_26 : i32
    %dma_wait3A_28 = tpu.memref_slice %arg6[%add3A_27, %mul3A_0] : memref<160000x256xf32, #tpu.memory_space<hbm>> -> memref<80x128xf32, #tpu.memory_space<hbm>>
    %dma_wait3A_29 = tpu.memref_slice %arg6[%add3A_27, %mul3A_0] : memref<160000x256xf32, #tpu.memory_space<hbm>> -> memref<80x128xf32, #tpu.memory_space<hbm>>
    tpu.wait_dma2 semaphore(%arg11 : memref<!tpu.dma_semaphore, #tpu.memory_space<semaphore_mem>>) src(%arg8 : memref<80x128xf32, #tpu.memory_space<vmem>>) dst(%dma_wait3A_29 : memref<80x128xf32, #tpu.memory_space<hbm>>)
    %run_scoped3A_30 = arith.constant 124 : i32
    "tpu.region"() ({
      %run_scoped3A_43 = tpu.sem_alloc : memref<!tpu.dma_semaphore, #tpu.memory_space<semaphore_mem>>
      %dma_start3A_44 = arith.constant 0 : i32
      %dma_start3A_45 = tpu.memref_slice %arg7[%run_scoped3A_30, %dma_start3A_44] : memref<125x80xi32, #tpu.memory_space<vmem>> -> memref<1x80xi32, #tpu.memory_space<vmem>>
      %dma_start3A_46 = tpu.memref_squeeze %dma_start3A_45 : memref<1x80xi32, #tpu.memory_space<vmem>> -> memref<80xi32, #tpu.memory_space<vmem>>
      %dma_start3A_47 = arith.constant 0 : i32
      %dma_start3A_48 = arith.constant 0 : i32
      %dma_start3A_49 = tpu.memref_slice %arg10[%dma_start3A_47, %dma_start3A_48] : memref<10112x128xf32, #tpu.memory_space<vmem_shared>> -> memref<10112x128xf32, #tpu.memory_space<vmem_shared>>
      tpu.enqueue_indirect_dma source(%dma_start3A_49 : memref<10112x128xf32, #tpu.memory_space<vmem_shared>>) target(%arg8 : memref<80x128xf32, #tpu.memory_space<vmem>>) offsets(%dma_start3A_46 : memref<80xi32, #tpu.memory_space<vmem>>) semaphore(%run_scoped3A_43 : memref<!tpu.dma_semaphore, #tpu.memory_space<semaphore_mem>>)
      %dma_wait3A_50 = arith.constant 0 : i32
      %dma_wait3A_51 = tpu.memref_slice %arg7[%run_scoped3A_30, %dma_wait3A_50] : memref<125x80xi32, #tpu.memory_space<vmem>> -> memref<1x80xi32, #tpu.memory_space<vmem>>
      %dma_wait3A_52 = tpu.memref_squeeze %dma_wait3A_51 : memref<1x80xi32, #tpu.memory_space<vmem>> -> memref<80xi32, #tpu.memory_space<vmem>>
      %dma_wait3A_53 = arith.constant 0 : i32
      %dma_wait3A_54 = arith.constant 0 : i32
      %dma_wait3A_55 = tpu.memref_slice %arg10[%dma_wait3A_53, %dma_wait3A_54] : memref<10112x128xf32, #tpu.memory_space<vmem_shared>> -> memref<10112x128xf32, #tpu.memory_space<vmem_shared>>
      tpu.wait_indirect_dma semaphore(%run_scoped3A_43 : memref<!tpu.dma_semaphore, #tpu.memory_space<semaphore_mem>>) src(%dma_wait3A_55 : memref<10112x128xf32, #tpu.memory_space<vmem_shared>>) dst(%arg8 : memref<80x128xf32, #tpu.memory_space<vmem>>)
      tpu.yield
    }) : () -> ()
    %add3A_31 = arith.constant 9920 : i32
    %add3A_32 = arith.addi %mul3A_4, %add3A_31 : i32
    %dma_start3A_33 = tpu.memref_slice %arg6[%add3A_32, %mul3A_0] : memref<160000x256xf32, #tpu.memory_space<hbm>> -> memref<80x128xf32, #tpu.memory_space<hbm>>
    %dma_start3A_34 = tpu.memref_slice %arg6[%add3A_32, %mul3A_0] : memref<160000x256xf32, #tpu.memory_space<hbm>> -> memref<80x128xf32, #tpu.memory_space<hbm>>
    tpu.enqueue_dma source(%arg8 : memref<80x128xf32, #tpu.memory_space<vmem>>) target(%dma_start3A_34 : memref<80x128xf32, #tpu.memory_space<hbm>>) target_semaphore(%arg11 : memref<!tpu.dma_semaphore, #tpu.memory_space<semaphore_mem>>)
    %add3A_35 = arith.constant 0 : i32
    %add3A_36 = arith.addi %mul3A_4, %add3A_35 : i32
    %dma_wait3A_37 = tpu.memref_slice %arg6[%add3A_36, %mul3A_0] : memref<160000x256xf32, #tpu.memory_space<hbm>> -> memref<80x128xf32, #tpu.memory_space<hbm>>
    %dma_wait3A_38 = tpu.memref_slice %arg6[%add3A_36, %mul3A_0] : memref<160000x256xf32, #tpu.memory_space<hbm>> -> memref<80x128xf32, #tpu.memory_space<hbm>>
    tpu.wait_dma2 semaphore(%arg11 : memref<!tpu.dma_semaphore, #tpu.memory_space<semaphore_mem>>) src(%arg8 : memref<80x128xf32, #tpu.memory_space<vmem>>) dst(%dma_wait3A_38 : memref<80x128xf32, #tpu.memory_space<hbm>>)
    %add3A_39 = arith.constant 0 : i32
    %add3A_40 = arith.addi %mul3A_4, %add3A_39 : i32
    %dma_wait3A_41 = tpu.memref_slice %arg6[%add3A_40, %mul3A_0] : memref<160000x256xf32, #tpu.memory_space<hbm>> -> memref<80x128xf32, #tpu.memory_space<hbm>>
    %dma_wait3A_42 = tpu.memref_slice %arg6[%add3A_40, %mul3A_0] : memref<160000x256xf32, #tpu.memory_space<hbm>> -> memref<80x128xf32, #tpu.memory_space<hbm>>
    tpu.wait_dma2 semaphore(%arg12 : memref<!tpu.dma_semaphore, #tpu.memory_space<semaphore_mem>>) src(%arg9 : memref<80x128xf32, #tpu.memory_space<vmem>>) dst(%dma_wait3A_42 : memref<80x128xf32, #tpu.memory_space<hbm>>)
    return
  }
}

#map = affine_map<(d0, d1) -> (0, 0)>
#map1 = affine_map<(d0, d1) -> (0, 0, 0)>
module attributes {stable_mosaic.version = 14 : i64} {
  func.func @body(%arg0: i32, %arg1: i32, %arg2: memref<160000x256xf32, #tpu.memory_space<hbm>>, %arg3: memref<16x125x80xi32, #tpu.memory_space<hbm>>, %arg4: memref<16x125x80xi32, #tpu.memory_space<hbm>>, %arg5: memref<632x128xf32, #tpu.memory_space<hbm>>, %arg6: memref<160000x256xf32, #tpu.memory_space<hbm>>, %arg7: memref<125x80xi32, #tpu.memory_space<vmem>>, %arg8: memref<80x128xf32, #tpu.memory_space<vmem>>, %arg9: memref<80x128xf32, #tpu.memory_space<vmem>>, %arg10: memref<10112x128xf32, #tpu.memory_space<vmem_shared>>, %arg11: memref<!tpu.dma_semaphore, #tpu.memory_space<semaphore_mem>>, %arg12: memref<!tpu.dma_semaphore, #tpu.memory_space<semaphore_mem>>) attributes {dimension_semantics = [#tpu.dimension_semantics<core_parallel>, #tpu.dimension_semantics<subcore_parallel>], iteration_bounds = array<i64: 2, 16>, scalar_prefetch = 0 : i64, scratch_operands = 6 : i64, tpu.core_type = #tpu.core_type<sc_vector_subcore>, window_params = [{transform_indices = #map}, {transform_indices = #map1}, {transform_indices = #map1}, {transform_indices = #map}, {transform_indices = #map}]} {
    %mul3A = arith.constant 128 : i32
    %mul3A_0 = arith.muli %arg0, %mul3A : i32
    %mul3A_1 = arith.constant 632 : i32
    %mul3A_2 = arith.muli %arg1, %mul3A_1 : i32
    "tpu.region"() ({
      %run_scoped3A_43 = tpu.sem_alloc : memref<!tpu.dma_semaphore, #tpu.memory_space<semaphore_mem>>
      %dma_start3A_44 = arith.constant 0 : i32
      %dma_start3A_45 = tpu.memref_slice %arg10[%mul3A_2, %dma_start3A_44] : memref<10112x128xf32, #tpu.memory_space<vmem_shared>> -> memref<632x128xf32, #tpu.memory_space<vmem_shared>>
      tpu.enqueue_dma source(%arg5 : memref<632x128xf32, #tpu.memory_space<hbm>>) target(%dma_start3A_45 : memref<632x128xf32, #tpu.memory_space<vmem_shared>>) target_semaphore(%run_scoped3A_43 : memref<!tpu.dma_semaphore, #tpu.memory_space<semaphore_mem>>)
      %dma_wait3A_46 = arith.constant 0 : i32
      %dma_wait3A_47 = tpu.memref_slice %arg10[%mul3A_2, %dma_wait3A_46] : memref<10112x128xf32, #tpu.memory_space<vmem_shared>> -> memref<632x128xf32, #tpu.memory_space<vmem_shared>>
      tpu.wait_dma2 semaphore(%run_scoped3A_43 : memref<!tpu.dma_semaphore, #tpu.memory_space<semaphore_mem>>) src(%arg5 : memref<632x128xf32, #tpu.memory_space<hbm>>) dst(%dma_wait3A_47 : memref<632x128xf32, #tpu.memory_space<vmem_shared>>)
      tpu.yield
    }) : () -> ()
    "tpu.region"() ({
      %run_scoped3A_43 = tpu.sem_alloc : memref<!tpu.dma_semaphore, #tpu.memory_space<semaphore_mem>>
      %dma_start3A_44 = arith.constant 0 : i32
      %dma_start3A_45 = arith.constant 0 : i32
      %dma_start3A_46 = tpu.memref_slice %arg3[%arg1, %dma_start3A_44, %dma_start3A_45] : memref<16x125x80xi32, #tpu.memory_space<hbm>> -> memref<1x125x80xi32, #tpu.memory_space<hbm>>
      %dma_start3A_47 = tpu.memref_squeeze %dma_start3A_46 : memref<1x125x80xi32, #tpu.memory_space<hbm>> -> memref<125x80xi32, #tpu.memory_space<hbm>>
      %dma_start3A_48 = arith.constant 0 : i32
      %dma_start3A_49 = arith.constant 0 : i32
      %dma_start3A_50 = tpu.memref_slice %arg3[%arg1, %dma_start3A_48, %dma_start3A_49] : memref<16x125x80xi32, #tpu.memory_space<hbm>> -> memref<1x125x80xi32, #tpu.memory_space<hbm>>
      %dma_start3A_51 = tpu.memref_squeeze %dma_start3A_50 : memref<1x125x80xi32, #tpu.memory_space<hbm>> -> memref<125x80xi32, #tpu.memory_space<hbm>>
      tpu.enqueue_dma source(%dma_start3A_51 : memref<125x80xi32, #tpu.memory_space<hbm>>) target(%arg7 : memref<125x80xi32, #tpu.memory_space<vmem>>) target_semaphore(%run_scoped3A_43 : memref<!tpu.dma_semaphore, #tpu.memory_space<semaphore_mem>>)
      %dma_wait3A_52 = arith.constant 0 : i32
      %dma_wait3A_53 = arith.constant 0 : i32
      %dma_wait3A_54 = tpu.memref_slice %arg3[%arg1, %dma_wait3A_52, %dma_wait3A_53] : memref<16x125x80xi32, #tpu.memory_space<hbm>> -> memref<1x125x80xi32, #tpu.memory_space<hbm>>
      %dma_wait3A_55 = tpu.memref_squeeze %dma_wait3A_54 : memref<1x125x80xi32, #tpu.memory_space<hbm>> -> memref<125x80xi32, #tpu.memory_space<hbm>>
      %dma_wait3A_56 = arith.constant 0 : i32
      %dma_wait3A_57 = arith.constant 0 : i32
      %dma_wait3A_58 = tpu.memref_slice %arg3[%arg1, %dma_wait3A_56, %dma_wait3A_57] : memref<16x125x80xi32, #tpu.memory_space<hbm>> -> memref<1x125x80xi32, #tpu.memory_space<hbm>>
      %dma_wait3A_59 = tpu.memref_squeeze %dma_wait3A_58 : memref<1x125x80xi32, #tpu.memory_space<hbm>> -> memref<125x80xi32, #tpu.memory_space<hbm>>
      tpu.wait_dma2 semaphore(%run_scoped3A_43 : memref<!tpu.dma_semaphore, #tpu.memory_space<semaphore_mem>>) src(%dma_wait3A_59 : memref<125x80xi32, #tpu.memory_space<hbm>>) dst(%arg7 : memref<125x80xi32, #tpu.memory_space<vmem>>)
      tpu.yield
    }) : () -> ()
    %barrier3A = arith.constant 0 : index
    tpu.barrier barrier_id(%barrier3A)
    %mul3A_3 = arith.constant 10000 : i32
    %mul3A_4 = arith.muli %arg1, %mul3A_3 : i32
    %add3A = arith.constant 0 : i32
    %add3A_5 = arith.addi %mul3A_4, %add3A : i32
    %dma_start3A = tpu.memref_slice %arg2[%add3A_5, %mul3A_0] : memref<160000x256xf32, #tpu.memory_space<hbm>> -> memref<80x128xf32, #tpu.memory_space<hbm>>
    %dma_start3A_6 = tpu.memref_slice %arg2[%add3A_5, %mul3A_0] : memref<160000x256xf32, #tpu.memory_space<hbm>> -> memref<80x128xf32, #tpu.memory_space<hbm>>
    tpu.enqueue_dma source(%dma_start3A_6 : memref<80x128xf32, #tpu.memory_space<hbm>>) target(%arg8 : memref<80x128xf32, #tpu.memory_space<vmem>>) target_semaphore(%arg11 : memref<!tpu.dma_semaphore, #tpu.memory_space<semaphore_mem>>)
    %add3A_7 = arith.constant 80 : i32
    %add3A_8 = arith.addi %mul3A_4, %add3A_7 : i32
    %dma_start3A_9 = tpu.memref_slice %arg2[%add3A_8, %mul3A_0] : memref<160000x256xf32, #tpu.memory_space<hbm>> -> memref<80x128xf32, #tpu.memory_space<hbm>>
    %dma_start3A_10 = tpu.memref_slice %arg2[%add3A_8, %mul3A_0] : memref<160000x256xf32, #tpu.memory_space<hbm>> -> memref<80x128xf32, #tpu.memory_space<hbm>>
    tpu.enqueue_dma source(%dma_start3A_10 : memref<80x128xf32, #tpu.memory_space<hbm>>) target(%arg9 : memref<80x128xf32, #tpu.memory_space<vmem>>) target_semaphore(%arg12 : memref<!tpu.dma_semaphore, #tpu.memory_space<semaphore_mem>>)
    %scan3A = arith.constant 0 : i32
    %scan3A_11 = arith.constant 0 : i32
    %scan3A_12 = arith.constant 62 : i32
    %scan3A_13 = arith.addi %scan3A_11, %scan3A_12 : i32
    %scan3A_14 = arith.constant 1 : i32
    scf.for %scan3A_43 = %scan3A_11 to %scan3A_13 step %scan3A_14  : i32 {
      %mul3A_44 = arith.constant 2 : i32
      %mul3A_45 = arith.muli %mul3A_44, %scan3A_43 : i32
      %add3A_46 = arith.constant 0 : i32
      %add3A_47 = arith.addi %mul3A_4, %add3A_46 : i32
      %dma_wait3A_48 = tpu.memref_slice %arg2[%add3A_47, %mul3A_0] : memref<160000x256xf32, #tpu.memory_space<hbm>> -> memref<80x128xf32, #tpu.memory_space<hbm>>
      %dma_wait3A_49 = tpu.memref_slice %arg2[%add3A_47, %mul3A_0] : memref<160000x256xf32, #tpu.memory_space<hbm>> -> memref<80x128xf32, #tpu.memory_space<hbm>>
      tpu.wait_dma2 semaphore(%arg11 : memref<!tpu.dma_semaphore, #tpu.memory_space<semaphore_mem>>) src(%dma_wait3A_49 : memref<80x128xf32, #tpu.memory_space<hbm>>) dst(%arg8 : memref<80x128xf32, #tpu.memory_space<vmem>>)
      "tpu.region"() ({
        %run_scoped3A_67 = tpu.sem_alloc : memref<!tpu.dma_semaphore, #tpu.memory_space<semaphore_mem>>
        %dma_start3A_68 = arith.constant 0 : i32
        %dma_start3A_69 = tpu.memref_slice %arg7[%mul3A_45, %dma_start3A_68] : memref<125x80xi32, #tpu.memory_space<vmem>> -> memref<1x80xi32, #tpu.memory_space<vmem>>
        %dma_start3A_70 = tpu.memref_squeeze %dma_start3A_69 : memref<1x80xi32, #tpu.memory_space<vmem>> -> memref<80xi32, #tpu.memory_space<vmem>>
        %dma_start3A_71 = arith.constant 0 : i32
        %dma_start3A_72 = arith.constant 0 : i32
        %dma_start3A_73 = tpu.memref_slice %arg10[%dma_start3A_71, %dma_start3A_72] : memref<10112x128xf32, #tpu.memory_space<vmem_shared>> -> memref<10112x128xf32, #tpu.memory_space<vmem_shared>>
        tpu.enqueue_indirect_dma source(%arg8 : memref<80x128xf32, #tpu.memory_space<vmem>>) target(%dma_start3A_73 : memref<10112x128xf32, #tpu.memory_space<vmem_shared>>) offsets(%dma_start3A_70 : memref<80xi32, #tpu.memory_space<vmem>>) semaphore(%run_scoped3A_67 : memref<!tpu.dma_semaphore, #tpu.memory_space<semaphore_mem>>) {add = true}
        %dma_wait3A_74 = arith.constant 0 : i32
        %dma_wait3A_75 = tpu.memref_slice %arg7[%mul3A_45, %dma_wait3A_74] : memref<125x80xi32, #tpu.memory_space<vmem>> -> memref<1x80xi32, #tpu.memory_space<vmem>>
        %dma_wait3A_76 = tpu.memref_squeeze %dma_wait3A_75 : memref<1x80xi32, #tpu.memory_space<vmem>> -> memref<80xi32, #tpu.memory_space<vmem>>
        %dma_wait3A_77 = arith.constant 0 : i32
        %dma_wait3A_78 = arith.constant 0 : i32
        %dma_wait3A_79 = tpu.memref_slice %arg10[%dma_wait3A_77, %dma_wait3A_78] : memref<10112x128xf32, #tpu.memory_space<vmem_shared>> -> memref<10112x128xf32, #tpu.memory_space<vmem_shared>>
        tpu.wait_indirect_dma semaphore(%run_scoped3A_67 : memref<!tpu.dma_semaphore, #tpu.memory_space<semaphore_mem>>) src(%arg8 : memref<80x128xf32, #tpu.memory_space<vmem>>) dst(%dma_wait3A_79 : memref<10112x128xf32, #tpu.memory_space<vmem_shared>>)
        tpu.yield
      }) : () -> ()
      %add3A_50 = arith.constant 2 : i32
      %add3A_51 = arith.addi %mul3A_45, %add3A_50 : i32
      %lt3A = arith.constant 125 : i32
      %lt3A_52 = arith.cmpi slt, %add3A_51, %lt3A : i32
      %convert_element_type3A = arith.extui %lt3A_52 : i1 to i32
      %cond3A = arith.constant 0 : i32
      %cond3A_53 = arith.cmpi ne, %convert_element_type3A, %cond3A : i32
      scf.if %cond3A_53 {
        %add3A_67 = arith.constant 2 : i32
        %add3A_68 = arith.addi %mul3A_45, %add3A_67 : i32
        %mul3A_69 = arith.constant 80 : i32
        %mul3A_70 = arith.muli %add3A_68, %mul3A_69 : i32
        %add3A_71 = arith.addi %mul3A_4, %mul3A_70 : i32
        %dma_start3A_72 = tpu.memref_slice %arg2[%add3A_71, %mul3A_0] : memref<160000x256xf32, #tpu.memory_space<hbm>> -> memref<80x128xf32, #tpu.memory_space<hbm>>
        %dma_start3A_73 = tpu.memref_slice %arg2[%add3A_71, %mul3A_0] : memref<160000x256xf32, #tpu.memory_space<hbm>> -> memref<80x128xf32, #tpu.memory_space<hbm>>
        tpu.enqueue_dma source(%dma_start3A_73 : memref<80x128xf32, #tpu.memory_space<hbm>>) target(%arg8 : memref<80x128xf32, #tpu.memory_space<vmem>>) target_semaphore(%arg11 : memref<!tpu.dma_semaphore, #tpu.memory_space<semaphore_mem>>)
      } else {
      }
      %add3A_54 = arith.constant 1 : i32
      %add3A_55 = arith.addi %mul3A_45, %add3A_54 : i32
      %add3A_56 = arith.constant 0 : i32
      %add3A_57 = arith.addi %mul3A_4, %add3A_56 : i32
      %dma_wait3A_58 = tpu.memref_slice %arg2[%add3A_57, %mul3A_0] : memref<160000x256xf32, #tpu.memory_space<hbm>> -> memref<80x128xf32, #tpu.memory_space<hbm>>
      %dma_wait3A_59 = tpu.memref_slice %arg2[%add3A_57, %mul3A_0] : memref<160000x256xf32, #tpu.memory_space<hbm>> -> memref<80x128xf32, #tpu.memory_space<hbm>>
      tpu.wait_dma2 semaphore(%arg12 : memref<!tpu.dma_semaphore, #tpu.memory_space<semaphore_mem>>) src(%dma_wait3A_59 : memref<80x128xf32, #tpu.memory_space<hbm>>) dst(%arg9 : memref<80x128xf32, #tpu.memory_space<vmem>>)
      "tpu.region"() ({
        %run_scoped3A_67 = tpu.sem_alloc : memref<!tpu.dma_semaphore, #tpu.memory_space<semaphore_mem>>
        %dma_start3A_68 = arith.constant 0 : i32
        %dma_start3A_69 = tpu.memref_slice %arg7[%add3A_55, %dma_start3A_68] : memref<125x80xi32, #tpu.memory_space<vmem>> -> memref<1x80xi32, #tpu.memory_space<vmem>>
        %dma_start3A_70 = tpu.memref_squeeze %dma_start3A_69 : memref<1x80xi32, #tpu.memory_space<vmem>> -> memref<80xi32, #tpu.memory_space<vmem>>
        %dma_start3A_71 = arith.constant 0 : i32
        %dma_start3A_72 = arith.constant 0 : i32
        %dma_start3A_73 = tpu.memref_slice %arg10[%dma_start3A_71, %dma_start3A_72] : memref<10112x128xf32, #tpu.memory_space<vmem_shared>> -> memref<10112x128xf32, #tpu.memory_space<vmem_shared>>
        tpu.enqueue_indirect_dma source(%arg9 : memref<80x128xf32, #tpu.memory_space<vmem>>) target(%dma_start3A_73 : memref<10112x128xf32, #tpu.memory_space<vmem_shared>>) offsets(%dma_start3A_70 : memref<80xi32, #tpu.memory_space<vmem>>) semaphore(%run_scoped3A_67 : memref<!tpu.dma_semaphore, #tpu.memory_space<semaphore_mem>>) {add = true}
        %dma_wait3A_74 = arith.constant 0 : i32
        %dma_wait3A_75 = tpu.memref_slice %arg7[%add3A_55, %dma_wait3A_74] : memref<125x80xi32, #tpu.memory_space<vmem>> -> memref<1x80xi32, #tpu.memory_space<vmem>>
        %dma_wait3A_76 = tpu.memref_squeeze %dma_wait3A_75 : memref<1x80xi32, #tpu.memory_space<vmem>> -> memref<80xi32, #tpu.memory_space<vmem>>
        %dma_wait3A_77 = arith.constant 0 : i32
        %dma_wait3A_78 = arith.constant 0 : i32
        %dma_wait3A_79 = tpu.memref_slice %arg10[%dma_wait3A_77, %dma_wait3A_78] : memref<10112x128xf32, #tpu.memory_space<vmem_shared>> -> memref<10112x128xf32, #tpu.memory_space<vmem_shared>>
        tpu.wait_indirect_dma semaphore(%run_scoped3A_67 : memref<!tpu.dma_semaphore, #tpu.memory_space<semaphore_mem>>) src(%arg9 : memref<80x128xf32, #tpu.memory_space<vmem>>) dst(%dma_wait3A_79 : memref<10112x128xf32, #tpu.memory_space<vmem_shared>>)
        tpu.yield
      }) : () -> ()
      %add3A_60 = arith.constant 2 : i32
      %add3A_61 = arith.addi %add3A_55, %add3A_60 : i32
      %lt3A_62 = arith.constant 125 : i32
      %lt3A_63 = arith.cmpi slt, %add3A_61, %lt3A_62 : i32
      %convert_element_type3A_64 = arith.extui %lt3A_63 : i1 to i32
      %cond3A_65 = arith.constant 0 : i32
      %cond3A_66 = arith.cmpi ne, %convert_element_type3A_64, %cond3A_65 : i32
      scf.if %cond3A_66 {
        %add3A_67 = arith.constant 2 : i32
        %add3A_68 = arith.addi %add3A_55, %add3A_67 : i32
        %mul3A_69 = arith.constant 80 : i32
        %mul3A_70 = arith.muli %add3A_68, %mul3A_69 : i32
        %add3A_71 = arith.addi %mul3A_4, %mul3A_70 : i32
        %dma_start3A_72 = tpu.memref_slice %arg2[%add3A_71, %mul3A_0] : memref<160000x256xf32, #tpu.memory_space<hbm>> -> memref<80x128xf32, #tpu.memory_space<hbm>>
        %dma_start3A_73 = tpu.memref_slice %arg2[%add3A_71, %mul3A_0] : memref<160000x256xf32, #tpu.memory_space<hbm>> -> memref<80x128xf32, #tpu.memory_space<hbm>>
        tpu.enqueue_dma source(%dma_start3A_73 : memref<80x128xf32, #tpu.memory_space<hbm>>) target(%arg9 : memref<80x128xf32, #tpu.memory_space<vmem>>) target_semaphore(%arg12 : memref<!tpu.dma_semaphore, #tpu.memory_space<semaphore_mem>>)
      } else {
      }
    }
    %scan3A_15 = arith.constant 62 : i32
    %add3A_16 = arith.constant 0 : i32
    %add3A_17 = arith.addi %mul3A_4, %add3A_16 : i32
    %dma_wait3A = tpu.memref_slice %arg2[%add3A_17, %mul3A_0] : memref<160000x256xf32, #tpu.memory_space<hbm>> -> memref<80x128xf32, #tpu.memory_space<hbm>>
    %dma_wait3A_18 = tpu.memref_slice %arg2[%add3A_17, %mul3A_0] : memref<160000x256xf32, #tpu.memory_space<hbm>> -> memref<80x128xf32, #tpu.memory_space<hbm>>
    tpu.wait_dma2 semaphore(%arg11 : memref<!tpu.dma_semaphore, #tpu.memory_space<semaphore_mem>>) src(%dma_wait3A_18 : memref<80x128xf32, #tpu.memory_space<hbm>>) dst(%arg8 : memref<80x128xf32, #tpu.memory_space<vmem>>)
    %run_scoped3A = arith.constant 124 : i32
    "tpu.region"() ({
      %run_scoped3A_43 = tpu.sem_alloc : memref<!tpu.dma_semaphore, #tpu.memory_space<semaphore_mem>>
      %dma_start3A_44 = arith.constant 0 : i32
      %dma_start3A_45 = tpu.memref_slice %arg7[%run_scoped3A, %dma_start3A_44] : memref<125x80xi32, #tpu.memory_space<vmem>> -> memref<1x80xi32, #tpu.memory_space<vmem>>
      %dma_start3A_46 = tpu.memref_squeeze %dma_start3A_45 : memref<1x80xi32, #tpu.memory_space<vmem>> -> memref<80xi32, #tpu.memory_space<vmem>>
      %dma_start3A_47 = arith.constant 0 : i32
      %dma_start3A_48 = arith.constant 0 : i32
      %dma_start3A_49 = tpu.memref_slice %arg10[%dma_start3A_47, %dma_start3A_48] : memref<10112x128xf32, #tpu.memory_space<vmem_shared>> -> memref<10112x128xf32, #tpu.memory_space<vmem_shared>>
      tpu.enqueue_indirect_dma source(%arg8 : memref<80x128xf32, #tpu.memory_space<vmem>>) target(%dma_start3A_49 : memref<10112x128xf32, #tpu.memory_space<vmem_shared>>) offsets(%dma_start3A_46 : memref<80xi32, #tpu.memory_space<vmem>>) semaphore(%run_scoped3A_43 : memref<!tpu.dma_semaphore, #tpu.memory_space<semaphore_mem>>) {add = true}
      %dma_wait3A_50 = arith.constant 0 : i32
      %dma_wait3A_51 = tpu.memref_slice %arg7[%run_scoped3A, %dma_wait3A_50] : memref<125x80xi32, #tpu.memory_space<vmem>> -> memref<1x80xi32, #tpu.memory_space<vmem>>
      %dma_wait3A_52 = tpu.memref_squeeze %dma_wait3A_51 : memref<1x80xi32, #tpu.memory_space<vmem>> -> memref<80xi32, #tpu.memory_space<vmem>>
      %dma_wait3A_53 = arith.constant 0 : i32
      %dma_wait3A_54 = arith.constant 0 : i32
      %dma_wait3A_55 = tpu.memref_slice %arg10[%dma_wait3A_53, %dma_wait3A_54] : memref<10112x128xf32, #tpu.memory_space<vmem_shared>> -> memref<10112x128xf32, #tpu.memory_space<vmem_shared>>
      tpu.wait_indirect_dma semaphore(%run_scoped3A_43 : memref<!tpu.dma_semaphore, #tpu.memory_space<semaphore_mem>>) src(%arg8 : memref<80x128xf32, #tpu.memory_space<vmem>>) dst(%dma_wait3A_55 : memref<10112x128xf32, #tpu.memory_space<vmem_shared>>)
      tpu.yield
    }) : () -> ()
    %barrier3A_19 = arith.constant 0 : index
    tpu.barrier barrier_id(%barrier3A_19)
    "tpu.region"() ({
      %run_scoped3A_43 = tpu.sem_alloc : memref<!tpu.dma_semaphore, #tpu.memory_space<semaphore_mem>>
      %dma_start3A_44 = arith.constant 0 : i32
      %dma_start3A_45 = arith.constant 0 : i32
      %dma_start3A_46 = tpu.memref_slice %arg4[%arg1, %dma_start3A_44, %dma_start3A_45] : memref<16x125x80xi32, #tpu.memory_space<hbm>> -> memref<1x125x80xi32, #tpu.memory_space<hbm>>
      %dma_start3A_47 = tpu.memref_squeeze %dma_start3A_46 : memref<1x125x80xi32, #tpu.memory_space<hbm>> -> memref<125x80xi32, #tpu.memory_space<hbm>>
      %dma_start3A_48 = arith.constant 0 : i32
      %dma_start3A_49 = arith.constant 0 : i32
      %dma_start3A_50 = tpu.memref_slice %arg4[%arg1, %dma_start3A_48, %dma_start3A_49] : memref<16x125x80xi32, #tpu.memory_space<hbm>> -> memref<1x125x80xi32, #tpu.memory_space<hbm>>
      %dma_start3A_51 = tpu.memref_squeeze %dma_start3A_50 : memref<1x125x80xi32, #tpu.memory_space<hbm>> -> memref<125x80xi32, #tpu.memory_space<hbm>>
      tpu.enqueue_dma source(%dma_start3A_51 : memref<125x80xi32, #tpu.memory_space<hbm>>) target(%arg7 : memref<125x80xi32, #tpu.memory_space<vmem>>) target_semaphore(%run_scoped3A_43 : memref<!tpu.dma_semaphore, #tpu.memory_space<semaphore_mem>>)
      %dma_wait3A_52 = arith.constant 0 : i32
      %dma_wait3A_53 = arith.constant 0 : i32
      %dma_wait3A_54 = tpu.memref_slice %arg4[%arg1, %dma_wait3A_52, %dma_wait3A_53] : memref<16x125x80xi32, #tpu.memory_space<hbm>> -> memref<1x125x80xi32, #tpu.memory_space<hbm>>
      %dma_wait3A_55 = tpu.memref_squeeze %dma_wait3A_54 : memref<1x125x80xi32, #tpu.memory_space<hbm>> -> memref<125x80xi32, #tpu.memory_space<hbm>>
      %dma_wait3A_56 = arith.constant 0 : i32
      %dma_wait3A_57 = arith.constant 0 : i32
      %dma_wait3A_58 = tpu.memref_slice %arg4[%arg1, %dma_wait3A_56, %dma_wait3A_57] : memref<16x125x80xi32, #tpu.memory_space<hbm>> -> memref<1x125x80xi32, #tpu.memory_space<hbm>>
      %dma_wait3A_59 = tpu.memref_squeeze %dma_wait3A_58 : memref<1x125x80xi32, #tpu.memory_space<hbm>> -> memref<125x80xi32, #tpu.memory_space<hbm>>
      tpu.wait_dma2 semaphore(%run_scoped3A_43 : memref<!tpu.dma_semaphore, #tpu.memory_space<semaphore_mem>>) src(%dma_wait3A_59 : memref<125x80xi32, #tpu.memory_space<hbm>>) dst(%arg7 : memref<125x80xi32, #tpu.memory_space<vmem>>)
      tpu.yield
    }) : () -> ()
    %scan3A_20 = arith.constant 0 : i32
    %scan3A_21 = arith.constant 0 : i32
    %scan3A_22 = arith.constant 62 : i32
    %scan3A_23 = arith.addi %scan3A_21, %scan3A_22 : i32
    %scan3A_24 = arith.constant 1 : i32
    scf.for %scan3A_43 = %scan3A_21 to %scan3A_23 step %scan3A_24  : i32 {
      %mul3A_44 = arith.constant 2 : i32
      %mul3A_45 = arith.muli %mul3A_44, %scan3A_43 : i32
      %ge3A = arith.constant 2 : i32
      %ge3A_46 = arith.cmpi sge, %mul3A_45, %ge3A : i32
      %convert_element_type3A = arith.extui %ge3A_46 : i1 to i32
      %cond3A = arith.constant 0 : i32
      %cond3A_47 = arith.cmpi ne, %convert_element_type3A, %cond3A : i32
      scf.if %cond3A_47 {
        %add3A_65 = arith.constant 0 : i32
        %add3A_66 = arith.addi %mul3A_4, %add3A_65 : i32
        %dma_wait3A_67 = tpu.memref_slice %arg6[%add3A_66, %mul3A_0] : memref<160000x256xf32, #tpu.memory_space<hbm>> -> memref<80x128xf32, #tpu.memory_space<hbm>>
        %dma_wait3A_68 = tpu.memref_slice %arg6[%add3A_66, %mul3A_0] : memref<160000x256xf32, #tpu.memory_space<hbm>> -> memref<80x128xf32, #tpu.memory_space<hbm>>
        tpu.wait_dma2 semaphore(%arg11 : memref<!tpu.dma_semaphore, #tpu.memory_space<semaphore_mem>>) src(%arg8 : memref<80x128xf32, #tpu.memory_space<vmem>>) dst(%dma_wait3A_68 : memref<80x128xf32, #tpu.memory_space<hbm>>)
      } else {
      }
      "tpu.region"() ({
        %run_scoped3A_65 = tpu.sem_alloc : memref<!tpu.dma_semaphore, #tpu.memory_space<semaphore_mem>>
        %dma_start3A_66 = arith.constant 0 : i32
        %dma_start3A_67 = tpu.memref_slice %arg7[%mul3A_45, %dma_start3A_66] : memref<125x80xi32, #tpu.memory_space<vmem>> -> memref<1x80xi32, #tpu.memory_space<vmem>>
        %dma_start3A_68 = tpu.memref_squeeze %dma_start3A_67 : memref<1x80xi32, #tpu.memory_space<vmem>> -> memref<80xi32, #tpu.memory_space<vmem>>
        %dma_start3A_69 = arith.constant 0 : i32
        %dma_start3A_70 = arith.constant 0 : i32
        %dma_start3A_71 = tpu.memref_slice %arg10[%dma_start3A_69, %dma_start3A_70] : memref<10112x128xf32, #tpu.memory_space<vmem_shared>> -> memref<10112x128xf32, #tpu.memory_space<vmem_shared>>
        tpu.enqueue_indirect_dma source(%dma_start3A_71 : memref<10112x128xf32, #tpu.memory_space<vmem_shared>>) target(%arg8 : memref<80x128xf32, #tpu.memory_space<vmem>>) offsets(%dma_start3A_68 : memref<80xi32, #tpu.memory_space<vmem>>) semaphore(%run_scoped3A_65 : memref<!tpu.dma_semaphore, #tpu.memory_space<semaphore_mem>>)
        %dma_wait3A_72 = arith.constant 0 : i32
        %dma_wait3A_73 = tpu.memref_slice %arg7[%mul3A_45, %dma_wait3A_72] : memref<125x80xi32, #tpu.memory_space<vmem>> -> memref<1x80xi32, #tpu.memory_space<vmem>>
        %dma_wait3A_74 = tpu.memref_squeeze %dma_wait3A_73 : memref<1x80xi32, #tpu.memory_space<vmem>> -> memref<80xi32, #tpu.memory_space<vmem>>
        %dma_wait3A_75 = arith.constant 0 : i32
        %dma_wait3A_76 = arith.constant 0 : i32
        %dma_wait3A_77 = tpu.memref_slice %arg10[%dma_wait3A_75, %dma_wait3A_76] : memref<10112x128xf32, #tpu.memory_space<vmem_shared>> -> memref<10112x128xf32, #tpu.memory_space<vmem_shared>>
        tpu.wait_indirect_dma semaphore(%run_scoped3A_65 : memref<!tpu.dma_semaphore, #tpu.memory_space<semaphore_mem>>) src(%dma_wait3A_77 : memref<10112x128xf32, #tpu.memory_space<vmem_shared>>) dst(%arg8 : memref<80x128xf32, #tpu.memory_space<vmem>>)
        tpu.yield
      }) : () -> ()
      %mul3A_48 = arith.constant 80 : i32
      %mul3A_49 = arith.muli %mul3A_45, %mul3A_48 : i32
      %add3A_50 = arith.addi %mul3A_4, %mul3A_49 : i32
      %dma_start3A_51 = tpu.memref_slice %arg6[%add3A_50, %mul3A_0] : memref<160000x256xf32, #tpu.memory_space<hbm>> -> memref<80x128xf32, #tpu.memory_space<hbm>>
      %dma_start3A_52 = tpu.memref_slice %arg6[%add3A_50, %mul3A_0] : memref<160000x256xf32, #tpu.memory_space<hbm>> -> memref<80x128xf32, #tpu.memory_space<hbm>>
      tpu.enqueue_dma source(%arg8 : memref<80x128xf32, #tpu.memory_space<vmem>>) target(%dma_start3A_52 : memref<80x128xf32, #tpu.memory_space<hbm>>) target_semaphore(%arg11 : memref<!tpu.dma_semaphore, #tpu.memory_space<semaphore_mem>>)
      %add3A_53 = arith.constant 1 : i32
      %add3A_54 = arith.addi %mul3A_45, %add3A_53 : i32
      %ge3A_55 = arith.constant 2 : i32
      %ge3A_56 = arith.cmpi sge, %add3A_54, %ge3A_55 : i32
      %convert_element_type3A_57 = arith.extui %ge3A_56 : i1 to i32
      %cond3A_58 = arith.constant 0 : i32
      %cond3A_59 = arith.cmpi ne, %convert_element_type3A_57, %cond3A_58 : i32
      scf.if %cond3A_59 {
        %add3A_65 = arith.constant 0 : i32
        %add3A_66 = arith.addi %mul3A_4, %add3A_65 : i32
        %dma_wait3A_67 = tpu.memref_slice %arg6[%add3A_66, %mul3A_0] : memref<160000x256xf32, #tpu.memory_space<hbm>> -> memref<80x128xf32, #tpu.memory_space<hbm>>
        %dma_wait3A_68 = tpu.memref_slice %arg6[%add3A_66, %mul3A_0] : memref<160000x256xf32, #tpu.memory_space<hbm>> -> memref<80x128xf32, #tpu.memory_space<hbm>>
        tpu.wait_dma2 semaphore(%arg12 : memref<!tpu.dma_semaphore, #tpu.memory_space<semaphore_mem>>) src(%arg9 : memref<80x128xf32, #tpu.memory_space<vmem>>) dst(%dma_wait3A_68 : memref<80x128xf32, #tpu.memory_space<hbm>>)
      } else {
      }
      "tpu.region"() ({
        %run_scoped3A_65 = tpu.sem_alloc : memref<!tpu.dma_semaphore, #tpu.memory_space<semaphore_mem>>
        %dma_start3A_66 = arith.constant 0 : i32
        %dma_start3A_67 = tpu.memref_slice %arg7[%add3A_54, %dma_start3A_66] : memref<125x80xi32, #tpu.memory_space<vmem>> -> memref<1x80xi32, #tpu.memory_space<vmem>>
        %dma_start3A_68 = tpu.memref_squeeze %dma_start3A_67 : memref<1x80xi32, #tpu.memory_space<vmem>> -> memref<80xi32, #tpu.memory_space<vmem>>
        %dma_start3A_69 = arith.constant 0 : i32
        %dma_start3A_70 = arith.constant 0 : i32
        %dma_start3A_71 = tpu.memref_slice %arg10[%dma_start3A_69, %dma_start3A_70] : memref<10112x128xf32, #tpu.memory_space<vmem_shared>> -> memref<10112x128xf32, #tpu.memory_space<vmem_shared>>
        tpu.enqueue_indirect_dma source(%dma_start3A_71 : memref<10112x128xf32, #tpu.memory_space<vmem_shared>>) target(%arg9 : memref<80x128xf32, #tpu.memory_space<vmem>>) offsets(%dma_start3A_68 : memref<80xi32, #tpu.memory_space<vmem>>) semaphore(%run_scoped3A_65 : memref<!tpu.dma_semaphore, #tpu.memory_space<semaphore_mem>>)
        %dma_wait3A_72 = arith.constant 0 : i32
        %dma_wait3A_73 = tpu.memref_slice %arg7[%add3A_54, %dma_wait3A_72] : memref<125x80xi32, #tpu.memory_space<vmem>> -> memref<1x80xi32, #tpu.memory_space<vmem>>
        %dma_wait3A_74 = tpu.memref_squeeze %dma_wait3A_73 : memref<1x80xi32, #tpu.memory_space<vmem>> -> memref<80xi32, #tpu.memory_space<vmem>>
        %dma_wait3A_75 = arith.constant 0 : i32
        %dma_wait3A_76 = arith.constant 0 : i32
        %dma_wait3A_77 = tpu.memref_slice %arg10[%dma_wait3A_75, %dma_wait3A_76] : memref<10112x128xf32, #tpu.memory_space<vmem_shared>> -> memref<10112x128xf32, #tpu.memory_space<vmem_shared>>
        tpu.wait_indirect_dma semaphore(%run_scoped3A_65 : memref<!tpu.dma_semaphore, #tpu.memory_space<semaphore_mem>>) src(%dma_wait3A_77 : memref<10112x128xf32, #tpu.memory_space<vmem_shared>>) dst(%arg9 : memref<80x128xf32, #tpu.memory_space<vmem>>)
        tpu.yield
      }) : () -> ()
      %mul3A_60 = arith.constant 80 : i32
      %mul3A_61 = arith.muli %add3A_54, %mul3A_60 : i32
      %add3A_62 = arith.addi %mul3A_4, %mul3A_61 : i32
      %dma_start3A_63 = tpu.memref_slice %arg6[%add3A_62, %mul3A_0] : memref<160000x256xf32, #tpu.memory_space<hbm>> -> memref<80x128xf32, #tpu.memory_space<hbm>>
      %dma_start3A_64 = tpu.memref_slice %arg6[%add3A_62, %mul3A_0] : memref<160000x256xf32, #tpu.memory_space<hbm>> -> memref<80x128xf32, #tpu.memory_space<hbm>>
      tpu.enqueue_dma source(%arg9 : memref<80x128xf32, #tpu.memory_space<vmem>>) target(%dma_start3A_64 : memref<80x128xf32, #tpu.memory_space<hbm>>) target_semaphore(%arg12 : memref<!tpu.dma_semaphore, #tpu.memory_space<semaphore_mem>>)
    }
    %scan3A_25 = arith.constant 62 : i32
    %add3A_26 = arith.constant 0 : i32
    %add3A_27 = arith.addi %mul3A_4, %add3A_26 : i32
    %dma_wait3A_28 = tpu.memref_slice %arg6[%add3A_27, %mul3A_0] : memref<160000x256xf32, #tpu.memory_space<hbm>> -> memref<80x128xf32, #tpu.memory_space<hbm>>
    %dma_wait3A_29 = tpu.memref_slice %arg6[%add3A_27, %mul3A_0] : memref<160000x256xf32, #tpu.memory_space<hbm>> -> memref<80x128xf32, #tpu.memory_space<hbm>>
    tpu.wait_dma2 semaphore(%arg11 : memref<!tpu.dma_semaphore, #tpu.memory_space<semaphore_mem>>) src(%arg8 : memref<80x128xf32, #tpu.memory_space<vmem>>) dst(%dma_wait3A_29 : memref<80x128xf32, #tpu.memory_space<hbm>>)
    %run_scoped3A_30 = arith.constant 124 : i32
    "tpu.region"() ({
      %run_scoped3A_43 = tpu.sem_alloc : memref<!tpu.dma_semaphore, #tpu.memory_space<semaphore_mem>>
      %dma_start3A_44 = arith.constant 0 : i32
      %dma_start3A_45 = tpu.memref_slice %arg7[%run_scoped3A_30, %dma_start3A_44] : memref<125x80xi32, #tpu.memory_space<vmem>> -> memref<1x80xi32, #tpu.memory_space<vmem>>
      %dma_start3A_46 = tpu.memref_squeeze %dma_start3A_45 : memref<1x80xi32, #tpu.memory_space<vmem>> -> memref<80xi32, #tpu.memory_space<vmem>>
      %dma_start3A_47 = arith.constant 0 : i32
      %dma_start3A_48 = arith.constant 0 : i32
      %dma_start3A_49 = tpu.memref_slice %arg10[%dma_start3A_47, %dma_start3A_48] : memref<10112x128xf32, #tpu.memory_space<vmem_shared>> -> memref<10112x128xf32, #tpu.memory_space<vmem_shared>>
      tpu.enqueue_indirect_dma source(%dma_start3A_49 : memref<10112x128xf32, #tpu.memory_space<vmem_shared>>) target(%arg8 : memref<80x128xf32, #tpu.memory_space<vmem>>) offsets(%dma_start3A_46 : memref<80xi32, #tpu.memory_space<vmem>>) semaphore(%run_scoped3A_43 : memref<!tpu.dma_semaphore, #tpu.memory_space<semaphore_mem>>)
      %dma_wait3A_50 = arith.constant 0 : i32
      %dma_wait3A_51 = tpu.memref_slice %arg7[%run_scoped3A_30, %dma_wait3A_50] : memref<125x80xi32, #tpu.memory_space<vmem>> -> memref<1x80xi32, #tpu.memory_space<vmem>>
      %dma_wait3A_52 = tpu.memref_squeeze %dma_wait3A_51 : memref<1x80xi32, #tpu.memory_space<vmem>> -> memref<80xi32, #tpu.memory_space<vmem>>
      %dma_wait3A_53 = arith.constant 0 : i32
      %dma_wait3A_54 = arith.constant 0 : i32
      %dma_wait3A_55 = tpu.memref_slice %arg10[%dma_wait3A_53, %dma_wait3A_54] : memref<10112x128xf32, #tpu.memory_space<vmem_shared>> -> memref<10112x128xf32, #tpu.memory_space<vmem_shared>>
      tpu.wait_indirect_dma semaphore(%run_scoped3A_43 : memref<!tpu.dma_semaphore, #tpu.memory_space<semaphore_mem>>) src(%dma_wait3A_55 : memref<10112x128xf32, #tpu.memory_space<vmem_shared>>) dst(%arg8 : memref<80x128xf32, #tpu.memory_space<vmem>>)
      tpu.yield
    }) : () -> ()
    %add3A_31 = arith.constant 9920 : i32
    %add3A_32 = arith.addi %mul3A_4, %add3A_31 : i32
    %dma_start3A_33 = tpu.memref_slice %arg6[%add3A_32, %mul3A_0] : memref<160000x256xf32, #tpu.memory_space<hbm>> -> memref<80x128xf32, #tpu.memory_space<hbm>>
    %dma_start3A_34 = tpu.memref_slice %arg6[%add3A_32, %mul3A_0] : memref<160000x256xf32, #tpu.memory_space<hbm>> -> memref<80x128xf32, #tpu.memory_space<hbm>>
    tpu.enqueue_dma source(%arg8 : memref<80x128xf32, #tpu.memory_space<vmem>>) target(%dma_start3A_34 : memref<80x128xf32, #tpu.memory_space<hbm>>) target_semaphore(%arg11 : memref<!tpu.dma_semaphore, #tpu.memory_space<semaphore_mem>>)
    %add3A_35 = arith.constant 0 : i32
    %add3A_36 = arith.addi %mul3A_4, %add3A_35 : i32
    %dma_wait3A_37 = tpu.memref_slice %arg6[%add3A_36, %mul3A_0] : memref<160000x256xf32, #tpu.memory_space<hbm>> -> memref<80x128xf32, #tpu.memory_space<hbm>>
    %dma_wait3A_38 = tpu.memref_slice %arg6[%add3A_36, %mul3A_0] : memref<160000x256xf32, #tpu.memory_space<hbm>> -> memref<80x128xf32, #tpu.memory_space<hbm>>
    tpu.wait_dma2 semaphore(%arg11 : memref<!tpu.dma_semaphore, #tpu.memory_space<semaphore_mem>>) src(%arg8 : memref<80x128xf32, #tpu.memory_space<vmem>>) dst(%dma_wait3A_38 : memref<80x128xf32, #tpu.memory_space<hbm>>)
    %add3A_39 = arith.constant 0 : i32
    %add3A_40 = arith.addi %mul3A_4, %add3A_39 : i32
    %dma_wait3A_41 = tpu.memref_slice %arg6[%add3A_40, %mul3A_0] : memref<160000x256xf32, #tpu.memory_space<hbm>> -> memref<80x128xf32, #tpu.memory_space<hbm>>
    %dma_wait3A_42 = tpu.memref_slice %arg6[%add3A_40, %mul3A_0] : memref<160000x256xf32, #tpu.memory_space<hbm>> -> memref<80x128xf32, #tpu.memory_space<hbm>>
    tpu.wait_dma2 semaphore(%arg12 : memref<!tpu.dma_semaphore, #tpu.memory_space<semaphore_mem>>) src(%arg9 : memref<80x128xf32, #tpu.memory_space<vmem>>) dst(%dma_wait3A_42 : memref<80x128xf32, #tpu.memory_space<hbm>>)
    return
  }
}

module attributes {stable_mosaic.version = 14 : i64} {
  func.func @body(%arg0: i32, %arg1: memref<2000x64xf32, #tpu.memory_space<vmem>>, %arg2: memref<64x256xf32, #tpu.memory_space<vmem>>, %arg3: memref<2000x256xbf16, #tpu.memory_space<vmem>>, %arg4: memref<2000x256xf32, #tpu.memory_space<vmem>>) attributes {dimension_semantics = [#tpu.dimension_semantics<arbitrary>], iteration_bounds = array<i64: 80>, scalar_prefetch = 0 : i64, scratch_operands = 0 : i64, tpu.core_type = #tpu.core_type<tc>, window_params = [{transform_indices = @transform_0, window_bounds = array<i64: 2000, 64>}, {pipeline_mode = #tpu.pipeline_mode<synchronous>, transform_indices = @transform_1, window_bounds = array<i64: 64, 256>}, {transform_indices = @transform_2, window_bounds = array<i64: 2000, 256>}, {transform_indices = @transform_3, window_bounds = array<i64: 2000, 256>}]} {
    %get3A = arith.constant 0 : index
    %get3A_0 = arith.constant 0 : index
    %get3A_1 = vector.load %arg1[%get3A, %get3A_0] : memref<2000x64xf32, #tpu.memory_space<vmem>>, vector<2000x64xf32>
    %get3A_2 = arith.constant 0 : index
    %get3A_3 = arith.constant 0 : index
    %get3A_4 = vector.load %arg2[%get3A_2, %get3A_3] : memref<64x256xf32, #tpu.memory_space<vmem>>, vector<64x256xf32>
    %dot_general3A = arith.constant dense<0.000000e+00> : vector<2000x256xf32>
    %dot_general3A_5 = tpu.matmul %get3A_1, %get3A_4, %dot_general3A {dimension_numbers = #tpu.dot_dimension_numbers<[1], [0], [0], [1], [0, 0, 1, 1], [], []>, transpose_lhs_hint = false} : vector<2000x64xf32>, vector<64x256xf32>, vector<2000x256xf32> -> vector<2000x256xf32>
    %convert_element_type3A = arith.truncf %dot_general3A_5 : vector<2000x256xf32> to vector<2000x256xbf16>
    %swap3A = arith.constant 0 : index
    %swap3A_6 = arith.constant 0 : index
    %swap3A_7 = vector.load %arg3[%swap3A, %swap3A_6] : memref<2000x256xbf16, #tpu.memory_space<vmem>>, vector<2000x256xbf16>
    tpu.vector_store %arg3[%swap3A, %swap3A_6], %convert_element_type3A {strides = array<i32>} : memref<2000x256xbf16, #tpu.memory_space<vmem>>, vector<2000x256xbf16>,
    %max3A = arith.constant 0.000000e+00 : f32
    %max3A_8 = vector.broadcast %max3A : f32 to vector<2000x256xf32>
    %max3A_9 = arith.maximumf %dot_general3A_5, %max3A_8 : vector<2000x256xf32>
    %swap3A_10 = arith.constant 0 : index
    %swap3A_11 = arith.constant 0 : index
    %swap3A_12 = vector.load %arg4[%swap3A_10, %swap3A_11] : memref<2000x256xf32, #tpu.memory_space<vmem>>, vector<2000x256xf32>
    tpu.vector_store %arg4[%swap3A_10, %swap3A_11], %max3A_9 {strides = array<i32>} : memref<2000x256xf32, #tpu.memory_space<vmem>>, vector<2000x256xf32>,
    return
  }
  func.func @transform_0(%arg0: i32) -> (i32, i32) {
    %c0_i32 = arith.constant 0 : i32
    %c0_i32_0 = arith.constant 0 : i32
    return %arg0, %c0_i32 : i32, i32
  }
  func.func @transform_1(%arg0: i32) -> (i32, i32) {
    %c0_i32 = arith.constant 0 : i32
    %c0_i32_0 = arith.constant 0 : i32
    %c0_i32_1 = arith.constant 0 : i32
    return %c0_i32, %c0_i32_0 : i32, i32
  }
  func.func @transform_2(%arg0: i32) -> (i32, i32) {
    %c0_i32 = arith.constant 0 : i32
    %c0_i32_0 = arith.constant 0 : i32
    return %arg0, %c0_i32 : i32, i32
  }
  func.func @transform_3(%arg0: i32) -> (i32, i32) {
    %c0_i32 = arith.constant 0 : i32
    %c0_i32_0 = arith.constant 0 : i32
    return %arg0, %c0_i32 : i32, i32
  }
}

module attributes {stable_mosaic.version = 14 : i64} {
  func.func @body(%arg0: i32, %arg1: memref<1600x256xbf16, #tpu.memory_space<vmem>>, %arg2: memref<1600x256xf32, #tpu.memory_space<vmem>>, %arg3: memref<1600x256xf32, #tpu.memory_space<vmem>>, %arg4: memref<256x256xf32, #tpu.memory_space<vmem>>, %arg5: memref<1600x256xf32, #tpu.memory_space<vmem>>) attributes {dimension_semantics = [#tpu.dimension_semantics<arbitrary>], iteration_bounds = array<i64: 100>, scalar_prefetch = 0 : i64, scratch_operands = 0 : i64, tpu.core_type = #tpu.core_type<tc>, window_params = [{transform_indices = @transform_0, window_bounds = array<i64: 1600, 256>}, {transform_indices = @transform_1, window_bounds = array<i64: 1600, 256>}, {transform_indices = @transform_2, window_bounds = array<i64: 1600, 256>}, {pipeline_mode = #tpu.pipeline_mode<synchronous>, transform_indices = @transform_3, window_bounds = array<i64: 256, 256>}, {transform_indices = @transform_4, window_bounds = array<i64: 1600, 256>}]} {
    %get3A = arith.constant 0 : index
    %get3A_0 = arith.constant 0 : index
    %get3A_1 = vector.load %arg2[%get3A, %get3A_0] : memref<1600x256xf32, #tpu.memory_space<vmem>>, vector<1600x256xf32>
    %get3A_2 = arith.constant 0 : index
    %get3A_3 = arith.constant 0 : index
    %get3A_4 = vector.load %arg3[%get3A_2, %get3A_3] : memref<1600x256xf32, #tpu.memory_space<vmem>>, vector<1600x256xf32>
    %sub3A = arith.subf %get3A_1, %get3A_4 : vector<1600x256xf32>
    %get3A_5 = arith.constant 0 : index
    %get3A_6 = arith.constant 0 : index
    %get3A_7 = vector.load %arg4[%get3A_5, %get3A_6] : memref<256x256xf32, #tpu.memory_space<vmem>>, vector<256x256xf32>
    %dot_general3A = arith.constant dense<0.000000e+00> : vector<1600x256xf32>
    %dot_general3A_8 = tpu.matmul %sub3A, %get3A_7, %dot_general3A {dimension_numbers = #tpu.dot_dimension_numbers<[1], [0], [0], [1], [0, 0, 1, 1], [], []>, transpose_lhs_hint = false} : vector<1600x256xf32>, vector<256x256xf32>, vector<1600x256xf32> -> vector<1600x256xf32>
    %get3A_9 = arith.constant 0 : index
    %get3A_10 = arith.constant 0 : index
    %get3A_11 = vector.load %arg1[%get3A_9, %get3A_10] : memref<1600x256xbf16, #tpu.memory_space<vmem>>, vector<1600x256xbf16>
    %convert_element_type3A = arith.extf %get3A_11 : vector<1600x256xbf16> to vector<1600x256xf32>
    %add3A = arith.addf %convert_element_type3A, %dot_general3A_8 : vector<1600x256xf32>
    %max3A = arith.constant 0.000000e+00 : f32
    %max3A_12 = vector.broadcast %max3A : f32 to vector<1600x256xf32>
    %max3A_13 = arith.maximumf %add3A, %max3A_12 : vector<1600x256xf32>
    %swap3A = arith.constant 0 : index
    %swap3A_14 = arith.constant 0 : index
    %swap3A_15 = vector.load %arg5[%swap3A, %swap3A_14] : memref<1600x256xf32, #tpu.memory_space<vmem>>, vector<1600x256xf32>
    tpu.vector_store %arg5[%swap3A, %swap3A_14], %max3A_13 {strides = array<i32>} : memref<1600x256xf32, #tpu.memory_space<vmem>>, vector<1600x256xf32>,
    return
  }
  func.func @transform_0(%arg0: i32) -> (i32, i32) {
    %c0_i32 = arith.constant 0 : i32
    %c0_i32_0 = arith.constant 0 : i32
    return %arg0, %c0_i32 : i32, i32
  }
  func.func @transform_1(%arg0: i32) -> (i32, i32) {
    %c0_i32 = arith.constant 0 : i32
    %c0_i32_0 = arith.constant 0 : i32
    return %arg0, %c0_i32 : i32, i32
  }
  func.func @transform_2(%arg0: i32) -> (i32, i32) {
    %add3A = arith.constant 50 : i32
    %add3A_0 = arith.addi %arg0, %add3A : i32
    %jit3A = arith.constant 100 : i32
    %eq3A = arith.constant 0 : i32
    %eq3A_1 = arith.cmpi eq, %jit3A, %eq3A : i32
    %jit3A_2 = arith.constant 1 : i32
    %select_n3A = arith.select %eq3A_1, %jit3A_2, %jit3A : i32
    %rem3A = arith.remsi %add3A_0, %select_n3A : i32
    %ne3A = arith.constant 0 : i32
    %ne3A_3 = arith.cmpi ne, %rem3A, %ne3A : i32
    %lt3A = arith.constant 0 : i32
    %lt3A_4 = arith.cmpi slt, %rem3A, %lt3A : i32
    %lt3A_5 = arith.constant 0 : i32
    %lt3A_6 = arith.cmpi slt, %select_n3A, %lt3A_5 : i32
    %ne3A_7 = arith.xori %lt3A_4, %lt3A_6 : i1
    %and3A = arith.andi %ne3A_7, %ne3A_3 : i1
    %add3A_8 = arith.addi %rem3A, %select_n3A : i32
    %select_n3A_9 = arith.select %and3A, %add3A_8, %rem3A : i32
    %c0_i32 = arith.constant 0 : i32
    %c0_i32_10 = arith.constant 0 : i32
    return %select_n3A_9, %c0_i32 : i32, i32
  }
  func.func @transform_3(%arg0: i32) -> (i32, i32) {
    %c0_i32 = arith.constant 0 : i32
    %c0_i32_0 = arith.constant 0 : i32
    %c0_i32_1 = arith.constant 0 : i32
    return %c0_i32, %c0_i32_0 : i32, i32
  }
  func.func @transform_4(%arg0: i32) -> (i32, i32) {
    %c0_i32 = arith.constant 0 : i32
    %c0_i32_0 = arith.constant 0 : i32
    return %arg0, %c0_i32 : i32, i32
  }
}

module attributes {stable_mosaic.version = 14 : i64} {
  func.func @body(%arg0: i32, %arg1: memref<1000x39xf32, #tpu.memory_space<vmem>>, %arg2: memref<1000x256xf32, #tpu.memory_space<vmem>>, %arg3: memref<39x256xf32, #tpu.memory_space<vmem>>, %arg4: memref<256x256xf32, #tpu.memory_space<vmem>>, %arg5: memref<1x256xf32, #tpu.memory_space<vmem>>, %arg6: memref<1x256xf32, #tpu.memory_space<vmem>>) attributes {dimension_semantics = [#tpu.dimension_semantics<arbitrary>], iteration_bounds = array<i64: 10>, scalar_prefetch = 0 : i64, scratch_operands = 0 : i64, tpu.core_type = #tpu.core_type<tc>, window_params = [{transform_indices = @transform_0, window_bounds = array<i64: 1000, 39>}, {transform_indices = @transform_1, window_bounds = array<i64: 1000, 256>}, {pipeline_mode = #tpu.pipeline_mode<synchronous>, transform_indices = @transform_2, window_bounds = array<i64: 39, 256>}, {pipeline_mode = #tpu.pipeline_mode<synchronous>, transform_indices = @transform_3, window_bounds = array<i64: 256, 256>}, {pipeline_mode = #tpu.pipeline_mode<synchronous>, transform_indices = @transform_4, window_bounds = array<i64: 1, 256>}, {pipeline_mode = #tpu.pipeline_mode<synchronous>, transform_indices = @transform_5, window_bounds = array<i64: 1, 256>}]} {
    %get3A = arith.constant 0 : index
    %get3A_0 = arith.constant 0 : index
    %get3A_1 = vector.load %arg1[%get3A, %get3A_0] : memref<1000x39xf32, #tpu.memory_space<vmem>>, vector<1000x39xf32>
    %get3A_2 = arith.constant 0 : index
    %get3A_3 = arith.constant 0 : index
    %get3A_4 = vector.load %arg3[%get3A_2, %get3A_3] : memref<39x256xf32, #tpu.memory_space<vmem>>, vector<39x256xf32>
    %dot_general3A = arith.constant dense<0.000000e+00> : vector<1000x256xf32>
    %dot_general3A_5 = tpu.matmul %get3A_1, %get3A_4, %dot_general3A {dimension_numbers = #tpu.dot_dimension_numbers<[1], [0], [0], [1], [0, 0, 1, 1], [], []>, transpose_lhs_hint = false} : vector<1000x39xf32>, vector<39x256xf32>, vector<1000x256xf32> -> vector<1000x256xf32>
    %get3A_6 = arith.constant 0 : index
    %get3A_7 = arith.constant 0 : index
    %get3A_8 = vector.load %arg2[%get3A_6, %get3A_7] : memref<1000x256xf32, #tpu.memory_space<vmem>>, vector<1000x256xf32>
    %get3A_9 = arith.constant 0 : index
    %get3A_10 = arith.constant 0 : index
    %get3A_11 = vector.load %arg4[%get3A_9, %get3A_10] : memref<256x256xf32, #tpu.memory_space<vmem>>, vector<256x256xf32>
    %dot_general3A_12 = arith.constant dense<0.000000e+00> : vector<1000x256xf32>
    %dot_general3A_13 = tpu.matmul %get3A_8, %get3A_11, %dot_general3A_12 {dimension_numbers = #tpu.dot_dimension_numbers<[1], [0], [0], [1], [0, 0, 1, 1], [], []>, transpose_lhs_hint = false} : vector<1000x256xf32>, vector<256x256xf32>, vector<1000x256xf32> -> vector<1000x256xf32>
    %add3A = arith.addf %dot_general3A_5, %dot_general3A_13 : vector<1000x256xf32>
    %get3A_14 = arith.constant 0 : index
    %get3A_15 = arith.constant 0 : index
    %get3A_16 = vector.load %arg5[%get3A_14, %get3A_15] : memref<1x256xf32, #tpu.memory_space<vmem>>, vector<1x256xf32>
    %add3A_17 = vector.broadcast %get3A_16 : vector<1x256xf32> to vector<1000x256xf32>
    %add3A_18 = arith.addf %add3A, %add3A_17 : vector<1000x256xf32>
    %max3A = arith.constant 0.000000e+00 : f32
    %max3A_19 = vector.broadcast %max3A : f32 to vector<1000x256xf32>
    %max3A_20 = arith.maximumf %add3A_18, %max3A_19 : vector<1000x256xf32>
    %reduce_sum3A = arith.constant dense<0.000000e+00> : vector<256xf32>
    %reduce_sum3A_21 = vector.multi_reduction <add>, %max3A_20, %reduce_sum3A [0] : vector<1000x256xf32> to vector<256xf32>
    %broadcast_in_dim3A = vector.shape_cast %reduce_sum3A_21 : vector<256xf32> to vector<1x256xf32>
    %eq3A = arith.constant 0 : i32
    %eq3A_22 = arith.cmpi eq, %arg0, %eq3A : i32
    %convert_element_type3A = arith.extui %eq3A_22 : i1 to i32
    %cond3A = arith.constant 0 : i32
    %cond3A_23 = arith.cmpi ne, %convert_element_type3A, %cond3A : i32
    scf.if %cond3A_23 {
      %broadcast_in_dim3A_35 = arith.constant 0.000000e+00 : f32
      %broadcast_in_dim3A_36 = vector.broadcast %broadcast_in_dim3A_35 : f32 to vector<1x256xf32>
      %swap3A_37 = arith.constant 0 : index
      %swap3A_38 = arith.constant 0 : index
      %swap3A_39 = vector.load %arg6[%swap3A_37, %swap3A_38] : memref<1x256xf32, #tpu.memory_space<vmem>>, vector<1x256xf32>
      tpu.vector_store %arg6[%swap3A_37, %swap3A_38], %broadcast_in_dim3A_36 {strides = array<i32>} : memref<1x256xf32, #tpu.memory_space<vmem>>, vector<1x256xf32>,
    } else {
    }
    %get3A_24 = arith.constant 0 : index
    %get3A_25 = arith.constant 0 : index
    %get3A_26 = vector.load %arg6[%get3A_24, %get3A_25] : memref<1x256xf32, #tpu.memory_space<vmem>>, vector<1x256xf32>
    %add3A_27 = arith.addf %get3A_26, %broadcast_in_dim3A : vector<1x256xf32>
    %swap3A = arith.constant 0 : index
    %swap3A_28 = arith.constant 0 : index
    %swap3A_29 = vector.load %arg6[%swap3A, %swap3A_28] : memref<1x256xf32, #tpu.memory_space<vmem>>, vector<1x256xf32>
    tpu.vector_store %arg6[%swap3A, %swap3A_28], %add3A_27 {strides = array<i32>} : memref<1x256xf32, #tpu.memory_space<vmem>>, vector<1x256xf32>,
    %eq3A_30 = arith.constant 9 : i32
    %eq3A_31 = arith.cmpi eq, %arg0, %eq3A_30 : i32
    %convert_element_type3A_32 = arith.extui %eq3A_31 : i1 to i32
    %cond3A_33 = arith.constant 0 : i32
    %cond3A_34 = arith.cmpi ne, %convert_element_type3A_32, %cond3A_33 : i32
    scf.if %cond3A_34 {
      %get3A_35 = arith.constant 0 : index
      %get3A_36 = arith.constant 0 : index
      %get3A_37 = vector.load %arg6[%get3A_35, %get3A_36] : memref<1x256xf32, #tpu.memory_space<vmem>>, vector<1x256xf32>
      %mul3A = arith.constant 9.99999974E-5 : f32
      %mul3A_38 = vector.broadcast %mul3A : f32 to vector<1x256xf32>
      %mul3A_39 = arith.mulf %get3A_37, %mul3A_38 : vector<1x256xf32>
      %swap3A_40 = arith.constant 0 : index
      %swap3A_41 = arith.constant 0 : index
      %swap3A_42 = vector.load %arg6[%swap3A_40, %swap3A_41] : memref<1x256xf32, #tpu.memory_space<vmem>>, vector<1x256xf32>
      tpu.vector_store %arg6[%swap3A_40, %swap3A_41], %mul3A_39 {strides = array<i32>} : memref<1x256xf32, #tpu.memory_space<vmem>>, vector<1x256xf32>,
    } else {
    }
    return
  }
  func.func @transform_0(%arg0: i32) -> (i32, i32) {
    %c0_i32 = arith.constant 0 : i32
    %c0_i32_0 = arith.constant 0 : i32
    return %arg0, %c0_i32 : i32, i32
  }
  func.func @transform_1(%arg0: i32) -> (i32, i32) {
    %c0_i32 = arith.constant 0 : i32
    %c0_i32_0 = arith.constant 0 : i32
    return %arg0, %c0_i32 : i32, i32
  }
  func.func @transform_2(%arg0: i32) -> (i32, i32) {
    %c0_i32 = arith.constant 0 : i32
    %c0_i32_0 = arith.constant 0 : i32
    %c0_i32_1 = arith.constant 0 : i32
    return %c0_i32, %c0_i32_0 : i32, i32
  }
  func.func @transform_3(%arg0: i32) -> (i32, i32) {
    %c0_i32 = arith.constant 0 : i32
    %c0_i32_0 = arith.constant 0 : i32
    %c0_i32_1 = arith.constant 0 : i32
    return %c0_i32, %c0_i32_0 : i32, i32
  }
  func.func @transform_4(%arg0: i32) -> (i32, i32) {
    %c0_i32 = arith.constant 0 : i32
    %c0_i32_0 = arith.constant 0 : i32
    %c0_i32_1 = arith.constant 0 : i32
    return %c0_i32, %c0_i32_0 : i32, i32
  }
  func.func @transform_5(%arg0: i32) -> (i32, i32) {
    %c0_i32 = arith.constant 0 : i32
    %c0_i32_0 = arith.constant 0 : i32
    %c0_i32_1 = arith.constant 0 : i32
    return %c0_i32, %c0_i32_0 : i32, i32
  }
}

</mosaic_0001>

<sc_bundles>
// kernel: kernel.11.cloned.1.call-start
scs
__scs_entry_jumppad:
0x0: {  	(pc) =	sbr.rel $0x88, $3  }
0x1: {  	(tag) =	ssettag $0x0;
	lr =	simm.s32 $0x1  }
0x2: {  	[smem:$0x3F9A] =	sst lr;
	_ =	strace $0xD0000000  }
0x3: {  	_ = 	snop  }
0x4: {  	_ = 	snop  }
0x5: {  	_ = 	snop  }
0x6: {  	_ = 	snop  }
0x7: {  	_ = 	snop  }
__scs_overlays_trampoline_lowered:
0x8: {  	[smem:$0x3FA9] =	sst s0  }
0x9: {  	[smem:$0x3FAA] =	sst s1  }
0xa: {  	[smem:$0x3FAB] =	sst s2  }
0xb: {  	[smem:$0x3FAC] =	sst s3  }
0xc: {  	[smem:$0x3FAD] =	sst s4  }
0xd: {  	[smem:$0x3FAE] =	sst s5  }
0xe: {  	[smem:$0x3FAF] =	sst s6  }
0xf: {  	[smem:$0x3FB0] =	sst s7  }
0x10: {  	[smem:$0x3FB1] =	sst s8  }
0x11: {  	[smem:$0x3FB2] =	sst s9;
	s0 =	simm.s32 @!p0 $0x0  }
0x12: {  	s1 =	sld [smem:$0x3F98];
	s0 =	simm.s32 @p0 $0x1  }
0x13: {  	[smem:$0x3FB3] =	sst s0;
	s0 =	simm.s32 @!p1 $0x0  }
0x14: {  	s2 =	sld [smem:$0x3F97];
	s0 =	simm.s32 @p1 $0x1  }
0x15: {  	[smem:$0x3FB4] =	sst s0;
	s0 =	simm.s32 @!p2 $0x0  }
0x16: {  	s3 =	sld [smem:$0x3FDB];
	s0 =	simm.s32 @p2 $0x1  }
0x17: {  	s4 =	simm.s32 $0x1BF5;
	[smem:$0x3FB6] =	sst s0  }
0x18: {  	s0 =	sld [smem:$0x3F99];
	_ =	swait.ge [sflag:s4], $0x0  }
0x19: {  	s7 =	sld [smem:$0x3F9A]  }
0x1a: {  	s8 =	sadd.s32 $0xFFFFE003, lr  }
0x1b: {  	s9 =	sadd.s32 $0xFFFFFEF7, lr;
	s5 =	simm.s32 $0xFFFFFFFF;
	p2 =	slt.u32 s8, $0xFFFFF086  }
0x1c: {  	p1 =	slt.u32 s9, $0xF7A;
	s5 =	simm.s32 @!p2 $0x0  }
0x1d: {  	s5 =	simm.s32 @p1 $0x1;
	p0 =	seq.s32 s7, s2  }
0x1e: {  	s7 =	smul.u32 @!p0 $0xF7A, s2;
	p2 =	seq.s32 @!p0 s5, $0x0  }
0x1f: {  	s9 =	smul.u32 $0xF7A, s1;
	s8 =	simm.s32 @!p0 $0x1BF5;
	p2 =	por !p2, p0  }
0x20: {  	[sflag:s8] =	ssyncset.s32 @!p0 $0xFFFFF086;
	s6 =	sadd.s32 @!p0 s3, s7;
	s7 =	simm.s32 @!p0 $0x108  }
0x21: {  	s3 =	sadd.s32 s3, s9;
	s6 =	sadd.s32 @!p0 $0x88, s6;
	s7 =	simm.s32 @p2 $0x1082  }
0x22: {  	[simem:s7], [sflag:s8] =	dma.local @!p0 [hbm:s6], $0xF7A  }
0x23: {  	s9 =	sor.u32 $0xD0000000, s2;
	s6 =	simm.s32 $0x108;
	_ =	swait.ge @!p0 [sflag:s8], $0x0  }
0x24: {  	s3 =	sadd.s32 $0x88, s3;
	s6 =	simm.s32 @!p1 $0x1082;
	[sflag:s4] =	ssyncset.s32 $0xFFFFF086  }
0x25: {  	[simem:s6], [sflag:s4] =	dma.local [hbm:s3], $0xF7A  }
0x26: {  	[smem:$0x3F9A] =	sst s1;
	(tag) =	ssettag s2;
	_ =	strace s9  }
0x27: {  	s1 =	sld [smem:$0x3FAA]  }
0x28: {  	s2 =	sld [smem:$0x3FAB]  }
0x29: {  	s4 =	sld [smem:$0x3FAD]  }
0x2a: {  	p0 =	seq.s32 s5, $0x0;
	s5 =	sld [smem:$0x3FAE]  }
0x2b: {  	s6 =	sld [smem:$0x3FAF]  }
0x2c: {  	s7 =	sld [smem:$0x3FB0]  }
0x2d: {  	s3 =	simm.s32 $0x108;
	s8 =	sld [smem:$0x3FB1]  }
0x2e: {  	s3 =	simm.s32 @!p0 $0x1082;
	s9 =	sld [smem:$0x3FB2]  }
0x2f: {  	lr =	sadd.s32 s0, s3;
	s0 =	sld [smem:$0x3FA9]  }
0x30: {  	s3 =	sld [smem:$0x3FAC]  }
0x31: {  	[smem:$0x3FB5] =	sst s10  }
0x32: {  	s10 =	sld [smem:$0x3FB3];
	_ =	sdelay $0x3  }
0x33: {  	p0 =	seq.s32 s10, $0x1;
	s10 =	sld [smem:$0x3FB5];
	_ =	sdelay $0x3  }
0x34: {  	[smem:$0x3FB5] =	sst s10  }
0x35: {  	s10 =	sld [smem:$0x3FB4];
	_ =	sdelay $0x3  }
0x36: {  	p1 =	seq.s32 s10, $0x1;
	s10 =	sld [smem:$0x3FB5];
	_ =	sdelay $0x3  }
0x37: {  	[smem:$0x3FB5] =	sst s10  }
0x38: {  	s10 =	sld [smem:$0x3FB6]  }
0x39: {  	_ = 	snop;
	(pc) =	sbr.ind lr, $3  }
0x3a: {  	_ = 	snop  }
0x3b: {  	_ = 	snop  }
0x3c: {  	p2 =	seq.s32 s10, $0x1;
	s10 =	sld [smem:$0x3FB5]  }
0x3d: {  	_ =	shalt  }
0x3e: {  	_ =	shalt  }
0x3f: {  	_ =	shalt  }
0x40: {  	_ =	shalt  }
0x41: {  	_ =	shalt  }
0x42: {  	_ =	shalt  }
0x43: {  	_ =	shalt  }
0x44: {  	_ =	shalt  }
0x45: {  	_ =	shalt  }
0x46: {  	_ =	shalt  }
0x47: {  	_ =	shalt  }
0x48: {  	_ =	shalt  }
0x49: {  	_ =	shalt  }
0x4a: {  	_ =	shalt  }
0x4b: {  	_ =	shalt  }
0x4c: {  	_ =	shalt  }
0x4d: {  	_ =	shalt  }
0x4e: {  	_ =	shalt  }
0x4f: {  	_ =	shalt  }
0x50: {  	_ =	shalt  }
0x51: {  	_ =	shalt  }
0x52: {  	_ =	shalt  }
0x53: {  	_ =	shalt  }
0x54: {  	_ =	shalt  }
0x55: {  	_ =	shalt  }
0x56: {  	_ =	shalt  }
0x57: {  	_ =	shalt  }
0x58: {  	_ =	shalt  }
0x59: {  	_ =	shalt  }
0x5a: {  	_ =	shalt  }
0x5b: {  	_ =	shalt  }
0x5c: {  	_ =	shalt  }
0x5d: {  	_ =	shalt  }
0x5e: {  	_ =	shalt  }
0x5f: {  	_ =	shalt  }
0x60: {  	_ =	shalt  }
0x61: {  	_ =	shalt  }
0x62: {  	_ =	shalt  }
0x63: {  	_ =	shalt  }
0x64: {  	_ =	shalt  }
0x65: {  	_ =	shalt  }
0x66: {  	_ =	shalt  }
0x67: {  	_ =	shalt  }
0x68: {  	_ =	shalt  }
0x69: {  	_ =	shalt  }
0x6a: {  	_ =	shalt  }
0x6b: {  	_ =	shalt  }
0x6c: {  	_ =	shalt  }
0x6d: {  	_ =	shalt  }
0x6e: {  	_ =	shalt  }
0x6f: {  	_ =	shalt  }
0x70: {  	_ =	shalt  }
0x71: {  	_ =	shalt  }
0x72: {  	_ =	shalt  }
0x73: {  	_ =	shalt  }
0x74: {  	_ =	shalt  }
0x75: {  	_ =	shalt  }
0x76: {  	_ =	shalt  }
0x77: {  	_ =	shalt  }
0x78: {  	_ =	shalt  }
0x79: {  	_ =	shalt  }
0x7a: {  	_ =	shalt  }
0x7b: {  	_ =	shalt  }
0x7c: {  	_ =	shalt  }
0x7d: {  	_ =	shalt  }
0x7e: {  	_ =	shalt  }
0x7f: {  	_ =	shalt  }
0x80: {  	_ =	shalt  }
0x81: {  	_ =	shalt  }
0x82: {  	_ =	shalt  }
0x83: {  	_ =	shalt  }
0x84: {  	_ =	shalt  }
0x85: {  	_ =	shalt  }
0x86: {  	_ =	shalt  }
0x87: {  	_ =	shalt  }
.Lfunc_end0:
.L_simem_size_0:
called_computation_lowered:
.L_overlay_start_0:
0x88: {  	s2 =	sld [smem:$0x3FD9]  }
0x89: {  	s3 =	sld [smem:$0x3FFE];
	_ =	sdelay $0x1  }
0x8a: {  	s1 =	srdreg.scid  }
0x8b: {  	s0 =	sand.u32 $0x1, s1  }
0x8c: {  	s16 =	sshll.u32 s0, $0xA;
	s2 =	sadd.s32 s3, s2  }
0x8d: {  	s2 =	sadd.s32 s2, s16  }
0x8e: {  	[smem:$0x3FC1] =	sst s2  }
0x8f: {  	_ = 	snop  }
0x90: {  	(tm) =	ssettm $0x1  }
0x91: {  	s17 =	sld [smem:$0x3FFB];
	_ =	sdelay $0x3  }
0x92: {  	_ =	strace s17  }
0x93: {  	s2 =	sld [smem:$0x3FFC];
	_ =	sdelay $0x3  }
0x94: {  	_ =	strace s2  }
0x95: {  	s2 =	sld [smem:$0x3FFD];
	_ =	sdelay $0x3  }
0x96: {  	_ =	strace s2  }
0x97: {  	_ =	strace $0x8FFFFFFF  }
0x98: {  	s18 =	sld [smem:$0x3FDB];
	_ =	sdelay $0x1  }
0x99: {  	s19 =	simm.s32 $_scs_section_size  }
0x9a: {  	s4 =	simm.s32 $_size__tile_overlayer_lowered;
	s5 =	simm.s32 $_tile_overlayer_lowered  }
0x9b: {  	s22 =	simm.s32 $0x1BFF;
	s21 =	sshll.u32 s5, $0x1;
	s2 =	sadd.s32 s19, s18  }
0x9c: {  	s6 =	simm.s32 $0x0;
	s20 =	sshll.u32 s4, $0x1;
	s4 =	sadd.s32 s21, s2  }
0x9d: {  	[timem:s6], [sflag:s22] =	dma.local [hbm:s4], s20  }
0x9e: {  	_ =	swait.ge [sflag:s22], s20  }
0x9f: {  	s3 =	ssub.s32 $0x0, s20;
	[sflag:s22] =	ssyncset.done $0x0  }
0xa0: {  	[sflag:s22] =	ssyncadd.s32 s3;
	_ =	sdelay $0x1  }
0xa1: {  	s23 =	simm.s32 $0x1B8B  }
0xa2: {  	_ =	swait.ge [sflag:s23], $0x1  }
0xa3: {  	[sflag:s23] =	ssyncset.done $0x0  }
0xa4: {  	s25 =	simm.s32 $0x1B8E;
	s24 =	sld [smem:$0x3FFE];
	[sflag:s23] =	ssyncadd.s32 $0xFFFFFFFF  }
0xa5: {  	s26 =	simm.s32 $execute0_lowered;
	[smem:$0x3FD2] =	sst s25  }
0xa6: {  	s4 =	sshll.u32 s26, $0x1;
	_ =	strace $0x80000046;
	[dreg:$0x1] =	wrdreg $0xFFFFFFFF  }
0xa7: {  	s28 =	simm.s32 $_size_execute0_lowered;
	s2 =	sadd.s32 s2, s4;
	[dreg:$0x0] =	wrdreg $0x0  }
0xa8: {  	s4 =	sshll.u32 s28, $0x1;
	[dreg:$0x2] =	wrdreg s2  }
0xa9: {  	[dreg:$0x3] =	wrdreg s4  }
0xaa: {  	[dreg:$0x4] =	wrdreg $0xC0  }
0xab: {  	_ =	task [dreg:s6], $0x5FFFF  }
0xac: {  	[dreg:$0x1] =	wrdreg $0xFFFFFFFF  }
0xad: {  	[dreg:$0x0] =	wrdreg $0x60  }
0xae: {  	[dreg:$0x2] =	wrdreg s24  }
0xaf: {  	[dreg:$0x3] =	wrdreg $0x90000  }
0xb0: {  	[dreg:$0x4] =	wrdreg $0x9  }
0xb1: {  	_ =	task.clear_ibuf [dreg:s6], $0x5FFFF;
	_ =	strace $0x90000046  }
0xb2: {  	s29 =	simm.s32 $0x9;
	_ =	strace $0x80000048  }
0xb3: {  	_ =	swait.ge [sflag:s29], $0x1  }
0xb4: {  	[sflag:s29] =	ssyncadd.s32 $0xFFFFFFFF  }
0xb5: {  	_ =	strace $0x90000048  }
0xb6: {  	_ =	sfence  }
0xb7: {  	s30 =	sld [smem:$0x0];
	_ =	sdelay $0x2  }
0xb8: {  	s31 =	sshll.u32 s1, $0xD;
	s1 =	sshrl.u32 s1, $0x2  }
0xb9: {  	s3 =	sand.u32 $0x4000, s31;
	s1 =	sadd.s32 s1, s30  }
0xba: {  	s0 =	sor.u32 s3, s0;
	s1 =	sshll.u32 s1, $0x11  }
0xbb: {  	s0 =	sor.u32 s1, s0  }
0xbc: {  	s0 =	sadd.s32 $0x8F2B, s0  }
0xbd: {  	[sflag:s0] =	ssyncadd.remote.s32 $0x1  }
0xbe: {  	_ =	sfence.sel $0xFFFF  }
0xbf: {  	[dreg:$0x0] =	wrdreg $0xFFFFFFFF;
	(pc) =	sbr.abs _section_cstart, $3  }
0xc0: {  	[dreg:$0x1] =	wrdreg $0xFFFFFFFF  }
0xc1: {  	_ =	task.clear_ibuf [dreg:s6], $0x2FFFF;
	_ =	strace $0x9FFFFFFF  }
0xc2: {  	(tm) =	ssettm $0x7FFFFFFF  }
0xc3: {  	_ =	shalt  }
tec
execute0_lowered:
.L_overlay_start_1:
0x0: {  	(tag) =	ssettag $0x1  }
0x1: {  	s0 =	rddreg [dreg:$0x0]  }
0x2: {  	s2 =	rddreg [dreg:$0x1]  }
0x3: {  	s1 =	simm.s32 $0x0;
	s9 =	stileid.u32;
	s18 =	srdreg.scid  }
0x4: {  	s28 =	simm.s32 $0x50;
	s29 =	simm.s32 $0x2;
	[smem:$0x7FF] =	sst s1  }
0x5: {  	s3 =	sshll.u32 s9, $0xB;
	s4 =	sadd.s32 $0x4F3C00, s0;
	s8 =	smul.u32 $0x4F000, s9  }
0x6: {  	s1 =	sand.u32 $0x1, s18;
	s6 =	sadd.s32 $0x282C00, s0;
	s20 =	smul.u32 $0x271000, s9  }
0x7: {  	s22 =	sshll.u32 s9, $0x6;
	_ =	strace $0x80000047;
	s3 =	sadd.s32 s3, s0  }
0x8: {  	s5 =	ssub.s32 $0x2, s1;
	[dreg:$0x3] =	wrdreg s6;
	s6 =	sadd.s32 $0x9D5C00, s0  }
0x9: {  	s1 =	sshll.u32 s1, $0xA;
	s7 =	sshrl.u32 s5, $0x1;
	s21 =	sshrl.u32 s8, $0x2  }
0xa: {  	s8 =	sor.u32 $0x1C03, s22;
	s1 =	sor.u32 s1, s20;
	s23 =	sadd.s32 $0x1C00, s3  }
0xb: {  	s11 =	sadd.s32 $0x9C00, s3;
	s22 =	simm.s32 $0x400;
	s3 =	simm.s32 $0x0  }
0xc: {  	s19 =	ssub.s32 s5, s7;
	s7 =	sadd.s32 s21, s2;
	[dreg:$0x4] =	wrdreg s8  }
0xd: {  	[dreg:$0x5] =	wrdreg s23;
	s24 =	sshrl.u32 s1, $0x3;
	s25 =	sadd.s32 $0x5000, s1  }
0xe: {  	s12 =	sadd.s32 $0x26C000, s1;
	s31 =	sadd.s32 $0xF000, s1;
	s18 =	sadd.s32 $0xA000, s1  }
0xf: {  	s21 =	simm.s32 $0x3;
	s23 =	simm.s32 $0x800;
	s1 =	simm.s32 $0x80  }
0x10: {  	s26 =	sadd.s32 s4, s24;
	s8 =	sshrl.u32 s25, $0x3;
	s30 =	sshrl.u32 s12, $0x3  }
0x11: {  	s13 =	smax.u32 s19, $0x1;
	s15 =	sadd.s32 s6, s24;
	s0 =	sshrl.u32 s31, $0x3  }
0x12: {  	s20 =	sshrl.u32 s7, $0x3;
	s24 =	simm.s32 $0x4000;
	s25 =	simm.s32 $0x6800  }
0x13: {  	[dreg:$0x6] =	wrdreg s26;
	s10 =	sadd.s32 s4, s8;
	s12 =	sadd.s32 s6, s30  }
0x14: {  	s14 =	sadd.s32 s4, s30;
	s16 =	sadd.s32 s6, s8;
	s17 =	sadd.s32 s0, s4  }
0x15: {  	s19 =	sadd.s32 s0, s6;
	s26 =	simm.s32 $0x1;
	s0 =	simm.s32 $0x3E00  }
.LBB2_1:
0x16: {  	s5 =	rddreg [dreg:$0x3]  }
0x17: {  	s7 =	rddreg [dreg:$0x4]  }
0x18: {  	[spmem:s20], [sflag:s7] =	dma.local [hbm:s5], $0x2780  }
0x19: {  	_ =	swait.ge [sflag:s21], $0x2780  }
0x1a: {  	[sflag:s21] =	ssyncset.done $0x0  }
0x1b: {  	s8 =	simm.s32 $0x0;
	s9 =	rddreg [dreg:$0x5];
	[sflag:s21] =	ssyncadd.s32 $0xFFFFD880  }
0x1c: {  	[tilespmem:s8], [sflag:$0x3] =	stream.linear.gather [hbm4b:s9+s8], $0x3E80, $0x38;
	[tilespmem:$0x1CC00] =	vst v63  }
0x1d: {  	_ =	swait.ge [sflag:s21], $0x3E80  }
0x1e: {  	[sflag:s21] =	ssyncset.done $0x0  }
0x1f: {  	[sflag:s21] =	ssyncadd.s32 $0xFFFFC180  }
0x20: {  	[bflag:$0x0] =	sbarrier.arrive $0xFFFF  }
0x21: {  	s7 =	rddreg [dreg:$0x6]  }
0x22: {  	[tilespmem:s24], [sflag:$0x1] =	stream.strided.gather [hbm4b:s7+s22], $0x2800, s23, s22, $0x38;
	[tilespmem:$0x1CC00] =	vst v63  }
0x23: {  	_ = 	snop  }
0x24: {  	[tilespmem:s25], [sflag:$0x2] =	stream.strided.gather [hbm4b:s10+s22], $0x2800, s23, s22, $0x38;
	[tilespmem:$0x1CC00] =	vst v63  }
0x25: {  	_ =	swait.ge [sflag:s26], $0x2800  }
0x26: {  	[sflag:s26] =	ssyncset.done $0x0  }
0x27: {  	s8 =	simm.s32 $0x0;
	[sflag:s26] =	ssyncadd.s32 $0xFFFFD800  }
0x28: {  	[spmem:s2] =	stream.indirect.scatter.add.f32 [tilespmem:s24], [sflag:$0x3], $0x80, s8, s28, $0xb8;
	[tilespmem:$0x1CC00] =	vst v63  }
0x29: {  	_ =	swait.ge [sflag:s21], $0x2800  }
0x2a: {  	s30 =	sshrl.u32 s18, $0x3;
	[sflag:s21] =	ssyncset.done $0x0  }
0x2b: {  	s9 =	sadd.s32 s4, s30;
	[sflag:s21] =	ssyncadd.s32 $0xFFFFD800  }
0x2c: {  	[tilespmem:s24], [sflag:$0x1] =	stream.strided.gather [hbm4b:s9+s22], $0x2800, s23, s22, $0x38;
	[tilespmem:$0x1CC00] =	vst v63  }
0x2d: {  	_ =	swait.ge [sflag:s29], $0x2800  }
0x2e: {  	[sflag:s29] =	ssyncset.done $0x0  }
0x2f: {  	[sflag:s29] =	ssyncadd.s32 $0xFFFFD800  }
0x30: {  	[spmem:s2] =	stream.indirect.scatter.add.f32 [tilespmem:s25], [sflag:$0x3], $0x80, s1, s28, $0xb8;
	[tilespmem:$0x1CC00] =	vst v63  }
0x31: {  	_ =	swait.ge [sflag:s21], $0x2800  }
0x32: {  	s31 =	simm.s32 $0x1400;
	s5 =	sadd.s32 $0xA000, s18;
	[sflag:s21] =	ssyncset.done $0x0  }
0x33: {  	s7 =	simm.s32 $0x180;
	s8 =	sadd.s32 $0x0, s17;
	[sflag:s21] =	ssyncadd.s32 $0xFFFFD800  }
.LBB2_2:
0x34: {  	[tilespmem:s25], [sflag:$0x2] =	stream.strided.gather [hbm4b:s8+s22], $0x2800, s23, s22, $0x38;
	[tilespmem:$0x1CC00] =	vst v63  }
0x35: {  	s8 =	smov.u32 s31  }
0x36: {  	p0 =	sne.s32 s31, $0x4B000;
	s31 =	sadd.s32 $0x1400, s31;
	_ =	swait.ge [sflag:s26], $0x2800  }
0x37: {  	[sflag:s26] =	ssyncset.done $0x0  }
0x38: {  	s9 =	sadd.s32 $0xFFFFFF80, s7;
	[sflag:s26] =	ssyncadd.s32 $0xFFFFD800  }
0x39: {  	[spmem:s2] =	stream.indirect.scatter.add.f32 [tilespmem:s24], [sflag:$0x3], $0x80, s9, s28, $0xb8;
	[tilespmem:$0x1CC00] =	vst v63  }
0x3a: {  	_ =	swait.ge [sflag:s21], $0x2800  }
0x3b: {  	s9 =	sshrl.u32 s5, $0x3;
	[sflag:s21] =	ssyncset.done $0x0  }
0x3c: {  	s9 =	sadd.s32 s4, s9;
	[sflag:s21] =	ssyncadd.s32 $0xFFFFD800  }
0x3d: {  	[tilespmem:s24], [sflag:$0x1] =	stream.strided.gather [hbm4b:s9+s22], $0x2800, s23, s22, $0x38;
	[tilespmem:$0x1CC00] =	vst v63  }
0x3e: {  	_ =	swait.ge [sflag:s29], $0x2800  }
0x3f: {  	[sflag:s29] =	ssyncset.done $0x0  }
.Ltmp0:
0x40: {  	[sflag:s29] =	ssyncadd.s32 $0xFFFFD800;
	(pc) =	sbr.rel @p0 .LBB2_2-.Ltmp0, $4  }
0x41: {  	[spmem:s2] =	stream.indirect.scatter.add.f32 [tilespmem:s25], [sflag:$0x3], $0x80, s7, s28, $0xb8;
	[tilespmem:$0x1CC00] =	vst v63  }
0x42: {  	_ =	swait.ge [sflag:s21], $0x2800  }
0x43: {  	s5 =	sadd.s32 $0xA000, s5;
	[sflag:s21] =	ssyncset.done $0x0  }
0x44: {  	s8 =	sadd.s32 s8, s17;
	s7 =	sadd.s32 $0x100, s7;
	[sflag:s21] =	ssyncadd.s32 $0xFFFFD800  }
0x45: {  	[tilespmem:s25], [sflag:$0x2] =	stream.strided.gather [hbm4b:s8+s22], $0x2800, s23, s22, $0x38;
	[tilespmem:$0x1CC00] =	vst v63  }
0x46: {  	_ =	swait.ge [sflag:s26], $0x2800  }
0x47: {  	[sflag:s26] =	ssyncset.done $0x0  }
0x48: {  	s5 =	simm.s32 $0x3D00;
	[sflag:s26] =	ssyncadd.s32 $0xFFFFD800  }
0x49: {  	[spmem:s2] =	stream.indirect.scatter.add.f32 [tilespmem:s24], [sflag:$0x3], $0x80, s5, s28, $0xb8;
	[tilespmem:$0x1CC00] =	vst v63  }
0x4a: {  	_ =	swait.ge [sflag:s21], $0x2800  }
0x4b: {  	[sflag:s21] =	ssyncset.done $0x0  }
0x4c: {  	[sflag:s21] =	ssyncadd.s32 $0xFFFFD800  }
0x4d: {  	[tilespmem:s24], [sflag:$0x1] =	stream.strided.gather [hbm4b:s14+s22], $0x2800, s23, s22, $0x38;
	[tilespmem:$0x1CC00] =	vst v63  }
0x4e: {  	_ =	swait.ge [sflag:s29], $0x2800  }
0x4f: {  	[sflag:s29] =	ssyncset.done $0x0  }
0x50: {  	s31 =	simm.s32 $0x3D80;
	[sflag:s29] =	ssyncadd.s32 $0xFFFFD800  }
0x51: {  	[spmem:s2] =	stream.indirect.scatter.add.f32 [tilespmem:s25], [sflag:$0x3], $0x80, s31, s28, $0xb8;
	[tilespmem:$0x1CC00] =	vst v63  }
0x52: {  	_ =	swait.ge [sflag:s21], $0x2800  }
0x53: {  	[sflag:s21] =	ssyncset.done $0x0  }
0x54: {  	[sflag:s21] =	ssyncadd.s32 $0xFFFFD800  }
0x55: {  	_ =	swait.ge [sflag:s26], $0x2800  }
0x56: {  	[sflag:s26] =	ssyncset.done $0x0  }
0x57: {  	[sflag:s26] =	ssyncadd.s32 $0xFFFFD800  }
0x58: {  	[spmem:s2] =	stream.indirect.scatter.add.f32 [tilespmem:s24], [sflag:$0x3], $0x80, s0, s28, $0xb8;
	[tilespmem:$0x1CC00] =	vst v63  }
0x59: {  	_ =	swait.ge [sflag:s21], $0x2800  }
0x5a: {  	[sflag:s21] =	ssyncset.done $0x0  }
0x5b: {  	[sflag:s21] =	ssyncadd.s32 $0xFFFFD800  }
0x5c: {  	s7 =	simm.s32 $0x0;
	[bflag:$0x0] =	sbarrier.arrive $0xFFFF  }
0x5d: {  	[tilespmem:s7], [sflag:$0x3] =	stream.linear.gather [hbm4b:s11+s7], $0x3E80, $0x38;
	[tilespmem:$0x1CC00] =	vst v63  }
0x5e: {  	_ =	swait.ge [sflag:s21], $0x3E80  }
0x5f: {  	[sflag:s21] =	ssyncset.done $0x0  }
0x60: {  	[sflag:s21] =	ssyncadd.s32 $0xFFFFC180  }
0x61: {  	[tilespmem:s24], [sflag:$0x3] =	stream.indirect.gather [spmem:s2], $0x80, s7, s28, $0xb8;
	[tilespmem:$0x1CC00] =	vst v63  }
0x62: {  	_ =	swait.ge [sflag:s21], $0x2800  }
0x63: {  	[sflag:s21] =	ssyncset.done $0x0  }
0x64: {  	[sflag:s21] =	ssyncadd.s32 $0xFFFFD800  }
0x65: {  	[hbm4b:s15+s22] =	stream.strided.scatter [tilespmem:s24], [sflag:$0x1], $0x2800, s23, s22, $0x38;
	[tilespmem:$0x1CC00] =	vst v63  }
0x66: {  	_ = 	snop  }
0x67: {  	[tilespmem:s25], [sflag:$0x3] =	stream.indirect.gather [spmem:s2], $0x80, s1, s28, $0xb8;
	[tilespmem:$0x1CC00] =	vst v63  }
0x68: {  	_ =	swait.ge [sflag:s21], $0x2800  }
0x69: {  	[sflag:s21] =	ssyncset.done $0x0  }
0x6a: {  	[sflag:s21] =	ssyncadd.s32 $0xFFFFD800  }
0x6b: {  	[hbm4b:s16+s22] =	stream.strided.scatter [tilespmem:s25], [sflag:$0x2], $0x2800, s23, s22, $0x38;
	[tilespmem:$0x1CC00] =	vst v63  }
0x6c: {  	_ =	swait.ge [sflag:s26], $0x2800  }
0x6d: {  	[sflag:s26] =	ssyncset.done $0x0  }
0x6e: {  	s8 =	simm.s32 $0x100;
	[sflag:s26] =	ssyncadd.s32 $0xFFFFD800  }
0x6f: {  	[tilespmem:s24], [sflag:$0x3] =	stream.indirect.gather [spmem:s2], $0x80, s8, s28, $0xb8;
	[tilespmem:$0x1CC00] =	vst v63  }
0x70: {  	_ =	swait.ge [sflag:s21], $0x2800  }
0x71: {  	[sflag:s21] =	ssyncset.done $0x0  }
0x72: {  	s9 =	sadd.s32 s6, s30;
	[sflag:s21] =	ssyncadd.s32 $0xFFFFD800  }
0x73: {  	[hbm4b:s9+s22] =	stream.strided.scatter [tilespmem:s24], [sflag:$0x1], $0x2800, s23, s22, $0x38;
	[tilespmem:$0x1CC00] =	vst v63  }
0x74: {  	_ =	swait.ge [sflag:s29], $0x2800  }
0x75: {  	[sflag:s29] =	ssyncset.done $0x0  }
0x76: {  	s31 =	simm.s32 $0x180;
	[sflag:s29] =	ssyncadd.s32 $0xFFFFD800  }
0x77: {  	[tilespmem:s25], [sflag:$0x3] =	stream.indirect.gather [spmem:s2], $0x80, s31, s28, $0xb8;
	[tilespmem:$0x1CC00] =	vst v63  }
0x78: {  	_ =	swait.ge [sflag:s21], $0x2800  }
0x79: {  	s30 =	simm.s32 $0x1400;
	s5 =	simm.s32 $0x200;
	[sflag:s21] =	ssyncset.done $0x0  }
0x7a: {  	s7 =	sadd.s32 $0xA000, s18;
	s8 =	sadd.s32 $0x0, s19;
	[sflag:s21] =	ssyncadd.s32 $0xFFFFD800  }
.LBB2_4:
0x7b: {  	[hbm4b:s8+s22] =	stream.strided.scatter [tilespmem:s25], [sflag:$0x2], $0x2800, s23, s22, $0x38;
	[tilespmem:$0x1CC00] =	vst v63  }
0x7c: {  	s8 =	smov.u32 s30  }
0x7d: {  	p0 =	sne.s32 s30, $0x4B000;
	s30 =	sadd.s32 $0x1400, s30;
	_ =	swait.ge [sflag:s26], $0x2800  }
0x7e: {  	[sflag:s26] =	ssyncset.done $0x0  }
0x7f: {  	[sflag:s26] =	ssyncadd.s32 $0xFFFFD800  }
0x80: {  	[tilespmem:s24], [sflag:$0x3] =	stream.indirect.gather [spmem:s2], $0x80, s5, s28, $0xb8;
	[tilespmem:$0x1CC00] =	vst v63  }
0x81: {  	_ =	swait.ge [sflag:s21], $0x2800  }
0x82: {  	s9 =	sshrl.u32 s7, $0x3;
	[sflag:s21] =	ssyncset.done $0x0  }
0x83: {  	s9 =	sadd.s32 s6, s9;
	[sflag:s21] =	ssyncadd.s32 $0xFFFFD800  }
0x84: {  	[hbm4b:s9+s22] =	stream.strided.scatter [tilespmem:s24], [sflag:$0x1], $0x2800, s23, s22, $0x38;
	[tilespmem:$0x1CC00] =	vst v63  }
0x85: {  	_ =	swait.ge [sflag:s29], $0x2800  }
0x86: {  	[sflag:s29] =	ssyncset.done $0x0  }
.Ltmp1:
0x87: {  	s9 =	sadd.s32 $0x80, s5;
	[sflag:s29] =	ssyncadd.s32 $0xFFFFD800;
	(pc) =	sbr.rel @p0 .LBB2_4-.Ltmp1, $4  }
0x88: {  	[tilespmem:s25], [sflag:$0x3] =	stream.indirect.gather [spmem:s2], $0x80, s9, s28, $0xb8;
	[tilespmem:$0x1CC00] =	vst v63  }
0x89: {  	_ =	swait.ge [sflag:s21], $0x2800  }
0x8a: {  	s5 =	sadd.s32 $0x100, s5;
	[sflag:s21] =	ssyncset.done $0x0  }
0x8b: {  	s7 =	sadd.s32 $0xA000, s7;
	s8 =	sadd.s32 s8, s19;
	[sflag:s21] =	ssyncadd.s32 $0xFFFFD800  }
0x8c: {  	[hbm4b:s8+s22] =	stream.strided.scatter [tilespmem:s25], [sflag:$0x2], $0x2800, s23, s22, $0x38;
	[tilespmem:$0x1CC00] =	vst v63  }
0x8d: {  	_ =	swait.ge [sflag:s26], $0x2800  }
0x8e: {  	[sflag:s26] =	ssyncset.done $0x0  }
0x8f: {  	[sflag:s26] =	ssyncadd.s32 $0xFFFFD800  }
0x90: {  	[tilespmem:s24], [sflag:$0x3] =	stream.indirect.gather [spmem:s2], $0x80, s0, s28, $0xb8;
	[tilespmem:$0x1CC00] =	vst v63  }
0x91: {  	_ =	swait.ge [sflag:s21], $0x2800  }
0x92: {  	[sflag:s21] =	ssyncset.done $0x0  }
0x93: {  	s3 =	sadd.s32 $0x1, s3;
	[sflag:s21] =	ssyncadd.s32 $0xFFFFD800  }
0x94: {  	[hbm4b:s12+s22] =	stream.strided.scatter [tilespmem:s24], [sflag:$0x1], $0x2800, s23, s22, $0x38;
	[tilespmem:$0x1CC00] =	vst v63  }
0x95: {  	p0 =	sne.s32 s3, s13;
	_ =	swait.ge [sflag:s26], $0x2800  }
.Ltmp2:
0x96: {  	[sflag:s26] =	ssyncset.done $0x0;
	(pc) =	sbr.rel @p0 .LBB2_1-.Ltmp2, $4  }
0x97: {  	[sflag:s26] =	ssyncadd.s32 $0xFFFFD800  }
0x98: {  	_ =	swait.ge [sflag:s29], $0x2800  }
0x99: {  	[sflag:s29] =	ssyncset.done $0x0  }
0x9a: {  	[sflag:s29] =	ssyncadd.s32 $0xFFFFD800  }
0x9b: {  	_ =	sfence.sel $0x180000  }
0x9c: {  	[bflag:$0x0] =	sbarrier.arrive $0xFFFF  }
0x9d: {  	_ =	strace $0x90000047  }
0x9e: {  	s0 =	stileid.u32;
	[bflag:$0x2] =	sbarrier.arrive $0xFFFF  }
0x9f: {  	p0 =	sne.s32 s0, $0x0;
	s0 =	rddreg [dreg:$0x2]  }
0xa0: {  	s0 =	sadd.s32 @!p0 $0x100000, s0  }
0xa1: {  	[sflag:s0] =	ssyncadd.tile.s32 @!p0 $0x1;
	_ =	shalt  }
.Lfunc_end2:
_tile_overlayer_lowered:
.L_overlay_start_2:
0xa2: {  	(tag) =	ssettag $0x2  }
0xa3: {  	s0 =	rddreg [dreg:$0x0];
	s2 =	stileid.u32  }
0xa4: {  	s1 =	rddreg [dreg:$0x1];
	p0 =	sne.s32 s2, $0x0  }
0xa5: {  	s3 =	rddreg [dreg:$0x2];
	[bflag:$0x3] =	sbarrier.arrive $0xFFFF;
	s2 =	simm.s32 @!p0 $0x1C03  }
0xa6: {  	[timem:s3], [sflag:s2] =	dma.local @!p0 [hbm:s0], s1  }
0xa7: {  	s0 =	simm.s32 @!p0 $0x3  }
0xa8: {  	_ =	swait.ge @!p0 [sflag:s0], s1  }
0xa9: {  	s1 =	ssub.s32 @!p0 $0x0, s1;
	[sflag:s0] =	ssyncset.done @!p0 $0x0  }
0xaa: {  	[sflag:s0] =	ssyncadd.s32 @!p0 s1  }
0xab: {  	[bflag:$0x3] =	sbarrier.arrive $0xFFFF  }
0xac: {  	_ =	shalt  }

// kernel: kernel.14.cloned.1.call-start
scs
__scs_entry_jumppad:
0x0: {  	(pc) =	sbr.rel $0x88, $3  }
0x1: {  	(tag) =	ssettag $0x0;
	lr =	simm.s32 $0x1  }
0x2: {  	[smem:$0x3F9A] =	sst lr;
	_ =	strace $0xD0000000  }
0x3: {  	_ = 	snop  }
0x4: {  	_ = 	snop  }
0x5: {  	_ = 	snop  }
0x6: {  	_ = 	snop  }
0x7: {  	_ = 	snop  }
__scs_overlays_trampoline_lowered:
0x8: {  	[smem:$0x3FA9] =	sst s0  }
0x9: {  	[smem:$0x3FAA] =	sst s1  }
0xa: {  	[smem:$0x3FAB] =	sst s2  }
0xb: {  	[smem:$0x3FAC] =	sst s3  }
0xc: {  	[smem:$0x3FAD] =	sst s4  }
0xd: {  	[smem:$0x3FAE] =	sst s5  }
0xe: {  	[smem:$0x3FAF] =	sst s6  }
0xf: {  	[smem:$0x3FB0] =	sst s7  }
0x10: {  	[smem:$0x3FB1] =	sst s8  }
0x11: {  	[smem:$0x3FB2] =	sst s9;
	s0 =	simm.s32 @!p0 $0x0  }
0x12: {  	s1 =	sld [smem:$0x3F98];
	s0 =	simm.s32 @p0 $0x1  }
0x13: {  	[smem:$0x3FB3] =	sst s0;
	s0 =	simm.s32 @!p1 $0x0  }
0x14: {  	s2 =	sld [smem:$0x3F97];
	s0 =	simm.s32 @p1 $0x1  }
0x15: {  	[smem:$0x3FB4] =	sst s0;
	s0 =	simm.s32 @!p2 $0x0  }
0x16: {  	s3 =	sld [smem:$0x3FDB];
	s0 =	simm.s32 @p2 $0x1  }
0x17: {  	s4 =	simm.s32 $0x1BF5;
	[smem:$0x3FB6] =	sst s0  }
0x18: {  	s0 =	sld [smem:$0x3F99];
	_ =	swait.ge [sflag:s4], $0x0  }
0x19: {  	s7 =	sld [smem:$0x3F9A]  }
0x1a: {  	s8 =	sadd.s32 $0xFFFFE003, lr  }
0x1b: {  	s9 =	sadd.s32 $0xFFFFFEF7, lr;
	s5 =	simm.s32 $0xFFFFFFFF;
	p2 =	slt.u32 s8, $0xFFFFF086  }
0x1c: {  	p1 =	slt.u32 s9, $0xF7A;
	s5 =	simm.s32 @!p2 $0x0  }
0x1d: {  	s5 =	simm.s32 @p1 $0x1;
	p0 =	seq.s32 s7, s2  }
0x1e: {  	s7 =	smul.u32 @!p0 $0xF7A, s2;
	p2 =	seq.s32 @!p0 s5, $0x0  }
0x1f: {  	s9 =	smul.u32 $0xF7A, s1;
	s8 =	simm.s32 @!p0 $0x1BF5;
	p2 =	por !p2, p0  }
0x20: {  	[sflag:s8] =	ssyncset.s32 @!p0 $0xFFFFF086;
	s6 =	sadd.s32 @!p0 s3, s7;
	s7 =	simm.s32 @!p0 $0x108  }
0x21: {  	s3 =	sadd.s32 s3, s9;
	s6 =	sadd.s32 @!p0 $0x88, s6;
	s7 =	simm.s32 @p2 $0x1082  }
0x22: {  	[simem:s7], [sflag:s8] =	dma.local @!p0 [hbm:s6], $0xF7A  }
0x23: {  	s9 =	sor.u32 $0xD0000000, s2;
	s6 =	simm.s32 $0x108;
	_ =	swait.ge @!p0 [sflag:s8], $0x0  }
0x24: {  	s3 =	sadd.s32 $0x88, s3;
	s6 =	simm.s32 @!p1 $0x1082;
	[sflag:s4] =	ssyncset.s32 $0xFFFFF086  }
0x25: {  	[simem:s6], [sflag:s4] =	dma.local [hbm:s3], $0xF7A  }
0x26: {  	[smem:$0x3F9A] =	sst s1;
	(tag) =	ssettag s2;
	_ =	strace s9  }
0x27: {  	s1 =	sld [smem:$0x3FAA]  }
0x28: {  	s2 =	sld [smem:$0x3FAB]  }
0x29: {  	s4 =	sld [smem:$0x3FAD]  }
0x2a: {  	p0 =	seq.s32 s5, $0x0;
	s5 =	sld [smem:$0x3FAE]  }
0x2b: {  	s6 =	sld [smem:$0x3FAF]  }
0x2c: {  	s7 =	sld [smem:$0x3FB0]  }
0x2d: {  	s3 =	simm.s32 $0x108;
	s8 =	sld [smem:$0x3FB1]  }
0x2e: {  	s3 =	simm.s32 @!p0 $0x1082;
	s9 =	sld [smem:$0x3FB2]  }
0x2f: {  	lr =	sadd.s32 s0, s3;
	s0 =	sld [smem:$0x3FA9]  }
0x30: {  	s3 =	sld [smem:$0x3FAC]  }
0x31: {  	[smem:$0x3FB5] =	sst s10  }
0x32: {  	s10 =	sld [smem:$0x3FB3];
	_ =	sdelay $0x3  }
0x33: {  	p0 =	seq.s32 s10, $0x1;
	s10 =	sld [smem:$0x3FB5];
	_ =	sdelay $0x3  }
0x34: {  	[smem:$0x3FB5] =	sst s10  }
0x35: {  	s10 =	sld [smem:$0x3FB4];
	_ =	sdelay $0x3  }
0x36: {  	p1 =	seq.s32 s10, $0x1;
	s10 =	sld [smem:$0x3FB5];
	_ =	sdelay $0x3  }
0x37: {  	[smem:$0x3FB5] =	sst s10  }
0x38: {  	s10 =	sld [smem:$0x3FB6]  }
0x39: {  	_ = 	snop;
	(pc) =	sbr.ind lr, $3  }
0x3a: {  	_ = 	snop  }
0x3b: {  	_ = 	snop  }
0x3c: {  	p2 =	seq.s32 s10, $0x1;
	s10 =	sld [smem:$0x3FB5]  }
0x3d: {  	_ =	shalt  }
0x3e: {  	_ =	shalt  }
0x3f: {  	_ =	shalt  }
0x40: {  	_ =	shalt  }
0x41: {  	_ =	shalt  }
0x42: {  	_ =	shalt  }
0x43: {  	_ =	shalt  }
0x44: {  	_ =	shalt  }
0x45: {  	_ =	shalt  }
0x46: {  	_ =	shalt  }
0x47: {  	_ =	shalt  }
0x48: {  	_ =	shalt  }
0x49: {  	_ =	shalt  }
0x4a: {  	_ =	shalt  }
0x4b: {  	_ =	shalt  }
0x4c: {  	_ =	shalt  }
0x4d: {  	_ =	shalt  }
0x4e: {  	_ =	shalt  }
0x4f: {  	_ =	shalt  }
0x50: {  	_ =	shalt  }
0x51: {  	_ =	shalt  }
0x52: {  	_ =	shalt  }
0x53: {  	_ =	shalt  }
0x54: {  	_ =	shalt  }
0x55: {  	_ =	shalt  }
0x56: {  	_ =	shalt  }
0x57: {  	_ =	shalt  }
0x58: {  	_ =	shalt  }
0x59: {  	_ =	shalt  }
0x5a: {  	_ =	shalt  }
0x5b: {  	_ =	shalt  }
0x5c: {  	_ =	shalt  }
0x5d: {  	_ =	shalt  }
0x5e: {  	_ =	shalt  }
0x5f: {  	_ =	shalt  }
0x60: {  	_ =	shalt  }
0x61: {  	_ =	shalt  }
0x62: {  	_ =	shalt  }
0x63: {  	_ =	shalt  }
0x64: {  	_ =	shalt  }
0x65: {  	_ =	shalt  }
0x66: {  	_ =	shalt  }
0x67: {  	_ =	shalt  }
0x68: {  	_ =	shalt  }
0x69: {  	_ =	shalt  }
0x6a: {  	_ =	shalt  }
0x6b: {  	_ =	shalt  }
0x6c: {  	_ =	shalt  }
0x6d: {  	_ =	shalt  }
0x6e: {  	_ =	shalt  }
0x6f: {  	_ =	shalt  }
0x70: {  	_ =	shalt  }
0x71: {  	_ =	shalt  }
0x72: {  	_ =	shalt  }
0x73: {  	_ =	shalt  }
0x74: {  	_ =	shalt  }
0x75: {  	_ =	shalt  }
0x76: {  	_ =	shalt  }
0x77: {  	_ =	shalt  }
0x78: {  	_ =	shalt  }
0x79: {  	_ =	shalt  }
0x7a: {  	_ =	shalt  }
0x7b: {  	_ =	shalt  }
0x7c: {  	_ =	shalt  }
0x7d: {  	_ =	shalt  }
0x7e: {  	_ =	shalt  }
0x7f: {  	_ =	shalt  }
0x80: {  	_ =	shalt  }
0x81: {  	_ =	shalt  }
0x82: {  	_ =	shalt  }
0x83: {  	_ =	shalt  }
0x84: {  	_ =	shalt  }
0x85: {  	_ =	shalt  }
0x86: {  	_ =	shalt  }
0x87: {  	_ =	shalt  }
.Lfunc_end0:
.L_simem_size_0:
called_computation.1_lowered:
.L_overlay_start_0:
0x88: {  	s2 =	sld [smem:$0x3FD9]  }
0x89: {  	s3 =	sld [smem:$0x3FFE];
	_ =	sdelay $0x1  }
0x8a: {  	s1 =	srdreg.scid  }
0x8b: {  	s0 =	sand.u32 $0x1, s1  }
0x8c: {  	s16 =	sshll.u32 s0, $0xA;
	s2 =	sadd.s32 s3, s2  }
0x8d: {  	s2 =	sadd.s32 s2, s16  }
0x8e: {  	[smem:$0x3FC1] =	sst s2  }
0x8f: {  	_ = 	snop  }
0x90: {  	(tm) =	ssettm $0x1  }
0x91: {  	s17 =	sld [smem:$0x3FFB];
	_ =	sdelay $0x3  }
0x92: {  	_ =	strace s17  }
0x93: {  	s2 =	sld [smem:$0x3FFC];
	_ =	sdelay $0x3  }
0x94: {  	_ =	strace s2  }
0x95: {  	s2 =	sld [smem:$0x3FFD];
	_ =	sdelay $0x3  }
0x96: {  	_ =	strace s2  }
0x97: {  	_ =	strace $0x8FFFFFFF  }
0x98: {  	s18 =	sld [smem:$0x3FDB];
	_ =	sdelay $0x1  }
0x99: {  	s19 =	simm.s32 $_scs_section_size  }
0x9a: {  	s4 =	simm.s32 $_size__tile_overlayer_lowered;
	s5 =	simm.s32 $_tile_overlayer_lowered  }
0x9b: {  	s22 =	simm.s32 $0x1BFF;
	s21 =	sshll.u32 s5, $0x1;
	s2 =	sadd.s32 s19, s18  }
0x9c: {  	s6 =	simm.s32 $0x0;
	s20 =	sshll.u32 s4, $0x1;
	s4 =	sadd.s32 s21, s2  }
0x9d: {  	[timem:s6], [sflag:s22] =	dma.local [hbm:s4], s20  }
0x9e: {  	_ =	swait.ge [sflag:s22], s20  }
0x9f: {  	s3 =	ssub.s32 $0x0, s20;
	[sflag:s22] =	ssyncset.done $0x0  }
0xa0: {  	[sflag:s22] =	ssyncadd.s32 s3;
	_ =	sdelay $0x1  }
0xa1: {  	s23 =	simm.s32 $0x1B8B  }
0xa2: {  	_ =	swait.ge [sflag:s23], $0x1  }
0xa3: {  	[sflag:s23] =	ssyncset.done $0x0  }
0xa4: {  	s25 =	simm.s32 $0x1B8E;
	s24 =	sld [smem:$0x3FFE];
	[sflag:s23] =	ssyncadd.s32 $0xFFFFFFFF  }
0xa5: {  	s26 =	simm.s32 $execute0_lowered;
	[smem:$0x3FD2] =	sst s25  }
0xa6: {  	s4 =	sshll.u32 s26, $0x1;
	_ =	strace $0x80000049;
	[dreg:$0x1] =	wrdreg $0xFFFFFFFF  }
0xa7: {  	s28 =	simm.s32 $_size_execute0_lowered;
	s2 =	sadd.s32 s2, s4;
	[dreg:$0x0] =	wrdreg $0x0  }
0xa8: {  	s4 =	sshll.u32 s28, $0x1;
	[dreg:$0x2] =	wrdreg s2  }
0xa9: {  	[dreg:$0x3] =	wrdreg s4  }
0xaa: {  	[dreg:$0x4] =	wrdreg $0xC0  }
0xab: {  	_ =	task [dreg:s6], $0x5FFFF  }
0xac: {  	[dreg:$0x1] =	wrdreg $0xFFFFFFFF  }
0xad: {  	[dreg:$0x0] =	wrdreg $0x60  }
0xae: {  	[dreg:$0x2] =	wrdreg s24  }
0xaf: {  	[dreg:$0x3] =	wrdreg $0x90000  }
0xb0: {  	[dreg:$0x4] =	wrdreg $0x9  }
0xb1: {  	_ =	task.clear_ibuf [dreg:s6], $0x5FFFF;
	_ =	strace $0x90000049  }
0xb2: {  	s29 =	simm.s32 $0x9;
	_ =	strace $0x8000004B  }
0xb3: {  	_ =	swait.ge [sflag:s29], $0x1  }
0xb4: {  	[sflag:s29] =	ssyncadd.s32 $0xFFFFFFFF  }
0xb5: {  	_ =	strace $0x9000004B  }
0xb6: {  	_ =	sfence  }
0xb7: {  	s30 =	sld [smem:$0x0];
	_ =	sdelay $0x2  }
0xb8: {  	s31 =	sshll.u32 s1, $0xD;
	s1 =	sshrl.u32 s1, $0x2  }
0xb9: {  	s3 =	sand.u32 $0x4000, s31;
	s1 =	sadd.s32 s1, s30  }
0xba: {  	s0 =	sor.u32 s3, s0;
	s1 =	sshll.u32 s1, $0x11  }
0xbb: {  	s0 =	sor.u32 s1, s0  }
0xbc: {  	s0 =	sadd.s32 $0x8F2B, s0  }
0xbd: {  	[sflag:s0] =	ssyncadd.remote.s32 $0x1  }
0xbe: {  	_ =	sfence.sel $0xFFFF  }
0xbf: {  	[dreg:$0x0] =	wrdreg $0xFFFFFFFF;
	(pc) =	sbr.abs _section_cstart, $3  }
0xc0: {  	[dreg:$0x1] =	wrdreg $0xFFFFFFFF  }
0xc1: {  	_ =	task.clear_ibuf [dreg:s6], $0x2FFFF;
	_ =	strace $0x9FFFFFFF  }
0xc2: {  	(tm) =	ssettm $0x7FFFFFFF  }
0xc3: {  	_ =	shalt  }
tec
execute0_lowered:
.L_overlay_start_1:
0x0: {  	(tag) =	ssettag $0x1  }
0x1: {  	s0 =	rddreg [dreg:$0x0]  }
0x2: {  	s2 =	rddreg [dreg:$0x1]  }
0x3: {  	s1 =	simm.s32 $0x0;
	s9 =	stileid.u32;
	s18 =	srdreg.scid  }
0x4: {  	s28 =	simm.s32 $0x50;
	s29 =	simm.s32 $0x2;
	[smem:$0x7FF] =	sst s1  }
0x5: {  	s3 =	sshll.u32 s9, $0xB;
	s4 =	sadd.s32 $0xEB7C00, s0;
	s8 =	smul.u32 $0x4F000, s9  }
0x6: {  	s1 =	sand.u32 $0x1, s18;
	s6 =	sadd.s32 $0x282C00, s0;
	s20 =	smul.u32 $0x271000, s9  }
0x7: {  	s22 =	sshll.u32 s9, $0x6;
	_ =	strace $0x8000004A;
	s3 =	sadd.s32 s3, s0  }
0x8: {  	s5 =	ssub.s32 $0x2, s1;
	[dreg:$0x3] =	wrdreg s6;
	s6 =	sadd.s32 $0x287400, s0  }
0x9: {  	s1 =	sshll.u32 s1, $0xA;
	s7 =	sshrl.u32 s5, $0x1;
	s21 =	sshrl.u32 s8, $0x2  }
0xa: {  	s8 =	sor.u32 $0x1C03, s22;
	s1 =	sor.u32 s1, s20;
	s23 =	sadd.s32 $0x1C00, s3  }
0xb: {  	s11 =	sadd.s32 $0x9C00, s3;
	s22 =	simm.s32 $0x400;
	s3 =	simm.s32 $0x0  }
0xc: {  	s19 =	ssub.s32 s5, s7;
	s7 =	sadd.s32 s21, s2;
	[dreg:$0x4] =	wrdreg s8  }
0xd: {  	[dreg:$0x5] =	wrdreg s23;
	s24 =	sshrl.u32 s1, $0x3;
	s25 =	sadd.s32 $0x5000, s1  }
0xe: {  	s12 =	sadd.s32 $0x26C000, s1;
	s31 =	sadd.s32 $0xF000, s1;
	s18 =	sadd.s32 $0xA000, s1  }
0xf: {  	s21 =	simm.s32 $0x3;
	s23 =	simm.s32 $0x800;
	s1 =	simm.s32 $0x80  }
0x10: {  	s26 =	sadd.s32 s4, s24;
	s8 =	sshrl.u32 s25, $0x3;
	s30 =	sshrl.u32 s12, $0x3  }
0x11: {  	s13 =	smax.u32 s19, $0x1;
	s15 =	sadd.s32 s6, s24;
	s0 =	sshrl.u32 s31, $0x3  }
0x12: {  	s20 =	sshrl.u32 s7, $0x3;
	s24 =	simm.s32 $0x4000;
	s25 =	simm.s32 $0x6800  }
0x13: {  	[dreg:$0x6] =	wrdreg s26;
	s10 =	sadd.s32 s4, s8;
	s12 =	sadd.s32 s6, s30  }
0x14: {  	s14 =	sadd.s32 s4, s30;
	s16 =	sadd.s32 s6, s8;
	s17 =	sadd.s32 s0, s4  }
0x15: {  	s19 =	sadd.s32 s0, s6;
	s26 =	simm.s32 $0x1;
	s0 =	simm.s32 $0x3E00  }
.LBB2_1:
0x16: {  	s5 =	rddreg [dreg:$0x3]  }
0x17: {  	s7 =	rddreg [dreg:$0x4]  }
0x18: {  	[spmem:s20], [sflag:s7] =	dma.local [hbm:s5], $0x2780  }
0x19: {  	_ =	swait.ge [sflag:s21], $0x2780  }
0x1a: {  	[sflag:s21] =	ssyncset.done $0x0  }
0x1b: {  	s8 =	simm.s32 $0x0;
	s9 =	rddreg [dreg:$0x5];
	[sflag:s21] =	ssyncadd.s32 $0xFFFFD880  }
0x1c: {  	[tilespmem:s8], [sflag:$0x3] =	stream.linear.gather [hbm4b:s9+s8], $0x3E80, $0x38;
	[tilespmem:$0x1CC00] =	vst v63  }
0x1d: {  	_ =	swait.ge [sflag:s21], $0x3E80  }
0x1e: {  	[sflag:s21] =	ssyncset.done $0x0  }
0x1f: {  	[sflag:s21] =	ssyncadd.s32 $0xFFFFC180  }
0x20: {  	[bflag:$0x0] =	sbarrier.arrive $0xFFFF  }
0x21: {  	s7 =	rddreg [dreg:$0x6]  }
0x22: {  	[tilespmem:s24], [sflag:$0x1] =	stream.strided.gather [hbm4b:s7+s22], $0x2800, s23, s22, $0x38;
	[tilespmem:$0x1CC00] =	vst v63  }
0x23: {  	_ = 	snop  }
0x24: {  	[tilespmem:s25], [sflag:$0x2] =	stream.strided.gather [hbm4b:s10+s22], $0x2800, s23, s22, $0x38;
	[tilespmem:$0x1CC00] =	vst v63  }
0x25: {  	_ =	swait.ge [sflag:s26], $0x2800  }
0x26: {  	[sflag:s26] =	ssyncset.done $0x0  }
0x27: {  	s8 =	simm.s32 $0x0;
	[sflag:s26] =	ssyncadd.s32 $0xFFFFD800  }
0x28: {  	[spmem:s2] =	stream.indirect.scatter.add.f32 [tilespmem:s24], [sflag:$0x3], $0x80, s8, s28, $0xb8;
	[tilespmem:$0x1CC00] =	vst v63  }
0x29: {  	_ =	swait.ge [sflag:s21], $0x2800  }
0x2a: {  	s30 =	sshrl.u32 s18, $0x3;
	[sflag:s21] =	ssyncset.done $0x0  }
0x2b: {  	s9 =	sadd.s32 s4, s30;
	[sflag:s21] =	ssyncadd.s32 $0xFFFFD800  }
0x2c: {  	[tilespmem:s24], [sflag:$0x1] =	stream.strided.gather [hbm4b:s9+s22], $0x2800, s23, s22, $0x38;
	[tilespmem:$0x1CC00] =	vst v63  }
0x2d: {  	_ =	swait.ge [sflag:s29], $0x2800  }
0x2e: {  	[sflag:s29] =	ssyncset.done $0x0  }
0x2f: {  	[sflag:s29] =	ssyncadd.s32 $0xFFFFD800  }
0x30: {  	[spmem:s2] =	stream.indirect.scatter.add.f32 [tilespmem:s25], [sflag:$0x3], $0x80, s1, s28, $0xb8;
	[tilespmem:$0x1CC00] =	vst v63  }
0x31: {  	_ =	swait.ge [sflag:s21], $0x2800  }
0x32: {  	s31 =	simm.s32 $0x1400;
	s5 =	sadd.s32 $0xA000, s18;
	[sflag:s21] =	ssyncset.done $0x0  }
0x33: {  	s7 =	simm.s32 $0x180;
	s8 =	sadd.s32 $0x0, s17;
	[sflag:s21] =	ssyncadd.s32 $0xFFFFD800  }
.LBB2_2:
0x34: {  	[tilespmem:s25], [sflag:$0x2] =	stream.strided.gather [hbm4b:s8+s22], $0x2800, s23, s22, $0x38;
	[tilespmem:$0x1CC00] =	vst v63  }
0x35: {  	s8 =	smov.u32 s31  }
0x36: {  	p0 =	sne.s32 s31, $0x4B000;
	s31 =	sadd.s32 $0x1400, s31;
	_ =	swait.ge [sflag:s26], $0x2800  }
0x37: {  	[sflag:s26] =	ssyncset.done $0x0  }
0x38: {  	s9 =	sadd.s32 $0xFFFFFF80, s7;
	[sflag:s26] =	ssyncadd.s32 $0xFFFFD800  }
0x39: {  	[spmem:s2] =	stream.indirect.scatter.add.f32 [tilespmem:s24], [sflag:$0x3], $0x80, s9, s28, $0xb8;
	[tilespmem:$0x1CC00] =	vst v63  }
0x3a: {  	_ =	swait.ge [sflag:s21], $0x2800  }
0x3b: {  	s9 =	sshrl.u32 s5, $0x3;
	[sflag:s21] =	ssyncset.done $0x0  }
0x3c: {  	s9 =	sadd.s32 s4, s9;
	[sflag:s21] =	ssyncadd.s32 $0xFFFFD800  }
0x3d: {  	[tilespmem:s24], [sflag:$0x1] =	stream.strided.gather [hbm4b:s9+s22], $0x2800, s23, s22, $0x38;
	[tilespmem:$0x1CC00] =	vst v63  }
0x3e: {  	_ =	swait.ge [sflag:s29], $0x2800  }
0x3f: {  	[sflag:s29] =	ssyncset.done $0x0  }
.Ltmp0:
0x40: {  	[sflag:s29] =	ssyncadd.s32 $0xFFFFD800;
	(pc) =	sbr.rel @p0 .LBB2_2-.Ltmp0, $4  }
0x41: {  	[spmem:s2] =	stream.indirect.scatter.add.f32 [tilespmem:s25], [sflag:$0x3], $0x80, s7, s28, $0xb8;
	[tilespmem:$0x1CC00] =	vst v63  }
0x42: {  	_ =	swait.ge [sflag:s21], $0x2800  }
0x43: {  	s5 =	sadd.s32 $0xA000, s5;
	[sflag:s21] =	ssyncset.done $0x0  }
0x44: {  	s8 =	sadd.s32 s8, s17;
	s7 =	sadd.s32 $0x100, s7;
	[sflag:s21] =	ssyncadd.s32 $0xFFFFD800  }
0x45: {  	[tilespmem:s25], [sflag:$0x2] =	stream.strided.gather [hbm4b:s8+s22], $0x2800, s23, s22, $0x38;
	[tilespmem:$0x1CC00] =	vst v63  }
0x46: {  	_ =	swait.ge [sflag:s26], $0x2800  }
0x47: {  	[sflag:s26] =	ssyncset.done $0x0  }
0x48: {  	s5 =	simm.s32 $0x3D00;
	[sflag:s26] =	ssyncadd.s32 $0xFFFFD800  }
0x49: {  	[spmem:s2] =	stream.indirect.scatter.add.f32 [tilespmem:s24], [sflag:$0x3], $0x80, s5, s28, $0xb8;
	[tilespmem:$0x1CC00] =	vst v63  }
0x4a: {  	_ =	swait.ge [sflag:s21], $0x2800  }
0x4b: {  	[sflag:s21] =	ssyncset.done $0x0  }
0x4c: {  	[sflag:s21] =	ssyncadd.s32 $0xFFFFD800  }
0x4d: {  	[tilespmem:s24], [sflag:$0x1] =	stream.strided.gather [hbm4b:s14+s22], $0x2800, s23, s22, $0x38;
	[tilespmem:$0x1CC00] =	vst v63  }
0x4e: {  	_ =	swait.ge [sflag:s29], $0x2800  }
0x4f: {  	[sflag:s29] =	ssyncset.done $0x0  }
0x50: {  	s31 =	simm.s32 $0x3D80;
	[sflag:s29] =	ssyncadd.s32 $0xFFFFD800  }
0x51: {  	[spmem:s2] =	stream.indirect.scatter.add.f32 [tilespmem:s25], [sflag:$0x3], $0x80, s31, s28, $0xb8;
	[tilespmem:$0x1CC00] =	vst v63  }
0x52: {  	_ =	swait.ge [sflag:s21], $0x2800  }
0x53: {  	[sflag:s21] =	ssyncset.done $0x0  }
0x54: {  	[sflag:s21] =	ssyncadd.s32 $0xFFFFD800  }
0x55: {  	_ =	swait.ge [sflag:s26], $0x2800  }
0x56: {  	[sflag:s26] =	ssyncset.done $0x0  }
0x57: {  	[sflag:s26] =	ssyncadd.s32 $0xFFFFD800  }
0x58: {  	[spmem:s2] =	stream.indirect.scatter.add.f32 [tilespmem:s24], [sflag:$0x3], $0x80, s0, s28, $0xb8;
	[tilespmem:$0x1CC00] =	vst v63  }
0x59: {  	_ =	swait.ge [sflag:s21], $0x2800  }
0x5a: {  	[sflag:s21] =	ssyncset.done $0x0  }
0x5b: {  	[sflag:s21] =	ssyncadd.s32 $0xFFFFD800  }
0x5c: {  	s7 =	simm.s32 $0x0;
	[bflag:$0x0] =	sbarrier.arrive $0xFFFF  }
0x5d: {  	[tilespmem:s7], [sflag:$0x3] =	stream.linear.gather [hbm4b:s11+s7], $0x3E80, $0x38;
	[tilespmem:$0x1CC00] =	vst v63  }
0x5e: {  	_ =	swait.ge [sflag:s21], $0x3E80  }
0x5f: {  	[sflag:s21] =	ssyncset.done $0x0  }
0x60: {  	[sflag:s21] =	ssyncadd.s32 $0xFFFFC180  }
0x61: {  	[tilespmem:s24], [sflag:$0x3] =	stream.indirect.gather [spmem:s2], $0x80, s7, s28, $0xb8;
	[tilespmem:$0x1CC00] =	vst v63  }
0x62: {  	_ =	swait.ge [sflag:s21], $0x2800  }
0x63: {  	[sflag:s21] =	ssyncset.done $0x0  }
0x64: {  	[sflag:s21] =	ssyncadd.s32 $0xFFFFD800  }
0x65: {  	[hbm4b:s15+s22] =	stream.strided.scatter [tilespmem:s24], [sflag:$0x1], $0x2800, s23, s22, $0x38;
	[tilespmem:$0x1CC00] =	vst v63  }
0x66: {  	_ = 	snop  }
0x67: {  	[tilespmem:s25], [sflag:$0x3] =	stream.indirect.gather [spmem:s2], $0x80, s1, s28, $0xb8;
	[tilespmem:$0x1CC00] =	vst v63  }
0x68: {  	_ =	swait.ge [sflag:s21], $0x2800  }
0x69: {  	[sflag:s21] =	ssyncset.done $0x0  }
0x6a: {  	[sflag:s21] =	ssyncadd.s32 $0xFFFFD800  }
0x6b: {  	[hbm4b:s16+s22] =	stream.strided.scatter [tilespmem:s25], [sflag:$0x2], $0x2800, s23, s22, $0x38;
	[tilespmem:$0x1CC00] =	vst v63  }
0x6c: {  	_ =	swait.ge [sflag:s26], $0x2800  }
0x6d: {  	[sflag:s26] =	ssyncset.done $0x0  }
0x6e: {  	s8 =	simm.s32 $0x100;
	[sflag:s26] =	ssyncadd.s32 $0xFFFFD800  }
0x6f: {  	[tilespmem:s24], [sflag:$0x3] =	stream.indirect.gather [spmem:s2], $0x80, s8, s28, $0xb8;
	[tilespmem:$0x1CC00] =	vst v63  }
0x70: {  	_ =	swait.ge [sflag:s21], $0x2800  }
0x71: {  	[sflag:s21] =	ssyncset.done $0x0  }
0x72: {  	s9 =	sadd.s32 s6, s30;
	[sflag:s21] =	ssyncadd.s32 $0xFFFFD800  }
0x73: {  	[hbm4b:s9+s22] =	stream.strided.scatter [tilespmem:s24], [sflag:$0x1], $0x2800, s23, s22, $0x38;
	[tilespmem:$0x1CC00] =	vst v63  }
0x74: {  	_ =	swait.ge [sflag:s29], $0x2800  }
0x75: {  	[sflag:s29] =	ssyncset.done $0x0  }
0x76: {  	s31 =	simm.s32 $0x180;
	[sflag:s29] =	ssyncadd.s32 $0xFFFFD800  }
0x77: {  	[tilespmem:s25], [sflag:$0x3] =	stream.indirect.gather [spmem:s2], $0x80, s31, s28, $0xb8;
	[tilespmem:$0x1CC00] =	vst v63  }
0x78: {  	_ =	swait.ge [sflag:s21], $0x2800  }
0x79: {  	s30 =	simm.s32 $0x1400;
	s5 =	simm.s32 $0x200;
	[sflag:s21] =	ssyncset.done $0x0  }
0x7a: {  	s7 =	sadd.s32 $0xA000, s18;
	s8 =	sadd.s32 $0x0, s19;
	[sflag:s21] =	ssyncadd.s32 $0xFFFFD800  }
.LBB2_4:
0x7b: {  	[hbm4b:s8+s22] =	stream.strided.scatter [tilespmem:s25], [sflag:$0x2], $0x2800, s23, s22, $0x38;
	[tilespmem:$0x1CC00] =	vst v63  }
0x7c: {  	s8 =	smov.u32 s30  }
0x7d: {  	p0 =	sne.s32 s30, $0x4B000;
	s30 =	sadd.s32 $0x1400, s30;
	_ =	swait.ge [sflag:s26], $0x2800  }
0x7e: {  	[sflag:s26] =	ssyncset.done $0x0  }
0x7f: {  	[sflag:s26] =	ssyncadd.s32 $0xFFFFD800  }
0x80: {  	[tilespmem:s24], [sflag:$0x3] =	stream.indirect.gather [spmem:s2], $0x80, s5, s28, $0xb8;
	[tilespmem:$0x1CC00] =	vst v63  }
0x81: {  	_ =	swait.ge [sflag:s21], $0x2800  }
0x82: {  	s9 =	sshrl.u32 s7, $0x3;
	[sflag:s21] =	ssyncset.done $0x0  }
0x83: {  	s9 =	sadd.s32 s6, s9;
	[sflag:s21] =	ssyncadd.s32 $0xFFFFD800  }
0x84: {  	[hbm4b:s9+s22] =	stream.strided.scatter [tilespmem:s24], [sflag:$0x1], $0x2800, s23, s22, $0x38;
	[tilespmem:$0x1CC00] =	vst v63  }
0x85: {  	_ =	swait.ge [sflag:s29], $0x2800  }
0x86: {  	[sflag:s29] =	ssyncset.done $0x0  }
.Ltmp1:
0x87: {  	s9 =	sadd.s32 $0x80, s5;
	[sflag:s29] =	ssyncadd.s32 $0xFFFFD800;
	(pc) =	sbr.rel @p0 .LBB2_4-.Ltmp1, $4  }
0x88: {  	[tilespmem:s25], [sflag:$0x3] =	stream.indirect.gather [spmem:s2], $0x80, s9, s28, $0xb8;
	[tilespmem:$0x1CC00] =	vst v63  }
0x89: {  	_ =	swait.ge [sflag:s21], $0x2800  }
0x8a: {  	s5 =	sadd.s32 $0x100, s5;
	[sflag:s21] =	ssyncset.done $0x0  }
0x8b: {  	s7 =	sadd.s32 $0xA000, s7;
	s8 =	sadd.s32 s8, s19;
	[sflag:s21] =	ssyncadd.s32 $0xFFFFD800  }
0x8c: {  	[hbm4b:s8+s22] =	stream.strided.scatter [tilespmem:s25], [sflag:$0x2], $0x2800, s23, s22, $0x38;
	[tilespmem:$0x1CC00] =	vst v63  }
0x8d: {  	_ =	swait.ge [sflag:s26], $0x2800  }
0x8e: {  	[sflag:s26] =	ssyncset.done $0x0  }
0x8f: {  	[sflag:s26] =	ssyncadd.s32 $0xFFFFD800  }
0x90: {  	[tilespmem:s24], [sflag:$0x3] =	stream.indirect.gather [spmem:s2], $0x80, s0, s28, $0xb8;
	[tilespmem:$0x1CC00] =	vst v63  }
0x91: {  	_ =	swait.ge [sflag:s21], $0x2800  }
0x92: {  	[sflag:s21] =	ssyncset.done $0x0  }
0x93: {  	s3 =	sadd.s32 $0x1, s3;
	[sflag:s21] =	ssyncadd.s32 $0xFFFFD800  }
0x94: {  	[hbm4b:s12+s22] =	stream.strided.scatter [tilespmem:s24], [sflag:$0x1], $0x2800, s23, s22, $0x38;
	[tilespmem:$0x1CC00] =	vst v63  }
0x95: {  	p0 =	sne.s32 s3, s13;
	_ =	swait.ge [sflag:s26], $0x2800  }
.Ltmp2:
0x96: {  	[sflag:s26] =	ssyncset.done $0x0;
	(pc) =	sbr.rel @p0 .LBB2_1-.Ltmp2, $4  }
0x97: {  	[sflag:s26] =	ssyncadd.s32 $0xFFFFD800  }
0x98: {  	_ =	swait.ge [sflag:s29], $0x2800  }
0x99: {  	[sflag:s29] =	ssyncset.done $0x0  }
0x9a: {  	[sflag:s29] =	ssyncadd.s32 $0xFFFFD800  }
0x9b: {  	_ =	sfence.sel $0x180000  }
0x9c: {  	[bflag:$0x0] =	sbarrier.arrive $0xFFFF  }
0x9d: {  	_ =	strace $0x9000004A  }
0x9e: {  	s0 =	stileid.u32;
	[bflag:$0x2] =	sbarrier.arrive $0xFFFF  }
0x9f: {  	p0 =	sne.s32 s0, $0x0;
	s0 =	rddreg [dreg:$0x2]  }
0xa0: {  	s0 =	sadd.s32 @!p0 $0x100000, s0  }
0xa1: {  	[sflag:s0] =	ssyncadd.tile.s32 @!p0 $0x1;
	_ =	shalt  }
.Lfunc_end2:
_tile_overlayer_lowered:
.L_overlay_start_2:
0xa2: {  	(tag) =	ssettag $0x2  }
0xa3: {  	s0 =	rddreg [dreg:$0x0];
	s2 =	stileid.u32  }
0xa4: {  	s1 =	rddreg [dreg:$0x1];
	p0 =	sne.s32 s2, $0x0  }
0xa5: {  	s3 =	rddreg [dreg:$0x2];
	[bflag:$0x3] =	sbarrier.arrive $0xFFFF;
	s2 =	simm.s32 @!p0 $0x1C03  }
0xa6: {  	[timem:s3], [sflag:s2] =	dma.local @!p0 [hbm:s0], s1  }
0xa7: {  	s0 =	simm.s32 @!p0 $0x3  }
0xa8: {  	_ =	swait.ge @!p0 [sflag:s0], s1  }
0xa9: {  	s1 =	ssub.s32 @!p0 $0x0, s1;
	[sflag:s0] =	ssyncset.done @!p0 $0x0  }
0xaa: {  	[sflag:s0] =	ssyncadd.s32 @!p0 s1  }
0xab: {  	[bflag:$0x3] =	sbarrier.arrive $0xFFFF  }
0xac: {  	_ =	shalt  }

// kernel: kernel.17.cloned.1.call-start
scs
__scs_entry_jumppad:
0x0: {  	(pc) =	sbr.rel $0x88, $3  }
0x1: {  	(tag) =	ssettag $0x0;
	lr =	simm.s32 $0x1  }
0x2: {  	[smem:$0x3F9A] =	sst lr;
	_ =	strace $0xD0000000  }
0x3: {  	_ = 	snop  }
0x4: {  	_ = 	snop  }
0x5: {  	_ = 	snop  }
0x6: {  	_ = 	snop  }
0x7: {  	_ = 	snop  }
__scs_overlays_trampoline_lowered:
0x8: {  	[smem:$0x3FA9] =	sst s0  }
0x9: {  	[smem:$0x3FAA] =	sst s1  }
0xa: {  	[smem:$0x3FAB] =	sst s2  }
0xb: {  	[smem:$0x3FAC] =	sst s3  }
0xc: {  	[smem:$0x3FAD] =	sst s4  }
0xd: {  	[smem:$0x3FAE] =	sst s5  }
0xe: {  	[smem:$0x3FAF] =	sst s6  }
0xf: {  	[smem:$0x3FB0] =	sst s7  }
0x10: {  	[smem:$0x3FB1] =	sst s8  }
0x11: {  	[smem:$0x3FB2] =	sst s9;
	s0 =	simm.s32 @!p0 $0x0  }
0x12: {  	s1 =	sld [smem:$0x3F98];
	s0 =	simm.s32 @p0 $0x1  }
0x13: {  	[smem:$0x3FB3] =	sst s0;
	s0 =	simm.s32 @!p1 $0x0  }
0x14: {  	s2 =	sld [smem:$0x3F97];
	s0 =	simm.s32 @p1 $0x1  }
0x15: {  	[smem:$0x3FB4] =	sst s0;
	s0 =	simm.s32 @!p2 $0x0  }
0x16: {  	s3 =	sld [smem:$0x3FDB];
	s0 =	simm.s32 @p2 $0x1  }
0x17: {  	s4 =	simm.s32 $0x1BF5;
	[smem:$0x3FB6] =	sst s0  }
0x18: {  	s0 =	sld [smem:$0x3F99];
	_ =	swait.ge [sflag:s4], $0x0  }
0x19: {  	s7 =	sld [smem:$0x3F9A]  }
0x1a: {  	s8 =	sadd.s32 $0xFFFFE003, lr  }
0x1b: {  	s9 =	sadd.s32 $0xFFFFFEF7, lr;
	s5 =	simm.s32 $0xFFFFFFFF;
	p2 =	slt.u32 s8, $0xFFFFF086  }
0x1c: {  	p1 =	slt.u32 s9, $0xF7A;
	s5 =	simm.s32 @!p2 $0x0  }
0x1d: {  	s5 =	simm.s32 @p1 $0x1;
	p0 =	seq.s32 s7, s2  }
0x1e: {  	s7 =	smul.u32 @!p0 $0xF7A, s2;
	p2 =	seq.s32 @!p0 s5, $0x0  }
0x1f: {  	s9 =	smul.u32 $0xF7A, s1;
	s8 =	simm.s32 @!p0 $0x1BF5;
	p2 =	por !p2, p0  }
0x20: {  	[sflag:s8] =	ssyncset.s32 @!p0 $0xFFFFF086;
	s6 =	sadd.s32 @!p0 s3, s7;
	s7 =	simm.s32 @!p0 $0x108  }
0x21: {  	s3 =	sadd.s32 s3, s9;
	s6 =	sadd.s32 @!p0 $0x88, s6;
	s7 =	simm.s32 @p2 $0x1082  }
0x22: {  	[simem:s7], [sflag:s8] =	dma.local @!p0 [hbm:s6], $0xF7A  }
0x23: {  	s9 =	sor.u32 $0xD0000000, s2;
	s6 =	simm.s32 $0x108;
	_ =	swait.ge @!p0 [sflag:s8], $0x0  }
0x24: {  	s3 =	sadd.s32 $0x88, s3;
	s6 =	simm.s32 @!p1 $0x1082;
	[sflag:s4] =	ssyncset.s32 $0xFFFFF086  }
0x25: {  	[simem:s6], [sflag:s4] =	dma.local [hbm:s3], $0xF7A  }
0x26: {  	[smem:$0x3F9A] =	sst s1;
	(tag) =	ssettag s2;
	_ =	strace s9  }
0x27: {  	s1 =	sld [smem:$0x3FAA]  }
0x28: {  	s2 =	sld [smem:$0x3FAB]  }
0x29: {  	s4 =	sld [smem:$0x3FAD]  }
0x2a: {  	p0 =	seq.s32 s5, $0x0;
	s5 =	sld [smem:$0x3FAE]  }
0x2b: {  	s6 =	sld [smem:$0x3FAF]  }
0x2c: {  	s7 =	sld [smem:$0x3FB0]  }
0x2d: {  	s3 =	simm.s32 $0x108;
	s8 =	sld [smem:$0x3FB1]  }
0x2e: {  	s3 =	simm.s32 @!p0 $0x1082;
	s9 =	sld [smem:$0x3FB2]  }
0x2f: {  	lr =	sadd.s32 s0, s3;
	s0 =	sld [smem:$0x3FA9]  }
0x30: {  	s3 =	sld [smem:$0x3FAC]  }
0x31: {  	[smem:$0x3FB5] =	sst s10  }
0x32: {  	s10 =	sld [smem:$0x3FB3];
	_ =	sdelay $0x3  }
0x33: {  	p0 =	seq.s32 s10, $0x1;
	s10 =	sld [smem:$0x3FB5];
	_ =	sdelay $0x3  }
0x34: {  	[smem:$0x3FB5] =	sst s10  }
0x35: {  	s10 =	sld [smem:$0x3FB4];
	_ =	sdelay $0x3  }
0x36: {  	p1 =	seq.s32 s10, $0x1;
	s10 =	sld [smem:$0x3FB5];
	_ =	sdelay $0x3  }
0x37: {  	[smem:$0x3FB5] =	sst s10  }
0x38: {  	s10 =	sld [smem:$0x3FB6]  }
0x39: {  	_ = 	snop;
	(pc) =	sbr.ind lr, $3  }
0x3a: {  	_ = 	snop  }
0x3b: {  	_ = 	snop  }
0x3c: {  	p2 =	seq.s32 s10, $0x1;
	s10 =	sld [smem:$0x3FB5]  }
0x3d: {  	_ =	shalt  }
0x3e: {  	_ =	shalt  }
0x3f: {  	_ =	shalt  }
0x40: {  	_ =	shalt  }
0x41: {  	_ =	shalt  }
0x42: {  	_ =	shalt  }
0x43: {  	_ =	shalt  }
0x44: {  	_ =	shalt  }
0x45: {  	_ =	shalt  }
0x46: {  	_ =	shalt  }
0x47: {  	_ =	shalt  }
0x48: {  	_ =	shalt  }
0x49: {  	_ =	shalt  }
0x4a: {  	_ =	shalt  }
0x4b: {  	_ =	shalt  }
0x4c: {  	_ =	shalt  }
0x4d: {  	_ =	shalt  }
0x4e: {  	_ =	shalt  }
0x4f: {  	_ =	shalt  }
0x50: {  	_ =	shalt  }
0x51: {  	_ =	shalt  }
0x52: {  	_ =	shalt  }
0x53: {  	_ =	shalt  }
0x54: {  	_ =	shalt  }
0x55: {  	_ =	shalt  }
0x56: {  	_ =	shalt  }
0x57: {  	_ =	shalt  }
0x58: {  	_ =	shalt  }
0x59: {  	_ =	shalt  }
0x5a: {  	_ =	shalt  }
0x5b: {  	_ =	shalt  }
0x5c: {  	_ =	shalt  }
0x5d: {  	_ =	shalt  }
0x5e: {  	_ =	shalt  }
0x5f: {  	_ =	shalt  }
0x60: {  	_ =	shalt  }
0x61: {  	_ =	shalt  }
0x62: {  	_ =	shalt  }
0x63: {  	_ =	shalt  }
0x64: {  	_ =	shalt  }
0x65: {  	_ =	shalt  }
0x66: {  	_ =	shalt  }
0x67: {  	_ =	shalt  }
0x68: {  	_ =	shalt  }
0x69: {  	_ =	shalt  }
0x6a: {  	_ =	shalt  }
0x6b: {  	_ =	shalt  }
0x6c: {  	_ =	shalt  }
0x6d: {  	_ =	shalt  }
0x6e: {  	_ =	shalt  }
0x6f: {  	_ =	shalt  }
0x70: {  	_ =	shalt  }
0x71: {  	_ =	shalt  }
0x72: {  	_ =	shalt  }
0x73: {  	_ =	shalt  }
0x74: {  	_ =	shalt  }
0x75: {  	_ =	shalt  }
0x76: {  	_ =	shalt  }
0x77: {  	_ =	shalt  }
0x78: {  	_ =	shalt  }
0x79: {  	_ =	shalt  }
0x7a: {  	_ =	shalt  }
0x7b: {  	_ =	shalt  }
0x7c: {  	_ =	shalt  }
0x7d: {  	_ =	shalt  }
0x7e: {  	_ =	shalt  }
0x7f: {  	_ =	shalt  }
0x80: {  	_ =	shalt  }
0x81: {  	_ =	shalt  }
0x82: {  	_ =	shalt  }
0x83: {  	_ =	shalt  }
0x84: {  	_ =	shalt  }
0x85: {  	_ =	shalt  }
0x86: {  	_ =	shalt  }
0x87: {  	_ =	shalt  }
.Lfunc_end0:
.L_simem_size_0:
called_computation.2_lowered:
.L_overlay_start_0:
0x88: {  	s2 =	sld [smem:$0x3FD9]  }
0x89: {  	s3 =	sld [smem:$0x3FFE];
	_ =	sdelay $0x1  }
0x8a: {  	s1 =	srdreg.scid  }
0x8b: {  	s0 =	sand.u32 $0x1, s1  }
0x8c: {  	s16 =	sshll.u32 s0, $0xA;
	s2 =	sadd.s32 s3, s2  }
0x8d: {  	s2 =	sadd.s32 s2, s16  }
0x8e: {  	[smem:$0x3FC1] =	sst s2  }
0x8f: {  	_ = 	snop  }
0x90: {  	(tm) =	ssettm $0x1  }
0x91: {  	s17 =	sld [smem:$0x3FFB];
	_ =	sdelay $0x3  }
0x92: {  	_ =	strace s17  }
0x93: {  	s2 =	sld [smem:$0x3FFC];
	_ =	sdelay $0x3  }
0x94: {  	_ =	strace s2  }
0x95: {  	s2 =	sld [smem:$0x3FFD];
	_ =	sdelay $0x3  }
0x96: {  	_ =	strace s2  }
0x97: {  	_ =	strace $0x8FFFFFFF  }
0x98: {  	s18 =	sld [smem:$0x3FDB];
	_ =	sdelay $0x1  }
0x99: {  	s19 =	simm.s32 $_scs_section_size  }
0x9a: {  	s4 =	simm.s32 $_size__tile_overlayer_lowered;
	s5 =	simm.s32 $_tile_overlayer_lowered  }
0x9b: {  	s22 =	simm.s32 $0x1BFF;
	s21 =	sshll.u32 s5, $0x1;
	s2 =	sadd.s32 s19, s18  }
0x9c: {  	s6 =	simm.s32 $0x0;
	s20 =	sshll.u32 s4, $0x1;
	s4 =	sadd.s32 s21, s2  }
0x9d: {  	[timem:s6], [sflag:s22] =	dma.local [hbm:s4], s20  }
0x9e: {  	_ =	swait.ge [sflag:s22], s20  }
0x9f: {  	s3 =	ssub.s32 $0x0, s20;
	[sflag:s22] =	ssyncset.done $0x0  }
0xa0: {  	[sflag:s22] =	ssyncadd.s32 s3;
	_ =	sdelay $0x1  }
0xa1: {  	s23 =	simm.s32 $0x1B8B  }
0xa2: {  	_ =	swait.ge [sflag:s23], $0x1  }
0xa3: {  	[sflag:s23] =	ssyncset.done $0x0  }
0xa4: {  	s25 =	simm.s32 $0x1B8E;
	s24 =	sld [smem:$0x3FFE];
	[sflag:s23] =	ssyncadd.s32 $0xFFFFFFFF  }
0xa5: {  	s26 =	simm.s32 $execute0_lowered;
	[smem:$0x3FD2] =	sst s25  }
0xa6: {  	s4 =	sshll.u32 s26, $0x1;
	_ =	strace $0x8000004C;
	[dreg:$0x1] =	wrdreg $0xFFFFFFFF  }
0xa7: {  	s28 =	simm.s32 $_size_execute0_lowered;
	s2 =	sadd.s32 s2, s4;
	[dreg:$0x0] =	wrdreg $0x0  }
0xa8: {  	s4 =	sshll.u32 s28, $0x1;
	[dreg:$0x2] =	wrdreg s2  }
0xa9: {  	[dreg:$0x3] =	wrdreg s4  }
0xaa: {  	[dreg:$0x4] =	wrdreg $0xC0  }
0xab: {  	_ =	task [dreg:s6], $0x5FFFF  }
0xac: {  	[dreg:$0x1] =	wrdreg $0xFFFFFFFF  }
0xad: {  	[dreg:$0x0] =	wrdreg $0x60  }
0xae: {  	[dreg:$0x2] =	wrdreg s24  }
0xaf: {  	[dreg:$0x3] =	wrdreg $0x90000  }
0xb0: {  	[dreg:$0x4] =	wrdreg $0x9  }
0xb1: {  	_ =	task.clear_ibuf [dreg:s6], $0x5FFFF;
	_ =	strace $0x9000004C  }
0xb2: {  	s29 =	simm.s32 $0x9;
	_ =	strace $0x8000004E  }
0xb3: {  	_ =	swait.ge [sflag:s29], $0x1  }
0xb4: {  	[sflag:s29] =	ssyncadd.s32 $0xFFFFFFFF  }
0xb5: {  	_ =	strace $0x9000004E  }
0xb6: {  	_ =	sfence  }
0xb7: {  	s30 =	sld [smem:$0x0];
	_ =	sdelay $0x2  }
0xb8: {  	s31 =	sshll.u32 s1, $0xD;
	s1 =	sshrl.u32 s1, $0x2  }
0xb9: {  	s3 =	sand.u32 $0x4000, s31;
	s1 =	sadd.s32 s1, s30  }
0xba: {  	s0 =	sor.u32 s3, s0;
	s1 =	sshll.u32 s1, $0x11  }
0xbb: {  	s0 =	sor.u32 s1, s0  }
0xbc: {  	s0 =	sadd.s32 $0x8F2B, s0  }
0xbd: {  	[sflag:s0] =	ssyncadd.remote.s32 $0x1  }
0xbe: {  	_ =	sfence.sel $0xFFFF  }
0xbf: {  	[dreg:$0x0] =	wrdreg $0xFFFFFFFF;
	(pc) =	sbr.abs _section_cstart, $3  }
0xc0: {  	[dreg:$0x1] =	wrdreg $0xFFFFFFFF  }
0xc1: {  	_ =	task.clear_ibuf [dreg:s6], $0x2FFFF;
	_ =	strace $0x9FFFFFFF  }
0xc2: {  	(tm) =	ssettm $0x7FFFFFFF  }
0xc3: {  	_ =	shalt  }
tec
execute0_lowered:
.L_overlay_start_1:
0x0: {  	(tag) =	ssettag $0x1  }
0x1: {  	s0 =	rddreg [dreg:$0x0]  }
0x2: {  	s2 =	rddreg [dreg:$0x1]  }
0x3: {  	s1 =	simm.s32 $0x0;
	s9 =	stileid.u32;
	s18 =	srdreg.scid  }
0x4: {  	s28 =	simm.s32 $0x50;
	s29 =	simm.s32 $0x2;
	[smem:$0x7FF] =	sst s1  }
0x5: {  	s3 =	sshll.u32 s9, $0xB;
	s4 =	sadd.s32 $0x769400, s0;
	s8 =	smul.u32 $0x4F000, s9  }
0x6: {  	s1 =	sand.u32 $0x1, s18;
	s6 =	sadd.s32 $0x282C00, s0;
	s20 =	smul.u32 $0x271000, s9  }
0x7: {  	s22 =	sshll.u32 s9, $0x6;
	_ =	strace $0x8000004D;
	s3 =	sadd.s32 s3, s0  }
0x8: {  	s5 =	ssub.s32 $0x2, s1;
	[dreg:$0x3] =	wrdreg s6;
	s6 =	sadd.s32 $0x287400, s0  }
0x9: {  	s1 =	sshll.u32 s1, $0xA;
	s7 =	sshrl.u32 s5, $0x1;
	s21 =	sshrl.u32 s8, $0x2  }
0xa: {  	s8 =	sor.u32 $0x1C03, s22;
	s1 =	sor.u32 s1, s20;
	s23 =	sadd.s32 $0x1C00, s3  }
0xb: {  	s11 =	sadd.s32 $0x9C00, s3;
	s22 =	simm.s32 $0x400;
	s3 =	simm.s32 $0x0  }
0xc: {  	s19 =	ssub.s32 s5, s7;
	s7 =	sadd.s32 s21, s2;
	[dreg:$0x4] =	wrdreg s8  }
0xd: {  	[dreg:$0x5] =	wrdreg s23;
	s24 =	sshrl.u32 s1, $0x3;
	s25 =	sadd.s32 $0x5000, s1  }
0xe: {  	s12 =	sadd.s32 $0x26C000, s1;
	s31 =	sadd.s32 $0xF000, s1;
	s18 =	sadd.s32 $0xA000, s1  }
0xf: {  	s21 =	simm.s32 $0x3;
	s23 =	simm.s32 $0x800;
	s1 =	simm.s32 $0x80  }
0x10: {  	s26 =	sadd.s32 s4, s24;
	s8 =	sshrl.u32 s25, $0x3;
	s30 =	sshrl.u32 s12, $0x3  }
0x11: {  	s13 =	smax.u32 s19, $0x1;
	s15 =	sadd.s32 s6, s24;
	s0 =	sshrl.u32 s31, $0x3  }
0x12: {  	s20 =	sshrl.u32 s7, $0x3;
	s24 =	simm.s32 $0x4000;
	s25 =	simm.s32 $0x6800  }
0x13: {  	[dreg:$0x6] =	wrdreg s26;
	s10 =	sadd.s32 s4, s8;
	s12 =	sadd.s32 s6, s30  }
0x14: {  	s14 =	sadd.s32 s4, s30;
	s16 =	sadd.s32 s6, s8;
	s17 =	sadd.s32 s0, s4  }
0x15: {  	s19 =	sadd.s32 s0, s6;
	s26 =	simm.s32 $0x1;
	s0 =	simm.s32 $0x3E00  }
.LBB2_1:
0x16: {  	s5 =	rddreg [dreg:$0x3]  }
0x17: {  	s7 =	rddreg [dreg:$0x4]  }
0x18: {  	[spmem:s20], [sflag:s7] =	dma.local [hbm:s5], $0x2780  }
0x19: {  	_ =	swait.ge [sflag:s21], $0x2780  }
0x1a: {  	[sflag:s21] =	ssyncset.done $0x0  }
0x1b: {  	s8 =	simm.s32 $0x0;
	s9 =	rddreg [dreg:$0x5];
	[sflag:s21] =	ssyncadd.s32 $0xFFFFD880  }
0x1c: {  	[tilespmem:s8], [sflag:$0x3] =	stream.linear.gather [hbm4b:s9+s8], $0x3E80, $0x38;
	[tilespmem:$0x1CC00] =	vst v63  }
0x1d: {  	_ =	swait.ge [sflag:s21], $0x3E80  }
0x1e: {  	[sflag:s21] =	ssyncset.done $0x0  }
0x1f: {  	[sflag:s21] =	ssyncadd.s32 $0xFFFFC180  }
0x20: {  	[bflag:$0x0] =	sbarrier.arrive $0xFFFF  }
0x21: {  	s7 =	rddreg [dreg:$0x6]  }
0x22: {  	[tilespmem:s24], [sflag:$0x1] =	stream.strided.gather [hbm4b:s7+s22], $0x2800, s23, s22, $0x38;
	[tilespmem:$0x1CC00] =	vst v63  }
0x23: {  	_ = 	snop  }
0x24: {  	[tilespmem:s25], [sflag:$0x2] =	stream.strided.gather [hbm4b:s10+s22], $0x2800, s23, s22, $0x38;
	[tilespmem:$0x1CC00] =	vst v63  }
0x25: {  	_ =	swait.ge [sflag:s26], $0x2800  }
0x26: {  	[sflag:s26] =	ssyncset.done $0x0  }
0x27: {  	s8 =	simm.s32 $0x0;
	[sflag:s26] =	ssyncadd.s32 $0xFFFFD800  }
0x28: {  	[spmem:s2] =	stream.indirect.scatter.add.f32 [tilespmem:s24], [sflag:$0x3], $0x80, s8, s28, $0xb8;
	[tilespmem:$0x1CC00] =	vst v63  }
0x29: {  	_ =	swait.ge [sflag:s21], $0x2800  }
0x2a: {  	s30 =	sshrl.u32 s18, $0x3;
	[sflag:s21] =	ssyncset.done $0x0  }
0x2b: {  	s9 =	sadd.s32 s4, s30;
	[sflag:s21] =	ssyncadd.s32 $0xFFFFD800  }
0x2c: {  	[tilespmem:s24], [sflag:$0x1] =	stream.strided.gather [hbm4b:s9+s22], $0x2800, s23, s22, $0x38;
	[tilespmem:$0x1CC00] =	vst v63  }
0x2d: {  	_ =	swait.ge [sflag:s29], $0x2800  }
0x2e: {  	[sflag:s29] =	ssyncset.done $0x0  }
0x2f: {  	[sflag:s29] =	ssyncadd.s32 $0xFFFFD800  }
0x30: {  	[spmem:s2] =	stream.indirect.scatter.add.f32 [tilespmem:s25], [sflag:$0x3], $0x80, s1, s28, $0xb8;
	[tilespmem:$0x1CC00] =	vst v63  }
0x31: {  	_ =	swait.ge [sflag:s21], $0x2800  }
0x32: {  	s31 =	simm.s32 $0x1400;
	s5 =	sadd.s32 $0xA000, s18;
	[sflag:s21] =	ssyncset.done $0x0  }
0x33: {  	s7 =	simm.s32 $0x180;
	s8 =	sadd.s32 $0x0, s17;
	[sflag:s21] =	ssyncadd.s32 $0xFFFFD800  }
.LBB2_2:
0x34: {  	[tilespmem:s25], [sflag:$0x2] =	stream.strided.gather [hbm4b:s8+s22], $0x2800, s23, s22, $0x38;
	[tilespmem:$0x1CC00] =	vst v63  }
0x35: {  	s8 =	smov.u32 s31  }
0x36: {  	p0 =	sne.s32 s31, $0x4B000;
	s31 =	sadd.s32 $0x1400, s31;
	_ =	swait.ge [sflag:s26], $0x2800  }
0x37: {  	[sflag:s26] =	ssyncset.done $0x0  }
0x38: {  	s9 =	sadd.s32 $0xFFFFFF80, s7;
	[sflag:s26] =	ssyncadd.s32 $0xFFFFD800  }
0x39: {  	[spmem:s2] =	stream.indirect.scatter.add.f32 [tilespmem:s24], [sflag:$0x3], $0x80, s9, s28, $0xb8;
	[tilespmem:$0x1CC00] =	vst v63  }
0x3a: {  	_ =	swait.ge [sflag:s21], $0x2800  }
0x3b: {  	s9 =	sshrl.u32 s5, $0x3;
	[sflag:s21] =	ssyncset.done $0x0  }
0x3c: {  	s9 =	sadd.s32 s4, s9;
	[sflag:s21] =	ssyncadd.s32 $0xFFFFD800  }
0x3d: {  	[tilespmem:s24], [sflag:$0x1] =	stream.strided.gather [hbm4b:s9+s22], $0x2800, s23, s22, $0x38;
	[tilespmem:$0x1CC00] =	vst v63  }
0x3e: {  	_ =	swait.ge [sflag:s29], $0x2800  }
0x3f: {  	[sflag:s29] =	ssyncset.done $0x0  }
.Ltmp0:
0x40: {  	[sflag:s29] =	ssyncadd.s32 $0xFFFFD800;
	(pc) =	sbr.rel @p0 .LBB2_2-.Ltmp0, $4  }
0x41: {  	[spmem:s2] =	stream.indirect.scatter.add.f32 [tilespmem:s25], [sflag:$0x3], $0x80, s7, s28, $0xb8;
	[tilespmem:$0x1CC00] =	vst v63  }
0x42: {  	_ =	swait.ge [sflag:s21], $0x2800  }
0x43: {  	s5 =	sadd.s32 $0xA000, s5;
	[sflag:s21] =	ssyncset.done $0x0  }
0x44: {  	s8 =	sadd.s32 s8, s17;
	s7 =	sadd.s32 $0x100, s7;
	[sflag:s21] =	ssyncadd.s32 $0xFFFFD800  }
0x45: {  	[tilespmem:s25], [sflag:$0x2] =	stream.strided.gather [hbm4b:s8+s22], $0x2800, s23, s22, $0x38;
	[tilespmem:$0x1CC00] =	vst v63  }
0x46: {  	_ =	swait.ge [sflag:s26], $0x2800  }
0x47: {  	[sflag:s26] =	ssyncset.done $0x0  }
0x48: {  	s5 =	simm.s32 $0x3D00;
	[sflag:s26] =	ssyncadd.s32 $0xFFFFD800  }
0x49: {  	[spmem:s2] =	stream.indirect.scatter.add.f32 [tilespmem:s24], [sflag:$0x3], $0x80, s5, s28, $0xb8;
	[tilespmem:$0x1CC00] =	vst v63  }
0x4a: {  	_ =	swait.ge [sflag:s21], $0x2800  }
0x4b: {  	[sflag:s21] =	ssyncset.done $0x0  }
0x4c: {  	[sflag:s21] =	ssyncadd.s32 $0xFFFFD800  }
0x4d: {  	[tilespmem:s24], [sflag:$0x1] =	stream.strided.gather [hbm4b:s14+s22], $0x2800, s23, s22, $0x38;
	[tilespmem:$0x1CC00] =	vst v63  }
0x4e: {  	_ =	swait.ge [sflag:s29], $0x2800  }
0x4f: {  	[sflag:s29] =	ssyncset.done $0x0  }
0x50: {  	s31 =	simm.s32 $0x3D80;
	[sflag:s29] =	ssyncadd.s32 $0xFFFFD800  }
0x51: {  	[spmem:s2] =	stream.indirect.scatter.add.f32 [tilespmem:s25], [sflag:$0x3], $0x80, s31, s28, $0xb8;
	[tilespmem:$0x1CC00] =	vst v63  }
0x52: {  	_ =	swait.ge [sflag:s21], $0x2800  }
0x53: {  	[sflag:s21] =	ssyncset.done $0x0  }
0x54: {  	[sflag:s21] =	ssyncadd.s32 $0xFFFFD800  }
0x55: {  	_ =	swait.ge [sflag:s26], $0x2800  }
0x56: {  	[sflag:s26] =	ssyncset.done $0x0  }
0x57: {  	[sflag:s26] =	ssyncadd.s32 $0xFFFFD800  }
0x58: {  	[spmem:s2] =	stream.indirect.scatter.add.f32 [tilespmem:s24], [sflag:$0x3], $0x80, s0, s28, $0xb8;
	[tilespmem:$0x1CC00] =	vst v63  }
0x59: {  	_ =	swait.ge [sflag:s21], $0x2800  }
0x5a: {  	[sflag:s21] =	ssyncset.done $0x0  }
0x5b: {  	[sflag:s21] =	ssyncadd.s32 $0xFFFFD800  }
0x5c: {  	s7 =	simm.s32 $0x0;
	[bflag:$0x0] =	sbarrier.arrive $0xFFFF  }
0x5d: {  	[tilespmem:s7], [sflag:$0x3] =	stream.linear.gather [hbm4b:s11+s7], $0x3E80, $0x38;
	[tilespmem:$0x1CC00] =	vst v63  }
0x5e: {  	_ =	swait.ge [sflag:s21], $0x3E80  }
0x5f: {  	[sflag:s21] =	ssyncset.done $0x0  }
0x60: {  	[sflag:s21] =	ssyncadd.s32 $0xFFFFC180  }
0x61: {  	[tilespmem:s24], [sflag:$0x3] =	stream.indirect.gather [spmem:s2], $0x80, s7, s28, $0xb8;
	[tilespmem:$0x1CC00] =	vst v63  }
0x62: {  	_ =	swait.ge [sflag:s21], $0x2800  }
0x63: {  	[sflag:s21] =	ssyncset.done $0x0  }
0x64: {  	[sflag:s21] =	ssyncadd.s32 $0xFFFFD800  }
0x65: {  	[hbm4b:s15+s22] =	stream.strided.scatter [tilespmem:s24], [sflag:$0x1], $0x2800, s23, s22, $0x38;
	[tilespmem:$0x1CC00] =	vst v63  }
0x66: {  	_ = 	snop  }
0x67: {  	[tilespmem:s25], [sflag:$0x3] =	stream.indirect.gather [spmem:s2], $0x80, s1, s28, $0xb8;
	[tilespmem:$0x1CC00] =	vst v63  }
0x68: {  	_ =	swait.ge [sflag:s21], $0x2800  }
0x69: {  	[sflag:s21] =	ssyncset.done $0x0  }
0x6a: {  	[sflag:s21] =	ssyncadd.s32 $0xFFFFD800  }
0x6b: {  	[hbm4b:s16+s22] =	stream.strided.scatter [tilespmem:s25], [sflag:$0x2], $0x2800, s23, s22, $0x38;
	[tilespmem:$0x1CC00] =	vst v63  }
0x6c: {  	_ =	swait.ge [sflag:s26], $0x2800  }
0x6d: {  	[sflag:s26] =	ssyncset.done $0x0  }
0x6e: {  	s8 =	simm.s32 $0x100;
	[sflag:s26] =	ssyncadd.s32 $0xFFFFD800  }
0x6f: {  	[tilespmem:s24], [sflag:$0x3] =	stream.indirect.gather [spmem:s2], $0x80, s8, s28, $0xb8;
	[tilespmem:$0x1CC00] =	vst v63  }
0x70: {  	_ =	swait.ge [sflag:s21], $0x2800  }
0x71: {  	[sflag:s21] =	ssyncset.done $0x0  }
0x72: {  	s9 =	sadd.s32 s6, s30;
	[sflag:s21] =	ssyncadd.s32 $0xFFFFD800  }
0x73: {  	[hbm4b:s9+s22] =	stream.strided.scatter [tilespmem:s24], [sflag:$0x1], $0x2800, s23, s22, $0x38;
	[tilespmem:$0x1CC00] =	vst v63  }
0x74: {  	_ =	swait.ge [sflag:s29], $0x2800  }
0x75: {  	[sflag:s29] =	ssyncset.done $0x0  }
0x76: {  	s31 =	simm.s32 $0x180;
	[sflag:s29] =	ssyncadd.s32 $0xFFFFD800  }
0x77: {  	[tilespmem:s25], [sflag:$0x3] =	stream.indirect.gather [spmem:s2], $0x80, s31, s28, $0xb8;
	[tilespmem:$0x1CC00] =	vst v63  }
0x78: {  	_ =	swait.ge [sflag:s21], $0x2800  }
0x79: {  	s30 =	simm.s32 $0x1400;
	s5 =	simm.s32 $0x200;
	[sflag:s21] =	ssyncset.done $0x0  }
0x7a: {  	s7 =	sadd.s32 $0xA000, s18;
	s8 =	sadd.s32 $0x0, s19;
	[sflag:s21] =	ssyncadd.s32 $0xFFFFD800  }
.LBB2_4:
0x7b: {  	[hbm4b:s8+s22] =	stream.strided.scatter [tilespmem:s25], [sflag:$0x2], $0x2800, s23, s22, $0x38;
	[tilespmem:$0x1CC00] =	vst v63  }
0x7c: {  	s8 =	smov.u32 s30  }
0x7d: {  	p0 =	sne.s32 s30, $0x4B000;
	s30 =	sadd.s32 $0x1400, s30;
	_ =	swait.ge [sflag:s26], $0x2800  }
0x7e: {  	[sflag:s26] =	ssyncset.done $0x0  }
0x7f: {  	[sflag:s26] =	ssyncadd.s32 $0xFFFFD800  }
0x80: {  	[tilespmem:s24], [sflag:$0x3] =	stream.indirect.gather [spmem:s2], $0x80, s5, s28, $0xb8;
	[tilespmem:$0x1CC00] =	vst v63  }
0x81: {  	_ =	swait.ge [sflag:s21], $0x2800  }
0x82: {  	s9 =	sshrl.u32 s7, $0x3;
	[sflag:s21] =	ssyncset.done $0x0  }
0x83: {  	s9 =	sadd.s32 s6, s9;
	[sflag:s21] =	ssyncadd.s32 $0xFFFFD800  }
0x84: {  	[hbm4b:s9+s22] =	stream.strided.scatter [tilespmem:s24], [sflag:$0x1], $0x2800, s23, s22, $0x38;
	[tilespmem:$0x1CC00] =	vst v63  }
0x85: {  	_ =	swait.ge [sflag:s29], $0x2800  }
0x86: {  	[sflag:s29] =	ssyncset.done $0x0  }
.Ltmp1:
0x87: {  	s9 =	sadd.s32 $0x80, s5;
	[sflag:s29] =	ssyncadd.s32 $0xFFFFD800;
	(pc) =	sbr.rel @p0 .LBB2_4-.Ltmp1, $4  }
0x88: {  	[tilespmem:s25], [sflag:$0x3] =	stream.indirect.gather [spmem:s2], $0x80, s9, s28, $0xb8;
	[tilespmem:$0x1CC00] =	vst v63  }
0x89: {  	_ =	swait.ge [sflag:s21], $0x2800  }
0x8a: {  	s5 =	sadd.s32 $0x100, s5;
	[sflag:s21] =	ssyncset.done $0x0  }
0x8b: {  	s7 =	sadd.s32 $0xA000, s7;
	s8 =	sadd.s32 s8, s19;
	[sflag:s21] =	ssyncadd.s32 $0xFFFFD800  }
0x8c: {  	[hbm4b:s8+s22] =	stream.strided.scatter [tilespmem:s25], [sflag:$0x2], $0x2800, s23, s22, $0x38;
	[tilespmem:$0x1CC00] =	vst v63  }
0x8d: {  	_ =	swait.ge [sflag:s26], $0x2800  }
0x8e: {  	[sflag:s26] =	ssyncset.done $0x0  }
0x8f: {  	[sflag:s26] =	ssyncadd.s32 $0xFFFFD800  }
0x90: {  	[tilespmem:s24], [sflag:$0x3] =	stream.indirect.gather [spmem:s2], $0x80, s0, s28, $0xb8;
	[tilespmem:$0x1CC00] =	vst v63  }
0x91: {  	_ =	swait.ge [sflag:s21], $0x2800  }
0x92: {  	[sflag:s21] =	ssyncset.done $0x0  }
0x93: {  	s3 =	sadd.s32 $0x1, s3;
	[sflag:s21] =	ssyncadd.s32 $0xFFFFD800  }
0x94: {  	[hbm4b:s12+s22] =	stream.strided.scatter [tilespmem:s24], [sflag:$0x1], $0x2800, s23, s22, $0x38;
	[tilespmem:$0x1CC00] =	vst v63  }
0x95: {  	p0 =	sne.s32 s3, s13;
	_ =	swait.ge [sflag:s26], $0x2800  }
.Ltmp2:
0x96: {  	[sflag:s26] =	ssyncset.done $0x0;
	(pc) =	sbr.rel @p0 .LBB2_1-.Ltmp2, $4  }
0x97: {  	[sflag:s26] =	ssyncadd.s32 $0xFFFFD800  }
0x98: {  	_ =	swait.ge [sflag:s29], $0x2800  }
0x99: {  	[sflag:s29] =	ssyncset.done $0x0  }
0x9a: {  	[sflag:s29] =	ssyncadd.s32 $0xFFFFD800  }
0x9b: {  	_ =	sfence.sel $0x180000  }
0x9c: {  	[bflag:$0x0] =	sbarrier.arrive $0xFFFF  }
0x9d: {  	_ =	strace $0x9000004D  }
0x9e: {  	s0 =	stileid.u32;
	[bflag:$0x2] =	sbarrier.arrive $0xFFFF  }
0x9f: {  	p0 =	sne.s32 s0, $0x0;
	s0 =	rddreg [dreg:$0x2]  }
0xa0: {  	s0 =	sadd.s32 @!p0 $0x100000, s0  }
0xa1: {  	[sflag:s0] =	ssyncadd.tile.s32 @!p0 $0x1;
	_ =	shalt  }
.Lfunc_end2:
_tile_overlayer_lowered:
.L_overlay_start_2:
0xa2: {  	(tag) =	ssettag $0x2  }
0xa3: {  	s0 =	rddreg [dreg:$0x0];
	s2 =	stileid.u32  }
0xa4: {  	s1 =	rddreg [dreg:$0x1];
	p0 =	sne.s32 s2, $0x0  }
0xa5: {  	s3 =	rddreg [dreg:$0x2];
	[bflag:$0x3] =	sbarrier.arrive $0xFFFF;
	s2 =	simm.s32 @!p0 $0x1C03  }
0xa6: {  	[timem:s3], [sflag:s2] =	dma.local @!p0 [hbm:s0], s1  }
0xa7: {  	s0 =	simm.s32 @!p0 $0x3  }
0xa8: {  	_ =	swait.ge @!p0 [sflag:s0], s1  }
0xa9: {  	s1 =	ssub.s32 @!p0 $0x0, s1;
	[sflag:s0] =	ssyncset.done @!p0 $0x0  }
0xaa: {  	[sflag:s0] =	ssyncadd.s32 @!p0 s1  }
0xab: {  	[bflag:$0x3] =	sbarrier.arrive $0xFFFF  }
0xac: {  	_ =	shalt  }

// kernel: kernel.20.cloned.1.call-start
scs
__scs_entry_jumppad:
0x0: {  	(pc) =	sbr.rel $0x88, $3  }
0x1: {  	(tag) =	ssettag $0x0;
	lr =	simm.s32 $0x1  }
0x2: {  	[smem:$0x3F9A] =	sst lr;
	_ =	strace $0xD0000000  }
0x3: {  	_ = 	snop  }
0x4: {  	_ = 	snop  }
0x5: {  	_ = 	snop  }
0x6: {  	_ = 	snop  }
0x7: {  	_ = 	snop  }
__scs_overlays_trampoline_lowered:
0x8: {  	[smem:$0x3FA9] =	sst s0  }
0x9: {  	[smem:$0x3FAA] =	sst s1  }
0xa: {  	[smem:$0x3FAB] =	sst s2  }
0xb: {  	[smem:$0x3FAC] =	sst s3  }
0xc: {  	[smem:$0x3FAD] =	sst s4  }
0xd: {  	[smem:$0x3FAE] =	sst s5  }
0xe: {  	[smem:$0x3FAF] =	sst s6  }
0xf: {  	[smem:$0x3FB0] =	sst s7  }
0x10: {  	[smem:$0x3FB1] =	sst s8  }
0x11: {  	[smem:$0x3FB2] =	sst s9;
	s0 =	simm.s32 @!p0 $0x0  }
0x12: {  	s1 =	sld [smem:$0x3F98];
	s0 =	simm.s32 @p0 $0x1  }
0x13: {  	[smem:$0x3FB3] =	sst s0;
	s0 =	simm.s32 @!p1 $0x0  }
0x14: {  	s2 =	sld [smem:$0x3F97];
	s0 =	simm.s32 @p1 $0x1  }
0x15: {  	[smem:$0x3FB4] =	sst s0;
	s0 =	simm.s32 @!p2 $0x0  }
0x16: {  	s3 =	sld [smem:$0x3FDB];
	s0 =	simm.s32 @p2 $0x1  }
0x17: {  	s4 =	simm.s32 $0x1BF5;
	[smem:$0x3FB6] =	sst s0  }
0x18: {  	s0 =	sld [smem:$0x3F99];
	_ =	swait.ge [sflag:s4], $0x0  }
0x19: {  	s7 =	sld [smem:$0x3F9A]  }
0x1a: {  	s8 =	sadd.s32 $0xFFFFE003, lr  }
0x1b: {  	s9 =	sadd.s32 $0xFFFFFEF7, lr;
	s5 =	simm.s32 $0xFFFFFFFF;
	p2 =	slt.u32 s8, $0xFFFFF086  }
0x1c: {  	p1 =	slt.u32 s9, $0xF7A;
	s5 =	simm.s32 @!p2 $0x0  }
0x1d: {  	s5 =	simm.s32 @p1 $0x1;
	p0 =	seq.s32 s7, s2  }
0x1e: {  	s7 =	smul.u32 @!p0 $0xF7A, s2;
	p2 =	seq.s32 @!p0 s5, $0x0  }
0x1f: {  	s9 =	smul.u32 $0xF7A, s1;
	s8 =	simm.s32 @!p0 $0x1BF5;
	p2 =	por !p2, p0  }
0x20: {  	[sflag:s8] =	ssyncset.s32 @!p0 $0xFFFFF086;
	s6 =	sadd.s32 @!p0 s3, s7;
	s7 =	simm.s32 @!p0 $0x108  }
0x21: {  	s3 =	sadd.s32 s3, s9;
	s6 =	sadd.s32 @!p0 $0x88, s6;
	s7 =	simm.s32 @p2 $0x1082  }
0x22: {  	[simem:s7], [sflag:s8] =	dma.local @!p0 [hbm:s6], $0xF7A  }
0x23: {  	s9 =	sor.u32 $0xD0000000, s2;
	s6 =	simm.s32 $0x108;
	_ =	swait.ge @!p0 [sflag:s8], $0x0  }
0x24: {  	s3 =	sadd.s32 $0x88, s3;
	s6 =	simm.s32 @!p1 $0x1082;
	[sflag:s4] =	ssyncset.s32 $0xFFFFF086  }
0x25: {  	[simem:s6], [sflag:s4] =	dma.local [hbm:s3], $0xF7A  }
0x26: {  	[smem:$0x3F9A] =	sst s1;
	(tag) =	ssettag s2;
	_ =	strace s9  }
0x27: {  	s1 =	sld [smem:$0x3FAA]  }
0x28: {  	s2 =	sld [smem:$0x3FAB]  }
0x29: {  	s4 =	sld [smem:$0x3FAD]  }
0x2a: {  	p0 =	seq.s32 s5, $0x0;
	s5 =	sld [smem:$0x3FAE]  }
0x2b: {  	s6 =	sld [smem:$0x3FAF]  }
0x2c: {  	s7 =	sld [smem:$0x3FB0]  }
0x2d: {  	s3 =	simm.s32 $0x108;
	s8 =	sld [smem:$0x3FB1]  }
0x2e: {  	s3 =	simm.s32 @!p0 $0x1082;
	s9 =	sld [smem:$0x3FB2]  }
0x2f: {  	lr =	sadd.s32 s0, s3;
	s0 =	sld [smem:$0x3FA9]  }
0x30: {  	s3 =	sld [smem:$0x3FAC]  }
0x31: {  	[smem:$0x3FB5] =	sst s10  }
0x32: {  	s10 =	sld [smem:$0x3FB3];
	_ =	sdelay $0x3  }
0x33: {  	p0 =	seq.s32 s10, $0x1;
	s10 =	sld [smem:$0x3FB5];
	_ =	sdelay $0x3  }
0x34: {  	[smem:$0x3FB5] =	sst s10  }
0x35: {  	s10 =	sld [smem:$0x3FB4];
	_ =	sdelay $0x3  }
0x36: {  	p1 =	seq.s32 s10, $0x1;
	s10 =	sld [smem:$0x3FB5];
	_ =	sdelay $0x3  }
0x37: {  	[smem:$0x3FB5] =	sst s10  }
0x38: {  	s10 =	sld [smem:$0x3FB6]  }
0x39: {  	_ = 	snop;
	(pc) =	sbr.ind lr, $3  }
0x3a: {  	_ = 	snop  }
0x3b: {  	_ = 	snop  }
0x3c: {  	p2 =	seq.s32 s10, $0x1;
	s10 =	sld [smem:$0x3FB5]  }
0x3d: {  	_ =	shalt  }
0x3e: {  	_ =	shalt  }
0x3f: {  	_ =	shalt  }
0x40: {  	_ =	shalt  }
0x41: {  	_ =	shalt  }
0x42: {  	_ =	shalt  }
0x43: {  	_ =	shalt  }
0x44: {  	_ =	shalt  }
0x45: {  	_ =	shalt  }
0x46: {  	_ =	shalt  }
0x47: {  	_ =	shalt  }
0x48: {  	_ =	shalt  }
0x49: {  	_ =	shalt  }
0x4a: {  	_ =	shalt  }
0x4b: {  	_ =	shalt  }
0x4c: {  	_ =	shalt  }
0x4d: {  	_ =	shalt  }
0x4e: {  	_ =	shalt  }
0x4f: {  	_ =	shalt  }
0x50: {  	_ =	shalt  }
0x51: {  	_ =	shalt  }
0x52: {  	_ =	shalt  }
0x53: {  	_ =	shalt  }
0x54: {  	_ =	shalt  }
0x55: {  	_ =	shalt  }
0x56: {  	_ =	shalt  }
0x57: {  	_ =	shalt  }
0x58: {  	_ =	shalt  }
0x59: {  	_ =	shalt  }
0x5a: {  	_ =	shalt  }
0x5b: {  	_ =	shalt  }
0x5c: {  	_ =	shalt  }
0x5d: {  	_ =	shalt  }
0x5e: {  	_ =	shalt  }
0x5f: {  	_ =	shalt  }
0x60: {  	_ =	shalt  }
0x61: {  	_ =	shalt  }
0x62: {  	_ =	shalt  }
0x63: {  	_ =	shalt  }
0x64: {  	_ =	shalt  }
0x65: {  	_ =	shalt  }
0x66: {  	_ =	shalt  }
0x67: {  	_ =	shalt  }
0x68: {  	_ =	shalt  }
0x69: {  	_ =	shalt  }
0x6a: {  	_ =	shalt  }
0x6b: {  	_ =	shalt  }
0x6c: {  	_ =	shalt  }
0x6d: {  	_ =	shalt  }
0x6e: {  	_ =	shalt  }
0x6f: {  	_ =	shalt  }
0x70: {  	_ =	shalt  }
0x71: {  	_ =	shalt  }
0x72: {  	_ =	shalt  }
0x73: {  	_ =	shalt  }
0x74: {  	_ =	shalt  }
0x75: {  	_ =	shalt  }
0x76: {  	_ =	shalt  }
0x77: {  	_ =	shalt  }
0x78: {  	_ =	shalt  }
0x79: {  	_ =	shalt  }
0x7a: {  	_ =	shalt  }
0x7b: {  	_ =	shalt  }
0x7c: {  	_ =	shalt  }
0x7d: {  	_ =	shalt  }
0x7e: {  	_ =	shalt  }
0x7f: {  	_ =	shalt  }
0x80: {  	_ =	shalt  }
0x81: {  	_ =	shalt  }
0x82: {  	_ =	shalt  }
0x83: {  	_ =	shalt  }
0x84: {  	_ =	shalt  }
0x85: {  	_ =	shalt  }
0x86: {  	_ =	shalt  }
0x87: {  	_ =	shalt  }
.Lfunc_end0:
.L_simem_size_0:
called_computation.3_lowered:
.L_overlay_start_0:
0x88: {  	s2 =	sld [smem:$0x3FD9]  }
0x89: {  	s3 =	sld [smem:$0x3FFE];
	_ =	sdelay $0x1  }
0x8a: {  	s1 =	srdreg.scid  }
0x8b: {  	s0 =	sand.u32 $0x1, s1  }
0x8c: {  	s16 =	sshll.u32 s0, $0xA;
	s2 =	sadd.s32 s3, s2  }
0x8d: {  	s2 =	sadd.s32 s2, s16  }
0x8e: {  	[smem:$0x3FC1] =	sst s2  }
0x8f: {  	_ = 	snop  }
0x90: {  	(tm) =	ssettm $0x1  }
0x91: {  	s17 =	sld [smem:$0x3FFB];
	_ =	sdelay $0x3  }
0x92: {  	_ =	strace s17  }
0x93: {  	s2 =	sld [smem:$0x3FFC];
	_ =	sdelay $0x3  }
0x94: {  	_ =	strace s2  }
0x95: {  	s2 =	sld [smem:$0x3FFD];
	_ =	sdelay $0x3  }
0x96: {  	_ =	strace s2  }
0x97: {  	_ =	strace $0x8FFFFFFF  }
0x98: {  	s18 =	sld [smem:$0x3FDB];
	_ =	sdelay $0x1  }
0x99: {  	s19 =	simm.s32 $_scs_section_size  }
0x9a: {  	s4 =	simm.s32 $_size__tile_overlayer_lowered;
	s5 =	simm.s32 $_tile_overlayer_lowered  }
0x9b: {  	s22 =	simm.s32 $0x1BFF;
	s21 =	sshll.u32 s5, $0x1;
	s2 =	sadd.s32 s19, s18  }
0x9c: {  	s6 =	simm.s32 $0x0;
	s20 =	sshll.u32 s4, $0x1;
	s4 =	sadd.s32 s21, s2  }
0x9d: {  	[timem:s6], [sflag:s22] =	dma.local [hbm:s4], s20  }
0x9e: {  	_ =	swait.ge [sflag:s22], s20  }
0x9f: {  	s3 =	ssub.s32 $0x0, s20;
	[sflag:s22] =	ssyncset.done $0x0  }
0xa0: {  	[sflag:s22] =	ssyncadd.s32 s3;
	_ =	sdelay $0x1  }
0xa1: {  	s23 =	simm.s32 $0x1B8B  }
0xa2: {  	_ =	swait.ge [sflag:s23], $0x1  }
0xa3: {  	[sflag:s23] =	ssyncset.done $0x0  }
0xa4: {  	s25 =	simm.s32 $0x1B8E;
	s24 =	sld [smem:$0x3FFE];
	[sflag:s23] =	ssyncadd.s32 $0xFFFFFFFF  }
0xa5: {  	s26 =	simm.s32 $execute0_lowered;
	[smem:$0x3FD2] =	sst s25  }
0xa6: {  	s4 =	sshll.u32 s26, $0x1;
	_ =	strace $0x8000004F;
	[dreg:$0x1] =	wrdreg $0xFFFFFFFF  }
0xa7: {  	s28 =	simm.s32 $_size_execute0_lowered;
	s2 =	sadd.s32 s2, s4;
	[dreg:$0x0] =	wrdreg $0x0  }
0xa8: {  	s4 =	sshll.u32 s28, $0x1;
	[dreg:$0x2] =	wrdreg s2  }
0xa9: {  	[dreg:$0x3] =	wrdreg s4  }
0xaa: {  	[dreg:$0x4] =	wrdreg $0xC0  }
0xab: {  	_ =	task [dreg:s6], $0x5FFFF  }
0xac: {  	[dreg:$0x1] =	wrdreg $0xFFFFFFFF  }
0xad: {  	[dreg:$0x0] =	wrdreg $0x60  }
0xae: {  	[dreg:$0x2] =	wrdreg s24  }
0xaf: {  	[dreg:$0x3] =	wrdreg $0x90000  }
0xb0: {  	[dreg:$0x4] =	wrdreg $0x9  }
0xb1: {  	_ =	task.clear_ibuf [dreg:s6], $0x5FFFF;
	_ =	strace $0x9000004F  }
0xb2: {  	s29 =	simm.s32 $0x9;
	_ =	strace $0x80000051  }
0xb3: {  	_ =	swait.ge [sflag:s29], $0x1  }
0xb4: {  	[sflag:s29] =	ssyncadd.s32 $0xFFFFFFFF  }
0xb5: {  	_ =	strace $0x90000051  }
0xb6: {  	_ =	sfence  }
0xb7: {  	s30 =	sld [smem:$0x0];
	_ =	sdelay $0x2  }
0xb8: {  	s31 =	sshll.u32 s1, $0xD;
	s1 =	sshrl.u32 s1, $0x2  }
0xb9: {  	s3 =	sand.u32 $0x4000, s31;
	s1 =	sadd.s32 s1, s30  }
0xba: {  	s0 =	sor.u32 s3, s0;
	s1 =	sshll.u32 s1, $0x11  }
0xbb: {  	s0 =	sor.u32 s1, s0  }
0xbc: {  	s0 =	sadd.s32 $0x8F2B, s0  }
0xbd: {  	[sflag:s0] =	ssyncadd.remote.s32 $0x1  }
0xbe: {  	_ =	sfence.sel $0xFFFF  }
0xbf: {  	[dreg:$0x0] =	wrdreg $0xFFFFFFFF;
	(pc) =	sbr.abs _section_cstart, $3  }
0xc0: {  	[dreg:$0x1] =	wrdreg $0xFFFFFFFF  }
0xc1: {  	_ =	task.clear_ibuf [dreg:s6], $0x2FFFF;
	_ =	strace $0x9FFFFFFF  }
0xc2: {  	(tm) =	ssettm $0x7FFFFFFF  }
0xc3: {  	_ =	shalt  }
tec
execute0_lowered:
.L_overlay_start_1:
0x0: {  	(tag) =	ssettag $0x1  }
0x1: {  	s0 =	rddreg [dreg:$0x0]  }
0x2: {  	s1 =	rddreg [dreg:$0x1]  }
0x3: {  	s2 =	simm.s32 $0x0;
	s25 =	stileid.u32;
	s19 =	srdreg.scid  }
0x4: {  	s18 =	simm.s32 $0x3;
	s30 =	simm.s32 $0x3E00;
	s31 =	simm.s32 $0x0  }
0x5: {  	[smem:$0x7FF] =	sst s2;
	s4 =	sadd.s32 $0xC4B400, s0;
	s7 =	smul.u32 $0x4F000, s25  }
0x6: {  	s3 =	sshll.u32 s25, $0xB;
	s2 =	sand.u32 $0x1, s19;
	s21 =	smul.u32 $0x271000, s25  }
0x7: {  	s5 =	sadd.s32 $0x282C00, s0;
	s22 =	sshll.u32 s25, $0x6;
	s11 =	smul.u32 $0x27800, s25  }
0x8: {  	s19 =	simm.s32 $0x400;
	p0 =	seq.s32 s25, $0xF;
	_ =	strace $0x80000050  }
0x9: {  	s3 =	sadd.s32 s3, s0;
	s6 =	ssub.s32 $0x2, s2;
	s0 =	sadd.s32 $0x11C00, s0  }
0xa: {  	s10 =	sshll.u32 s2, $0xA;
	s2 =	sshll.u32 s2, $0x7;
	s8 =	sshrl.u32 s6, $0x1  }
0xb: {  	s20 =	sshrl.u32 s7, $0x2;
	s7 =	sor.u32 $0x1C03, s22;
	s16 =	sor.u32 s10, s21  }
0xc: {  	s11 =	sor.u32 s10, s11;
	s21 =	simm.s32 $0x4000;
	s22 =	simm.s32 $0x6800  }
0xd: {  	s13 =	ssub.s32 s6, s8;
	s6 =	sadd.s32 s20, s1;
	s8 =	sadd.s32 $0x1C00, s3  }
0xe: {  	s23 =	sshrl.u32 s16, $0x3;
	s12 =	sadd.s32 $0x5000, s16;
	s26 =	sshrl.u32 s11, $0x3  }
0xf: {  	s3 =	sadd.s32 $0x128400, s1;
	s28 =	sadd.s32 $0x26C000, s16;
	s29 =	sadd.s32 $0xF000, s16  }
0x10: {  	s16 =	sadd.s32 $0xA000, s16;
	s20 =	simm.s32 $0x800;
	s9 =	sadd.s32 s4, s23  }
0x11: {  	s24 =	sshrl.u32 s12, $0x3;
	s11 =	sadd.s32 s0, s26;
	s0 =	sadd.s32 s2, s0  }
0x12: {  	s13 =	smax.u32 s13, $0x1;
	s2 =	sshrl.u32 s29, $0x3;
	s17 =	sshrl.u32 s6, $0x3  }
0x13: {  	s23 =	simm.s32 $0x1;
	s25 =	sshrl.u32 @p0 s3, $0x3;
	s26 =	simm.s32 $0x2  }
0x14: {  	s10 =	sadd.s32 s4, s24;
	s12 =	sadd.s32 $0x4A100, s0;
	s0 =	sshrl.u32 s28, $0x3  }
0x15: {  	s15 =	sadd.s32 s2, s4;
	s24 =	simm.s32 $0x50;
	s14 =	sadd.s32 s4, s0  }
.LBB2_1:
0x16: {  	[spmem:s17], [sflag:s7] =	dma.local [hbm:s5], $0x2780  }
0x17: {  	_ =	swait.ge [sflag:s18], $0x2780  }
0x18: {  	[sflag:s18] =	ssyncset.done $0x0  }
0x19: {  	s0 =	simm.s32 $0x0;
	[sflag:s18] =	ssyncadd.s32 $0xFFFFD880  }
0x1a: {  	[tilespmem:s0], [sflag:$0x3] =	stream.linear.gather [hbm4b:s8+s0], $0x3E80, $0x38;
	[tilespmem:$0x1CC00] =	vst v63  }
0x1b: {  	_ =	swait.ge [sflag:s18], $0x3E80  }
0x1c: {  	[sflag:s18] =	ssyncset.done $0x0  }
0x1d: {  	[sflag:s18] =	ssyncadd.s32 $0xFFFFC180  }
0x1e: {  	[bflag:$0x0] =	sbarrier.arrive $0xFFFF  }
0x1f: {  	[tilespmem:s21], [sflag:$0x1] =	stream.strided.gather [hbm4b:s9+s19], $0x2800, s20, s19, $0x38;
	[tilespmem:$0x1CC00] =	vst v63  }
0x20: {  	_ = 	snop  }
0x21: {  	[tilespmem:s22], [sflag:$0x2] =	stream.strided.gather [hbm4b:s10+s19], $0x2800, s20, s19, $0x38;
	[tilespmem:$0x1CC00] =	vst v63  }
0x22: {  	_ =	swait.ge [sflag:s23], $0x2800  }
0x23: {  	[sflag:s23] =	ssyncset.done $0x0  }
0x24: {  	s2 =	simm.s32 $0x0;
	[sflag:s23] =	ssyncadd.s32 $0xFFFFD800  }
0x25: {  	[spmem:s1] =	stream.indirect.scatter.add.f32 [tilespmem:s21], [sflag:$0x3], $0x80, s2, s24, $0xb8;
	[tilespmem:$0x1CC00] =	vst v63  }
0x26: {  	_ =	swait.ge [sflag:s18], $0x2800  }
0x27: {  	s3 =	sshrl.u32 s16, $0x3;
	[sflag:s18] =	ssyncset.done $0x0  }
0x28: {  	s0 =	sadd.s32 s4, s3;
	[sflag:s18] =	ssyncadd.s32 $0xFFFFD800  }
0x29: {  	[tilespmem:s21], [sflag:$0x1] =	stream.strided.gather [hbm4b:s0+s19], $0x2800, s20, s19, $0x38;
	[tilespmem:$0x1CC00] =	vst v63  }
0x2a: {  	_ =	swait.ge [sflag:s26], $0x2800  }
0x2b: {  	[sflag:s26] =	ssyncset.done $0x0  }
0x2c: {  	s29 =	simm.s32 $0x80;
	[sflag:s26] =	ssyncadd.s32 $0xFFFFD800  }
0x2d: {  	[spmem:s1] =	stream.indirect.scatter.add.f32 [tilespmem:s22], [sflag:$0x3], $0x80, s29, s24, $0xb8;
	[tilespmem:$0x1CC00] =	vst v63  }
0x2e: {  	_ =	swait.ge [sflag:s18], $0x2800  }
0x2f: {  	s28 =	sadd.s32 $0x0, s15;
	s3 =	simm.s32 $0x180;
	[sflag:s18] =	ssyncset.done $0x0  }
0x30: {  	s2 =	sadd.s32 $0xA000, s16;
	s0 =	simm.s32 $0x1400;
	[sflag:s18] =	ssyncadd.s32 $0xFFFFD800  }
.LBB2_2:
0x31: {  	[tilespmem:s22], [sflag:$0x2] =	stream.strided.gather [hbm4b:s28+s19], $0x2800, s20, s19, $0x38;
	[tilespmem:$0x1CC00] =	vst v63  }
0x32: {  	s28 =	smov.u32 s0  }
0x33: {  	p1 =	sne.s32 s0, $0x4B000;
	s0 =	sadd.s32 $0x1400, s0;
	_ =	swait.ge [sflag:s23], $0x2800  }
0x34: {  	[sflag:s23] =	ssyncset.done $0x0  }
0x35: {  	s29 =	sadd.s32 $0xFFFFFF80, s3;
	[sflag:s23] =	ssyncadd.s32 $0xFFFFD800  }
0x36: {  	[spmem:s1] =	stream.indirect.scatter.add.f32 [tilespmem:s21], [sflag:$0x3], $0x80, s29, s24, $0xb8;
	[tilespmem:$0x1CC00] =	vst v63  }
0x37: {  	_ =	swait.ge [sflag:s18], $0x2800  }
0x38: {  	s29 =	sshrl.u32 s2, $0x3;
	[sflag:s18] =	ssyncset.done $0x0  }
0x39: {  	s29 =	sadd.s32 s4, s29;
	[sflag:s18] =	ssyncadd.s32 $0xFFFFD800  }
0x3a: {  	[tilespmem:s21], [sflag:$0x1] =	stream.strided.gather [hbm4b:s29+s19], $0x2800, s20, s19, $0x38;
	[tilespmem:$0x1CC00] =	vst v63  }
0x3b: {  	_ =	swait.ge [sflag:s26], $0x2800  }
0x3c: {  	[sflag:s26] =	ssyncset.done $0x0  }
.Ltmp0:
0x3d: {  	[sflag:s26] =	ssyncadd.s32 $0xFFFFD800;
	(pc) =	sbr.rel @p1 .LBB2_2-.Ltmp0, $4  }
0x3e: {  	[spmem:s1] =	stream.indirect.scatter.add.f32 [tilespmem:s22], [sflag:$0x3], $0x80, s3, s24, $0xb8;
	[tilespmem:$0x1CC00] =	vst v63  }
0x3f: {  	_ =	swait.ge [sflag:s18], $0x2800  }
0x40: {  	s2 =	sadd.s32 $0xA000, s2;
	[sflag:s18] =	ssyncset.done $0x0  }
0x41: {  	s28 =	sadd.s32 s28, s15;
	s3 =	sadd.s32 $0x100, s3;
	[sflag:s18] =	ssyncadd.s32 $0xFFFFD800  }
0x42: {  	[tilespmem:s22], [sflag:$0x2] =	stream.strided.gather [hbm4b:s28+s19], $0x2800, s20, s19, $0x38;
	[tilespmem:$0x1CC00] =	vst v63  }
0x43: {  	_ =	swait.ge [sflag:s23], $0x2800  }
0x44: {  	[sflag:s23] =	ssyncset.done $0x0  }
0x45: {  	s0 =	simm.s32 $0x3D00;
	[sflag:s23] =	ssyncadd.s32 $0xFFFFD800  }
0x46: {  	[spmem:s1] =	stream.indirect.scatter.add.f32 [tilespmem:s21], [sflag:$0x3], $0x80, s0, s24, $0xb8;
	[tilespmem:$0x1CC00] =	vst v63  }
0x47: {  	_ =	swait.ge [sflag:s18], $0x2800  }
0x48: {  	[sflag:s18] =	ssyncset.done $0x0  }
0x49: {  	[sflag:s18] =	ssyncadd.s32 $0xFFFFD800  }
0x4a: {  	[tilespmem:s21], [sflag:$0x1] =	stream.strided.gather [hbm4b:s14+s19], $0x2800, s20, s19, $0x38;
	[tilespmem:$0x1CC00] =	vst v63  }
0x4b: {  	_ =	swait.ge [sflag:s26], $0x2800  }
0x4c: {  	[sflag:s26] =	ssyncset.done $0x0  }
0x4d: {  	s29 =	simm.s32 $0x3D80;
	[sflag:s26] =	ssyncadd.s32 $0xFFFFD800  }
0x4e: {  	[spmem:s1] =	stream.indirect.scatter.add.f32 [tilespmem:s22], [sflag:$0x3], $0x80, s29, s24, $0xb8;
	[tilespmem:$0x1CC00] =	vst v63  }
0x4f: {  	_ =	swait.ge [sflag:s18], $0x2800  }
0x50: {  	[sflag:s18] =	ssyncset.done $0x0  }
0x51: {  	[sflag:s18] =	ssyncadd.s32 $0xFFFFD800  }
0x52: {  	_ =	swait.ge [sflag:s23], $0x2800  }
0x53: {  	[sflag:s23] =	ssyncset.done $0x0  }
0x54: {  	[sflag:s23] =	ssyncadd.s32 $0xFFFFD800  }
0x55: {  	[spmem:s1] =	stream.indirect.scatter.add.f32 [tilespmem:s21], [sflag:$0x3], $0x80, s30, s24, $0xb8;
	[tilespmem:$0x1CC00] =	vst v63  }
0x56: {  	_ =	swait.ge [sflag:s18], $0x2800  }
0x57: {  	[sflag:s18] =	ssyncset.done $0x0  }
0x58: {  	s2 =	simm.s32 @p0 $0x100;
	[sflag:s18] =	ssyncadd.s32 $0xFFFFD800  }
0x59: {  	s3 =	simm.s32 @p0 $0x80;
	s0 =	simm.s32 @p0 $0x8;
	[bflag:$0x0] =	sbarrier.arrive $0xFFFF  }
0x5a: {  	[hbm:s12@s2], [sflag:s7] =	dma.strided @p0 [spmem:s25@s3], $0x2080, s0, $0x10   }
0x5b: {  	s0 =	simm.s32 @p0 $0x3  }
0x5c: {  	s28 =	simm.s32 @!p0 $0x80;
	s31 =	sadd.s32 $0x1, s31;
	_ =	swait.ge @p0 [sflag:s0], $0x2080  }
0x5d: {  	p1 =	sne.s32 s31, s13;
	s2 =	simm.s32 @!p0 $0x8;
	[sflag:s0] =	ssyncset.done @p0 $0x0  }
0x5e: {  	s3 =	simm.s32 @!p0 $0x100;
	[sflag:s0] =	ssyncadd.s32 @p0 $0xFFFFDF80;
	s0 =	sshrl.u32 @!p0 s6, $0x3  }
0x5f: {  	[hbm:s11@s3], [sflag:s7] =	dma.strided @!p0 [spmem:s0@s28], $0x2780, s2, $0x10   }
.Ltmp1:
0x60: {  	_ = 	snop;
	(pc) =	sbr.rel @p1 .LBB2_1-.Ltmp1, $4  }
0x61: {  	s0 =	simm.s32 @!p0 $0x3  }
0x62: {  	_ =	swait.ge @!p0 [sflag:s0], $0x2780  }
0x63: {  	[sflag:s0] =	ssyncset.done @!p0 $0x0  }
0x64: {  	[sflag:s0] =	ssyncadd.s32 @!p0 $0xFFFFD880  }
0x65: {  	_ =	sfence.sel $0x180000  }
0x66: {  	[bflag:$0x0] =	sbarrier.arrive $0xFFFF  }
0x67: {  	_ =	strace $0x90000050  }
0x68: {  	s0 =	stileid.u32;
	[bflag:$0x2] =	sbarrier.arrive $0xFFFF  }
0x69: {  	p0 =	sne.s32 s0, $0x0;
	s0 =	rddreg [dreg:$0x2]  }
0x6a: {  	s0 =	sadd.s32 @!p0 $0x100000, s0  }
0x6b: {  	[sflag:s0] =	ssyncadd.tile.s32 @!p0 $0x1;
	_ =	shalt  }
.Lfunc_end2:
_tile_overlayer_lowered:
.L_overlay_start_2:
0x6c: {  	(tag) =	ssettag $0x2  }
0x6d: {  	s0 =	rddreg [dreg:$0x0];
	s2 =	stileid.u32  }
0x6e: {  	s1 =	rddreg [dreg:$0x1];
	p0 =	sne.s32 s2, $0x0  }
0x6f: {  	s3 =	rddreg [dreg:$0x2];
	[bflag:$0x3] =	sbarrier.arrive $0xFFFF;
	s2 =	simm.s32 @!p0 $0x1C03  }
0x70: {  	[timem:s3], [sflag:s2] =	dma.local @!p0 [hbm:s0], s1  }
0x71: {  	s0 =	simm.s32 @!p0 $0x3  }
0x72: {  	_ =	swait.ge @!p0 [sflag:s0], s1  }
0x73: {  	s1 =	ssub.s32 @!p0 $0x0, s1;
	[sflag:s0] =	ssyncset.done @!p0 $0x0  }
0x74: {  	[sflag:s0] =	ssyncadd.s32 @!p0 s1  }
0x75: {  	[bflag:$0x3] =	sbarrier.arrive $0xFFFF  }
0x76: {  	_ =	shalt  }

</sc_bundles>
